<compile_context>
chip_gen: v7x
topology: tpu7x:2x2x1
jax: 0.10.2.dev20260603
libtpu: 0.0.44.dev20260713+nightly
codegen_flags: <defaults>
</compile_context>

<pallas_src>
import functools
import jax
import jax.numpy as jnp
from jax import lax
from jax.experimental import pallas as pl
from jax.experimental.pallas import tpu as pltpu
from jax.experimental.pallas import tpu_sc as plsc

N = 16384
B = 16
TILE = 2048
GRID = N // TILE
Z128 = 128
LANES = 16
NSUB = 16
CHUNK = N // NSUB


def _tc_body(z_ref, pos_ref, emb_ref, Wp_ref, W1_ref, b1_ref, W2_ref,
             b2_ref, xa_ref):
    zc = z_ref[0]
    lane = lax.broadcasted_iota(jnp.int32, (TILE, Z128), 1)
    oh_z = (zc == lane).astype(jnp.float32)
    e = jnp.dot(oh_z, emb_ref[...], preferred_element_type=jnp.float32)
    x = e + jnp.dot(pos_ref[...], Wp_ref[...],
                    preferred_element_type=jnp.float32)
    hpre = (jnp.dot(x, W1_ref[...], preferred_element_type=jnp.float32)
            + b1_ref[...])
    h = hpre * jax.nn.sigmoid(hpre)
    xa = jnp.dot(h, W2_ref[...], preferred_element_type=jnp.float32)
    xa_row = jnp.reshape(xa, (1, TILE)) + b2_ref[...]
    for r in range(TILE // 128):
        xa_ref[r, :] = xa_row[0, r * 128:(r + 1) * 128]


def _tc_energies(z, pos, emb, Wp, W1, b1, W2, b2):
    D = emb.shape[1]
    H = W1.shape[1]
    emb_p = jnp.pad(emb, ((0, Z128 - emb.shape[0]), (0, 0)))
    pos_p = jnp.pad(pos, ((0, 0), (0, 5)))
    Wp_p = jnp.pad(Wp, ((0, 5), (0, 0)))
    z_in = z.reshape(GRID, TILE, 1).astype(jnp.int32)
    b1r = b1.reshape(1, H)
    b2r = b2.reshape(1, 1)

    return pl.pallas_call(
        _tc_body,
        grid=(GRID,),
        in_specs=[
            pl.BlockSpec((1, TILE, 1), lambda i: (i, 0, 0)),
            pl.BlockSpec((TILE, 8), lambda i: (i, 0)),
            pl.BlockSpec((Z128, D), lambda i: (0, 0)),
            pl.BlockSpec((8, D), lambda i: (0, 0)),
            pl.BlockSpec((D, H), lambda i: (0, 0)),
            pl.BlockSpec((1, H), lambda i: (0, 0)),
            pl.BlockSpec((H, 1), lambda i: (0, 0)),
            pl.BlockSpec((1, 1), lambda i: (0, 0)),
        ],
        out_specs=pl.BlockSpec((TILE // 128, 128), lambda i: (i, 0)),
        out_shape=jax.ShapeDtypeStruct((N // 128, 128), jnp.float32),
    )(z_in, pos_p, emb_p, Wp_p, W1, b1r, W2, b2r)


def _sc_segsum(xa, ids):
    mesh = plsc.VectorSubcoreMesh(core_axis_name="c", subcore_axis_name="s",
                                  num_cores=1, num_subcores=NSUB)
    run = functools.partial(
        pl.kernel,
        out_type=jax.ShapeDtypeStruct((LANES,), jnp.float32),
        mesh=mesh,
        compiler_params=pltpu.CompilerParams(needs_layout_passes=False),
        scratch_types=[
            pltpu.VMEM((CHUNK,), jnp.float32),
            pltpu.VMEM((CHUNK,), jnp.int32),
            pltpu.VMEM((B, LANES), jnp.float32),
            pltpu.VMEM((NSUB, B, LANES), jnp.float32),
            pltpu.VMEM((LANES,), jnp.float32),
            pltpu.VMEM_SHARED((NSUB, B, LANES), jnp.float32),
        ],
    )(_sc_segsum_body)
    return run(xa, ids)


def _sc_segsum_body(xa_hbm, ids_hbm, out_hbm, xa_v, ids_v, part_v, gather_v,
                    res_v, shared):
    cid = lax.axis_index("c")
    sid = lax.axis_index("s")

    @pl.when(cid == 0)
    def _work():
        base = sid * CHUNK
        pltpu.sync_copy(xa_hbm.at[pl.ds(base, CHUNK)], xa_v)
        pltpu.sync_copy(ids_hbm.at[pl.ds(base, CHUNK)], ids_v)

        def body(i, accs):
            v = xa_v[pl.ds(i * LANES, LANES)]
            d = ids_v[pl.ds(i * LANES, LANES)]
            return tuple(accs[b] + jnp.where(d == b, v, 0.0)
                         for b in range(B))

        init = tuple(jnp.zeros((LANES,), jnp.float32) for _ in range(B))
        accs = lax.fori_loop(0, CHUNK // LANES, body, init)

        for b in range(B):
            part_v[b] = accs[b]
        pltpu.sync_copy(part_v, shared.at[sid])

    plsc.subcore_barrier()

    @pl.when((cid == 0) & (sid == 0))
    def _out():
        pltpu.sync_copy(shared, gather_v)
        for b in range(B):
            m = gather_v[0, b]
            for t in range(1, NSUB):
                m = m + gather_v[t, b]
            part_v[b] = m
        row = lax.iota(jnp.int32, LANES)
        total = jnp.zeros((LANES,), jnp.float32)
        for l in range(LANES):
            col = jnp.full((LANES,), l, jnp.int32)
            total = total + plsc.load_gather(part_v, [row, col])
        res_v[...] = total
        pltpu.sync_copy(res_v, out_hbm)


def kernel(z, pos, batch, emb, Wp, W1, b1, W2, b2):
    xa = _tc_energies(z, pos, emb, Wp, W1, b1, W2, b2)
    out = _sc_segsum(xa.reshape(N), batch.astype(jnp.int32))
    return out.reshape(B, 1)

# --- scband reference (transcript-rebuilt; emitter-appended) ---
"""Pipeline reference for scband-torch-md-net-17678085391031 (READ-ONLY COPY).

The authoritative reference and input builder live on the scoring server;
editing this copy changes nothing except your own understanding.
"""

import jax, jax.numpy as jnp
import numpy as np

N = 16384   # total atoms
B = 16      # molecules (segments)
D = 256     # hidden_channels
H = 128     # head MLP hidden
ZMAX = 100  # max atomic number


def setup_inputs(seed: int = 0) -> dict:
    key = jax.random.key(seed)
    ks = jax.random.split(key, 8)
    z = jax.random.randint(ks[0], (N,), 0, ZMAX)
    pos = jax.random.normal(ks[1], (N, 3), dtype=jnp.float32)
    batch = jnp.sort(jax.random.randint(ks[2], (N,), 0, B))
    # learned parameters: atom-type embedding table + geometric projection (representation_model)
    emb = jax.random.normal(ks[3], (ZMAX, D), dtype=jnp.float32) * 0.1
    Wp = jax.random.normal(ks[4], (3, D), dtype=jnp.float32) * 0.1
    # output_model pre_reduce MLP (single 'default' head)
    W1 = jax.random.normal(ks[5], (D, H), dtype=jnp.float32) * (1.0 / np.sqrt(D))
    b1 = jnp.zeros((H,), dtype=jnp.float32)
    W2 = jax.random.normal(ks[6], (H, 1), dtype=jnp.float32) * (1.0 / np.sqrt(H))
    b2 = jnp.zeros((1,), dtype=jnp.float32)
    return {"z": z, "pos": pos, "batch": batch, "emb": emb, "Wp": Wp,
            "W1": W1, "b1": b1, "W2": W2, "b2": b2}


def reference(z, pos, batch, emb, Wp, W1, b1, W2, b2):
    # representation_model: per-atom features from atom type embedding + geometry
    x = jnp.take(emb, z, axis=0) + pos @ Wp          # [N, D]
    # output_model.pre_reduce (single head, so hstack is identity)
    h = jax.nn.silu(x @ W1 + b1)                      # [N, H]
    xa = h @ W2 + b2                                  # [N, 1] per-atom energy contribution
    # scatter(x, batch, dim=0, reduce='add')
    out = jax.ops.segment_sum(xa, batch, num_segments=B)  # [B, 1]
    # std / mean buffers (defaults: std=1, mean=0)
    std = jnp.asarray(1.0, dtype=jnp.float32)
    mean = jnp.asarray(0.0, dtype=jnp.float32)
    out = out * std + mean
    # output_model.post_reduce is identity for scalar head; derivative=False
    return out

if __name__ == "__main__":
    import jax
    _d = setup_inputs()
    print(jax.jit(kernel)(*tuple(_d.values())))

</pallas_src>

<mosaic_0001>
#map = affine_map<(d0, d1) -> (0)>
module attributes {stable_mosaic.version = 14 : i64} {
  func.func @_sc_segsum_body(%arg0: i32, %arg1: i32, %arg2: memref<16384xf32, #tpu.memory_space<hbm>>, %arg3: memref<16384xi32, #tpu.memory_space<hbm>>, %arg4: memref<16xf32, #tpu.memory_space<hbm>>, %arg5: memref<1024xf32, #tpu.memory_space<vmem>>, %arg6: memref<1024xi32, #tpu.memory_space<vmem>>, %arg7: memref<16x16xf32, #tpu.memory_space<vmem>>, %arg8: memref<16x16x16xf32, #tpu.memory_space<vmem>>, %arg9: memref<16xf32, #tpu.memory_space<vmem>>, %arg10: memref<16x16x16xf32, #tpu.memory_space<vmem_shared>>) attributes {dimension_semantics = [#tpu.dimension_semantics<core_parallel>, #tpu.dimension_semantics<subcore_parallel>], iteration_bounds = array<i64: 1, 16>, scalar_prefetch = 0 : i64, scratch_operands = 6 : i64, tpu.core_type = #tpu.core_type<sc_vector_subcore>, window_params = [{transform_indices = #map}, {transform_indices = #map}, {transform_indices = #map}]} {
    %eq3A = arith.constant 0 : i32
    %eq3A_0 = arith.cmpi eq, %arg0, %eq3A : i32
    %convert_element_type3A = arith.extui %eq3A_0 : i1 to i32
    %cond3A = arith.constant 0 : i32
    %cond3A_1 = arith.cmpi ne, %convert_element_type3A, %cond3A : i32
    scf.if %cond3A_1 {
      %mul3A = arith.constant 1024 : i32
      %mul3A_9 = arith.muli %arg1, %mul3A : i32
      "tpu.region"() ({
        %run_scoped3A = tpu.sem_alloc : memref<!tpu.dma_semaphore, #tpu.memory_space<semaphore_mem>>
        %dma_start3A = tpu.memref_slice %arg2[%mul3A_9] : memref<16384xf32, #tpu.memory_space<hbm>> -> memref<1024xf32, #tpu.memory_space<hbm>>
        %dma_start3A_109 = tpu.memref_slice %arg2[%mul3A_9] : memref<16384xf32, #tpu.memory_space<hbm>> -> memref<1024xf32, #tpu.memory_space<hbm>>
        tpu.enqueue_dma source(%dma_start3A_109 : memref<1024xf32, #tpu.memory_space<hbm>>) target(%arg5 : memref<1024xf32, #tpu.memory_space<vmem>>) target_semaphore(%run_scoped3A : memref<!tpu.dma_semaphore, #tpu.memory_space<semaphore_mem>>)
        %dma_wait3A = tpu.memref_slice %arg2[%mul3A_9] : memref<16384xf32, #tpu.memory_space<hbm>> -> memref<1024xf32, #tpu.memory_space<hbm>>
        %dma_wait3A_110 = tpu.memref_slice %arg2[%mul3A_9] : memref<16384xf32, #tpu.memory_space<hbm>> -> memref<1024xf32, #tpu.memory_space<hbm>>
        tpu.wait_dma2 semaphore(%run_scoped3A : memref<!tpu.dma_semaphore, #tpu.memory_space<semaphore_mem>>) src(%dma_wait3A_110 : memref<1024xf32, #tpu.memory_space<hbm>>) dst(%arg5 : memref<1024xf32, #tpu.memory_space<vmem>>)
        tpu.yield
      }) : () -> ()
      "tpu.region"() ({
        %run_scoped3A = tpu.sem_alloc : memref<!tpu.dma_semaphore, #tpu.memory_space<semaphore_mem>>
        %dma_start3A = tpu.memref_slice %arg3[%mul3A_9] : memref<16384xi32, #tpu.memory_space<hbm>> -> memref<1024xi32, #tpu.memory_space<hbm>>
        %dma_start3A_109 = tpu.memref_slice %arg3[%mul3A_9] : memref<16384xi32, #tpu.memory_space<hbm>> -> memref<1024xi32, #tpu.memory_space<hbm>>
        tpu.enqueue_dma source(%dma_start3A_109 : memref<1024xi32, #tpu.memory_space<hbm>>) target(%arg6 : memref<1024xi32, #tpu.memory_space<vmem>>) target_semaphore(%run_scoped3A : memref<!tpu.dma_semaphore, #tpu.memory_space<semaphore_mem>>)
        %dma_wait3A = tpu.memref_slice %arg3[%mul3A_9] : memref<16384xi32, #tpu.memory_space<hbm>> -> memref<1024xi32, #tpu.memory_space<hbm>>
        %dma_wait3A_110 = tpu.memref_slice %arg3[%mul3A_9] : memref<16384xi32, #tpu.memory_space<hbm>> -> memref<1024xi32, #tpu.memory_space<hbm>>
        tpu.wait_dma2 semaphore(%run_scoped3A : memref<!tpu.dma_semaphore, #tpu.memory_space<semaphore_mem>>) src(%dma_wait3A_110 : memref<1024xi32, #tpu.memory_space<hbm>>) dst(%arg6 : memref<1024xi32, #tpu.memory_space<vmem>>)
        tpu.yield
      }) : () -> ()
      %broadcast_in_dim3A = arith.constant 0.000000e+00 : f32
      %broadcast_in_dim3A_10 = vector.broadcast %broadcast_in_dim3A : f32 to vector<16xf32>
      %broadcast_in_dim3A_11 = arith.constant 0.000000e+00 : f32
      %broadcast_in_dim3A_12 = vector.broadcast %broadcast_in_dim3A_11 : f32 to vector<16xf32>
      %broadcast_in_dim3A_13 = arith.constant 0.000000e+00 : f32
      %broadcast_in_dim3A_14 = vector.broadcast %broadcast_in_dim3A_13 : f32 to vector<16xf32>
      %broadcast_in_dim3A_15 = arith.constant 0.000000e+00 : f32
      %broadcast_in_dim3A_16 = vector.broadcast %broadcast_in_dim3A_15 : f32 to vector<16xf32>
      %broadcast_in_dim3A_17 = arith.constant 0.000000e+00 : f32
      %broadcast_in_dim3A_18 = vector.broadcast %broadcast_in_dim3A_17 : f32 to vector<16xf32>
      %broadcast_in_dim3A_19 = arith.constant 0.000000e+00 : f32
      %broadcast_in_dim3A_20 = vector.broadcast %broadcast_in_dim3A_19 : f32 to vector<16xf32>
      %broadcast_in_dim3A_21 = arith.constant 0.000000e+00 : f32
      %broadcast_in_dim3A_22 = vector.broadcast %broadcast_in_dim3A_21 : f32 to vector<16xf32>
      %broadcast_in_dim3A_23 = arith.constant 0.000000e+00 : f32
      %broadcast_in_dim3A_24 = vector.broadcast %broadcast_in_dim3A_23 : f32 to vector<16xf32>
      %broadcast_in_dim3A_25 = arith.constant 0.000000e+00 : f32
      %broadcast_in_dim3A_26 = vector.broadcast %broadcast_in_dim3A_25 : f32 to vector<16xf32>
      %broadcast_in_dim3A_27 = arith.constant 0.000000e+00 : f32
      %broadcast_in_dim3A_28 = vector.broadcast %broadcast_in_dim3A_27 : f32 to vector<16xf32>
      %broadcast_in_dim3A_29 = arith.constant 0.000000e+00 : f32
      %broadcast_in_dim3A_30 = vector.broadcast %broadcast_in_dim3A_29 : f32 to vector<16xf32>
      %broadcast_in_dim3A_31 = arith.constant 0.000000e+00 : f32
      %broadcast_in_dim3A_32 = vector.broadcast %broadcast_in_dim3A_31 : f32 to vector<16xf32>
      %broadcast_in_dim3A_33 = arith.constant 0.000000e+00 : f32
      %broadcast_in_dim3A_34 = vector.broadcast %broadcast_in_dim3A_33 : f32 to vector<16xf32>
      %broadcast_in_dim3A_35 = arith.constant 0.000000e+00 : f32
      %broadcast_in_dim3A_36 = vector.broadcast %broadcast_in_dim3A_35 : f32 to vector<16xf32>
      %broadcast_in_dim3A_37 = arith.constant 0.000000e+00 : f32
      %broadcast_in_dim3A_38 = vector.broadcast %broadcast_in_dim3A_37 : f32 to vector<16xf32>
      %broadcast_in_dim3A_39 = arith.constant 0.000000e+00 : f32
      %broadcast_in_dim3A_40 = vector.broadcast %broadcast_in_dim3A_39 : f32 to vector<16xf32>
      %scan3A = arith.constant 0 : i32
      %scan3A_41 = arith.constant 64 : i32
      %scan3A_42 = arith.addi %scan3A, %scan3A_41 : i32
      %scan3A_43 = arith.constant 1 : i32
      %scan3A_44:16 = scf.for %scan3A_109 = %scan3A to %scan3A_42 step %scan3A_43 iter_args(%scan3A_110 = %broadcast_in_dim3A_10, %scan3A_111 = %broadcast_in_dim3A_12, %scan3A_112 = %broadcast_in_dim3A_14, %scan3A_113 = %broadcast_in_dim3A_16, %scan3A_114 = %broadcast_in_dim3A_18, %scan3A_115 = %broadcast_in_dim3A_20, %scan3A_116 = %broadcast_in_dim3A_22, %scan3A_117 = %broadcast_in_dim3A_24, %scan3A_118 = %broadcast_in_dim3A_26, %scan3A_119 = %broadcast_in_dim3A_28, %scan3A_120 = %broadcast_in_dim3A_30, %scan3A_121 = %broadcast_in_dim3A_32, %scan3A_122 = %broadcast_in_dim3A_34, %scan3A_123 = %broadcast_in_dim3A_36, %scan3A_124 = %broadcast_in_dim3A_38, %scan3A_125 = %broadcast_in_dim3A_40) -> (vector<16xf32>, vector<16xf32>, vector<16xf32>, vector<16xf32>, vector<16xf32>, vector<16xf32>, vector<16xf32>, vector<16xf32>, vector<16xf32>, vector<16xf32>, vector<16xf32>, vector<16xf32>, vector<16xf32>, vector<16xf32>, vector<16xf32>, vector<16xf32>)  : i32 {
        %mul3A_126 = arith.constant 16 : i32
        %mul3A_127 = arith.muli %scan3A_109, %mul3A_126 : i32
        %get3A = arith.index_cast %mul3A_127 : i32 to index
        %get3A_128 = tpu.vector_load %arg5[%get3A] {strides = array<i32>} : memref<1024xf32, #tpu.memory_space<vmem>>, vector<16xf32>,
        %mul3A_129 = arith.constant 16 : i32
        %mul3A_130 = arith.muli %scan3A_109, %mul3A_129 : i32
        %get3A_131 = arith.index_cast %mul3A_130 : i32 to index
        %get3A_132 = tpu.vector_load %arg6[%get3A_131] {strides = array<i32>} : memref<1024xi32, #tpu.memory_space<vmem>>, vector<16xi32>,
        %eq3A_133 = arith.constant 0 : i32
        %eq3A_134 = vector.broadcast %eq3A_133 : i32 to vector<16xi32>
        %eq3A_135 = arith.cmpi eq, %get3A_132, %eq3A_134 : vector<16xi32>
        %jit3A = arith.constant 0.000000e+00 : f32
        %broadcast_in_dim3A_136 = vector.broadcast %jit3A : f32 to vector<16xf32>
        %select_n3A = arith.select %eq3A_135, %get3A_128, %broadcast_in_dim3A_136 : vector<16xi1>, vector<16xf32>
        %add3A = arith.addf %scan3A_110, %select_n3A : vector<16xf32>
        %eq3A_137 = arith.constant 1 : i32
        %eq3A_138 = vector.broadcast %eq3A_137 : i32 to vector<16xi32>
        %eq3A_139 = arith.cmpi eq, %get3A_132, %eq3A_138 : vector<16xi32>
        %jit3A_140 = arith.constant 0.000000e+00 : f32
        %broadcast_in_dim3A_141 = vector.broadcast %jit3A_140 : f32 to vector<16xf32>
        %select_n3A_142 = arith.select %eq3A_139, %get3A_128, %broadcast_in_dim3A_141 : vector<16xi1>, vector<16xf32>
        %add3A_143 = arith.addf %scan3A_111, %select_n3A_142 : vector<16xf32>
        %eq3A_144 = arith.constant 2 : i32
        %eq3A_145 = vector.broadcast %eq3A_144 : i32 to vector<16xi32>
        %eq3A_146 = arith.cmpi eq, %get3A_132, %eq3A_145 : vector<16xi32>
        %jit3A_147 = arith.constant 0.000000e+00 : f32
        %broadcast_in_dim3A_148 = vector.broadcast %jit3A_147 : f32 to vector<16xf32>
        %select_n3A_149 = arith.select %eq3A_146, %get3A_128, %broadcast_in_dim3A_148 : vector<16xi1>, vector<16xf32>
        %add3A_150 = arith.addf %scan3A_112, %select_n3A_149 : vector<16xf32>
        %eq3A_151 = arith.constant 3 : i32
        %eq3A_152 = vector.broadcast %eq3A_151 : i32 to vector<16xi32>
        %eq3A_153 = arith.cmpi eq, %get3A_132, %eq3A_152 : vector<16xi32>
        %jit3A_154 = arith.constant 0.000000e+00 : f32
        %broadcast_in_dim3A_155 = vector.broadcast %jit3A_154 : f32 to vector<16xf32>
        %select_n3A_156 = arith.select %eq3A_153, %get3A_128, %broadcast_in_dim3A_155 : vector<16xi1>, vector<16xf32>
        %add3A_157 = arith.addf %scan3A_113, %select_n3A_156 : vector<16xf32>
        %eq3A_158 = arith.constant 4 : i32
        %eq3A_159 = vector.broadcast %eq3A_158 : i32 to vector<16xi32>
        %eq3A_160 = arith.cmpi eq, %get3A_132, %eq3A_159 : vector<16xi32>
        %jit3A_161 = arith.constant 0.000000e+00 : f32
        %broadcast_in_dim3A_162 = vector.broadcast %jit3A_161 : f32 to vector<16xf32>
        %select_n3A_163 = arith.select %eq3A_160, %get3A_128, %broadcast_in_dim3A_162 : vector<16xi1>, vector<16xf32>
        %add3A_164 = arith.addf %scan3A_114, %select_n3A_163 : vector<16xf32>
        %eq3A_165 = arith.constant 5 : i32
        %eq3A_166 = vector.broadcast %eq3A_165 : i32 to vector<16xi32>
        %eq3A_167 = arith.cmpi eq, %get3A_132, %eq3A_166 : vector<16xi32>
        %jit3A_168 = arith.constant 0.000000e+00 : f32
        %broadcast_in_dim3A_169 = vector.broadcast %jit3A_168 : f32 to vector<16xf32>
        %select_n3A_170 = arith.select %eq3A_167, %get3A_128, %broadcast_in_dim3A_169 : vector<16xi1>, vector<16xf32>
        %add3A_171 = arith.addf %scan3A_115, %select_n3A_170 : vector<16xf32>
        %eq3A_172 = arith.constant 6 : i32
        %eq3A_173 = vector.broadcast %eq3A_172 : i32 to vector<16xi32>
        %eq3A_174 = arith.cmpi eq, %get3A_132, %eq3A_173 : vector<16xi32>
        %jit3A_175 = arith.constant 0.000000e+00 : f32
        %broadcast_in_dim3A_176 = vector.broadcast %jit3A_175 : f32 to vector<16xf32>
        %select_n3A_177 = arith.select %eq3A_174, %get3A_128, %broadcast_in_dim3A_176 : vector<16xi1>, vector<16xf32>
        %add3A_178 = arith.addf %scan3A_116, %select_n3A_177 : vector<16xf32>
        %eq3A_179 = arith.constant 7 : i32
        %eq3A_180 = vector.broadcast %eq3A_179 : i32 to vector<16xi32>
        %eq3A_181 = arith.cmpi eq, %get3A_132, %eq3A_180 : vector<16xi32>
        %jit3A_182 = arith.constant 0.000000e+00 : f32
        %broadcast_in_dim3A_183 = vector.broadcast %jit3A_182 : f32 to vector<16xf32>
        %select_n3A_184 = arith.select %eq3A_181, %get3A_128, %broadcast_in_dim3A_183 : vector<16xi1>, vector<16xf32>
        %add3A_185 = arith.addf %scan3A_117, %select_n3A_184 : vector<16xf32>
        %eq3A_186 = arith.constant 8 : i32
        %eq3A_187 = vector.broadcast %eq3A_186 : i32 to vector<16xi32>
        %eq3A_188 = arith.cmpi eq, %get3A_132, %eq3A_187 : vector<16xi32>
        %jit3A_189 = arith.constant 0.000000e+00 : f32
        %broadcast_in_dim3A_190 = vector.broadcast %jit3A_189 : f32 to vector<16xf32>
        %select_n3A_191 = arith.select %eq3A_188, %get3A_128, %broadcast_in_dim3A_190 : vector<16xi1>, vector<16xf32>
        %add3A_192 = arith.addf %scan3A_118, %select_n3A_191 : vector<16xf32>
        %eq3A_193 = arith.constant 9 : i32
        %eq3A_194 = vector.broadcast %eq3A_193 : i32 to vector<16xi32>
        %eq3A_195 = arith.cmpi eq, %get3A_132, %eq3A_194 : vector<16xi32>
        %jit3A_196 = arith.constant 0.000000e+00 : f32
        %broadcast_in_dim3A_197 = vector.broadcast %jit3A_196 : f32 to vector<16xf32>
        %select_n3A_198 = arith.select %eq3A_195, %get3A_128, %broadcast_in_dim3A_197 : vector<16xi1>, vector<16xf32>
        %add3A_199 = arith.addf %scan3A_119, %select_n3A_198 : vector<16xf32>
        %eq3A_200 = arith.constant 10 : i32
        %eq3A_201 = vector.broadcast %eq3A_200 : i32 to vector<16xi32>
        %eq3A_202 = arith.cmpi eq, %get3A_132, %eq3A_201 : vector<16xi32>
        %jit3A_203 = arith.constant 0.000000e+00 : f32
        %broadcast_in_dim3A_204 = vector.broadcast %jit3A_203 : f32 to vector<16xf32>
        %select_n3A_205 = arith.select %eq3A_202, %get3A_128, %broadcast_in_dim3A_204 : vector<16xi1>, vector<16xf32>
        %add3A_206 = arith.addf %scan3A_120, %select_n3A_205 : vector<16xf32>
        %eq3A_207 = arith.constant 11 : i32
        %eq3A_208 = vector.broadcast %eq3A_207 : i32 to vector<16xi32>
        %eq3A_209 = arith.cmpi eq, %get3A_132, %eq3A_208 : vector<16xi32>
        %jit3A_210 = arith.constant 0.000000e+00 : f32
        %broadcast_in_dim3A_211 = vector.broadcast %jit3A_210 : f32 to vector<16xf32>
        %select_n3A_212 = arith.select %eq3A_209, %get3A_128, %broadcast_in_dim3A_211 : vector<16xi1>, vector<16xf32>
        %add3A_213 = arith.addf %scan3A_121, %select_n3A_212 : vector<16xf32>
        %eq3A_214 = arith.constant 12 : i32
        %eq3A_215 = vector.broadcast %eq3A_214 : i32 to vector<16xi32>
        %eq3A_216 = arith.cmpi eq, %get3A_132, %eq3A_215 : vector<16xi32>
        %jit3A_217 = arith.constant 0.000000e+00 : f32
        %broadcast_in_dim3A_218 = vector.broadcast %jit3A_217 : f32 to vector<16xf32>
        %select_n3A_219 = arith.select %eq3A_216, %get3A_128, %broadcast_in_dim3A_218 : vector<16xi1>, vector<16xf32>
        %add3A_220 = arith.addf %scan3A_122, %select_n3A_219 : vector<16xf32>
        %eq3A_221 = arith.constant 13 : i32
        %eq3A_222 = vector.broadcast %eq3A_221 : i32 to vector<16xi32>
        %eq3A_223 = arith.cmpi eq, %get3A_132, %eq3A_222 : vector<16xi32>
        %jit3A_224 = arith.constant 0.000000e+00 : f32
        %broadcast_in_dim3A_225 = vector.broadcast %jit3A_224 : f32 to vector<16xf32>
        %select_n3A_226 = arith.select %eq3A_223, %get3A_128, %broadcast_in_dim3A_225 : vector<16xi1>, vector<16xf32>
        %add3A_227 = arith.addf %scan3A_123, %select_n3A_226 : vector<16xf32>
        %eq3A_228 = arith.constant 14 : i32
        %eq3A_229 = vector.broadcast %eq3A_228 : i32 to vector<16xi32>
        %eq3A_230 = arith.cmpi eq, %get3A_132, %eq3A_229 : vector<16xi32>
        %jit3A_231 = arith.constant 0.000000e+00 : f32
        %broadcast_in_dim3A_232 = vector.broadcast %jit3A_231 : f32 to vector<16xf32>
        %select_n3A_233 = arith.select %eq3A_230, %get3A_128, %broadcast_in_dim3A_232 : vector<16xi1>, vector<16xf32>
        %add3A_234 = arith.addf %scan3A_124, %select_n3A_233 : vector<16xf32>
        %eq3A_235 = arith.constant 15 : i32
        %eq3A_236 = vector.broadcast %eq3A_235 : i32 to vector<16xi32>
        %eq3A_237 = arith.cmpi eq, %get3A_132, %eq3A_236 : vector<16xi32>
        %jit3A_238 = arith.constant 0.000000e+00 : f32
        %broadcast_in_dim3A_239 = vector.broadcast %jit3A_238 : f32 to vector<16xf32>
        %select_n3A_240 = arith.select %eq3A_237, %get3A_128, %broadcast_in_dim3A_239 : vector<16xi1>, vector<16xf32>
        %add3A_241 = arith.addf %scan3A_125, %select_n3A_240 : vector<16xf32>
        scf.yield %add3A, %add3A_143, %add3A_150, %add3A_157, %add3A_164, %add3A_171, %add3A_178, %add3A_185, %add3A_192, %add3A_199, %add3A_206, %add3A_213, %add3A_220, %add3A_227, %add3A_234, %add3A_241 : vector<16xf32>, vector<16xf32>, vector<16xf32>, vector<16xf32>, vector<16xf32>, vector<16xf32>, vector<16xf32>, vector<16xf32>, vector<16xf32>, vector<16xf32>, vector<16xf32>, vector<16xf32>, vector<16xf32>, vector<16xf32>, vector<16xf32>, vector<16xf32>
      }
      %scan3A_45 = arith.constant 64 : i32
      %swap3A = arith.constant 0 : i32
      %swap3A_46 = arith.index_cast %swap3A : i32 to index
      %swap3A_47 = arith.constant 0 : index
      %swap3A_48 = tpu.vector_load %arg7[%swap3A_46, %swap3A_47] {strides = array<i32>} : memref<16x16xf32, #tpu.memory_space<vmem>>, vector<16xf32>,
      tpu.vector_store %arg7[%swap3A_46, %swap3A_47], %scan3A_44#0 {strides = array<i32>} : memref<16x16xf32, #tpu.memory_space<vmem>>, vector<16xf32>,
      %swap3A_49 = arith.constant 1 : i32
      %swap3A_50 = arith.index_cast %swap3A_49 : i32 to index
      %swap3A_51 = arith.constant 0 : index
      %swap3A_52 = tpu.vector_load %arg7[%swap3A_50, %swap3A_51] {strides = array<i32>} : memref<16x16xf32, #tpu.memory_space<vmem>>, vector<16xf32>,
      tpu.vector_store %arg7[%swap3A_50, %swap3A_51], %scan3A_44#1 {strides = array<i32>} : memref<16x16xf32, #tpu.memory_space<vmem>>, vector<16xf32>,
      %swap3A_53 = arith.constant 2 : i32
      %swap3A_54 = arith.index_cast %swap3A_53 : i32 to index
      %swap3A_55 = arith.constant 0 : index
      %swap3A_56 = tpu.vector_load %arg7[%swap3A_54, %swap3A_55] {strides = array<i32>} : memref<16x16xf32, #tpu.memory_space<vmem>>, vector<16xf32>,
      tpu.vector_store %arg7[%swap3A_54, %swap3A_55], %scan3A_44#2 {strides = array<i32>} : memref<16x16xf32, #tpu.memory_space<vmem>>, vector<16xf32>,
      %swap3A_57 = arith.constant 3 : i32
      %swap3A_58 = arith.index_cast %swap3A_57 : i32 to index
      %swap3A_59 = arith.constant 0 : index
      %swap3A_60 = tpu.vector_load %arg7[%swap3A_58, %swap3A_59] {strides = array<i32>} : memref<16x16xf32, #tpu.memory_space<vmem>>, vector<16xf32>,
      tpu.vector_store %arg7[%swap3A_58, %swap3A_59], %scan3A_44#3 {strides = array<i32>} : memref<16x16xf32, #tpu.memory_space<vmem>>, vector<16xf32>,
      %swap3A_61 = arith.constant 4 : i32
      %swap3A_62 = arith.index_cast %swap3A_61 : i32 to index
      %swap3A_63 = arith.constant 0 : index
      %swap3A_64 = tpu.vector_load %arg7[%swap3A_62, %swap3A_63] {strides = array<i32>} : memref<16x16xf32, #tpu.memory_space<vmem>>, vector<16xf32>,
      tpu.vector_store %arg7[%swap3A_62, %swap3A_63], %scan3A_44#4 {strides = array<i32>} : memref<16x16xf32, #tpu.memory_space<vmem>>, vector<16xf32>,
      %swap3A_65 = arith.constant 5 : i32
      %swap3A_66 = arith.index_cast %swap3A_65 : i32 to index
      %swap3A_67 = arith.constant 0 : index
      %swap3A_68 = tpu.vector_load %arg7[%swap3A_66, %swap3A_67] {strides = array<i32>} : memref<16x16xf32, #tpu.memory_space<vmem>>, vector<16xf32>,
      tpu.vector_store %arg7[%swap3A_66, %swap3A_67], %scan3A_44#5 {strides = array<i32>} : memref<16x16xf32, #tpu.memory_space<vmem>>, vector<16xf32>,
      %swap3A_69 = arith.constant 6 : i32
      %swap3A_70 = arith.index_cast %swap3A_69 : i32 to index
      %swap3A_71 = arith.constant 0 : index
      %swap3A_72 = tpu.vector_load %arg7[%swap3A_70, %swap3A_71] {strides = array<i32>} : memref<16x16xf32, #tpu.memory_space<vmem>>, vector<16xf32>,
      tpu.vector_store %arg7[%swap3A_70, %swap3A_71], %scan3A_44#6 {strides = array<i32>} : memref<16x16xf32, #tpu.memory_space<vmem>>, vector<16xf32>,
      %swap3A_73 = arith.constant 7 : i32
      %swap3A_74 = arith.index_cast %swap3A_73 : i32 to index
      %swap3A_75 = arith.constant 0 : index
      %swap3A_76 = tpu.vector_load %arg7[%swap3A_74, %swap3A_75] {strides = array<i32>} : memref<16x16xf32, #tpu.memory_space<vmem>>, vector<16xf32>,
      tpu.vector_store %arg7[%swap3A_74, %swap3A_75], %scan3A_44#7 {strides = array<i32>} : memref<16x16xf32, #tpu.memory_space<vmem>>, vector<16xf32>,
      %swap3A_77 = arith.constant 8 : i32
      %swap3A_78 = arith.index_cast %swap3A_77 : i32 to index
      %swap3A_79 = arith.constant 0 : index
      %swap3A_80 = tpu.vector_load %arg7[%swap3A_78, %swap3A_79] {strides = array<i32>} : memref<16x16xf32, #tpu.memory_space<vmem>>, vector<16xf32>,
      tpu.vector_store %arg7[%swap3A_78, %swap3A_79], %scan3A_44#8 {strides = array<i32>} : memref<16x16xf32, #tpu.memory_space<vmem>>, vector<16xf32>,
      %swap3A_81 = arith.constant 9 : i32
      %swap3A_82 = arith.index_cast %swap3A_81 : i32 to index
      %swap3A_83 = arith.constant 0 : index
      %swap3A_84 = tpu.vector_load %arg7[%swap3A_82, %swap3A_83] {strides = array<i32>} : memref<16x16xf32, #tpu.memory_space<vmem>>, vector<16xf32>,
      tpu.vector_store %arg7[%swap3A_82, %swap3A_83], %scan3A_44#9 {strides = array<i32>} : memref<16x16xf32, #tpu.memory_space<vmem>>, vector<16xf32>,
      %swap3A_85 = arith.constant 10 : i32
      %swap3A_86 = arith.index_cast %swap3A_85 : i32 to index
      %swap3A_87 = arith.constant 0 : index
      %swap3A_88 = tpu.vector_load %arg7[%swap3A_86, %swap3A_87] {strides = array<i32>} : memref<16x16xf32, #tpu.memory_space<vmem>>, vector<16xf32>,
      tpu.vector_store %arg7[%swap3A_86, %swap3A_87], %scan3A_44#10 {strides = array<i32>} : memref<16x16xf32, #tpu.memory_space<vmem>>, vector<16xf32>,
      %swap3A_89 = arith.constant 11 : i32
      %swap3A_90 = arith.index_cast %swap3A_89 : i32 to index
      %swap3A_91 = arith.constant 0 : index
      %swap3A_92 = tpu.vector_load %arg7[%swap3A_90, %swap3A_91] {strides = array<i32>} : memref<16x16xf32, #tpu.memory_space<vmem>>, vector<16xf32>,
      tpu.vector_store %arg7[%swap3A_90, %swap3A_91], %scan3A_44#11 {strides = array<i32>} : memref<16x16xf32, #tpu.memory_space<vmem>>, vector<16xf32>,
      %swap3A_93 = arith.constant 12 : i32
      %swap3A_94 = arith.index_cast %swap3A_93 : i32 to index
      %swap3A_95 = arith.constant 0 : index
      %swap3A_96 = tpu.vector_load %arg7[%swap3A_94, %swap3A_95] {strides = array<i32>} : memref<16x16xf32, #tpu.memory_space<vmem>>, vector<16xf32>,
      tpu.vector_store %arg7[%swap3A_94, %swap3A_95], %scan3A_44#12 {strides = array<i32>} : memref<16x16xf32, #tpu.memory_space<vmem>>, vector<16xf32>,
      %swap3A_97 = arith.constant 13 : i32
      %swap3A_98 = arith.index_cast %swap3A_97 : i32 to index
      %swap3A_99 = arith.constant 0 : index
      %swap3A_100 = tpu.vector_load %arg7[%swap3A_98, %swap3A_99] {strides = array<i32>} : memref<16x16xf32, #tpu.memory_space<vmem>>, vector<16xf32>,
      tpu.vector_store %arg7[%swap3A_98, %swap3A_99], %scan3A_44#13 {strides = array<i32>} : memref<16x16xf32, #tpu.memory_space<vmem>>, vector<16xf32>,
      %swap3A_101 = arith.constant 14 : i32
      %swap3A_102 = arith.index_cast %swap3A_101 : i32 to index
      %swap3A_103 = arith.constant 0 : index
      %swap3A_104 = tpu.vector_load %arg7[%swap3A_102, %swap3A_103] {strides = array<i32>} : memref<16x16xf32, #tpu.memory_space<vmem>>, vector<16xf32>,
      tpu.vector_store %arg7[%swap3A_102, %swap3A_103], %scan3A_44#14 {strides = array<i32>} : memref<16x16xf32, #tpu.memory_space<vmem>>, vector<16xf32>,
      %swap3A_105 = arith.constant 15 : i32
      %swap3A_106 = arith.index_cast %swap3A_105 : i32 to index
      %swap3A_107 = arith.constant 0 : index
      %swap3A_108 = tpu.vector_load %arg7[%swap3A_106, %swap3A_107] {strides = array<i32>} : memref<16x16xf32, #tpu.memory_space<vmem>>, vector<16xf32>,
      tpu.vector_store %arg7[%swap3A_106, %swap3A_107], %scan3A_44#15 {strides = array<i32>} : memref<16x16xf32, #tpu.memory_space<vmem>>, vector<16xf32>,
      "tpu.region"() ({
        %run_scoped3A = tpu.sem_alloc : memref<!tpu.dma_semaphore, #tpu.memory_space<semaphore_mem>>
        %dma_start3A = arith.constant 0 : i32
        %dma_start3A_109 = arith.constant 0 : i32
        %dma_start3A_110 = tpu.memref_slice %arg10[%arg1, %dma_start3A, %dma_start3A_109] : memref<16x16x16xf32, #tpu.memory_space<vmem_shared>> -> memref<1x16x16xf32, #tpu.memory_space<vmem_shared>>
        %dma_start3A_111 = tpu.memref_squeeze %dma_start3A_110 : memref<1x16x16xf32, #tpu.memory_space<vmem_shared>> -> memref<16x16xf32, #tpu.memory_space<vmem_shared>>
        %dma_start3A_112 = arith.constant 0 : i32
        %dma_start3A_113 = arith.constant 0 : i32
        %dma_start3A_114 = tpu.memref_slice %arg10[%arg1, %dma_start3A_112, %dma_start3A_113] : memref<16x16x16xf32, #tpu.memory_space<vmem_shared>> -> memref<1x16x16xf32, #tpu.memory_space<vmem_shared>>
        %dma_start3A_115 = tpu.memref_squeeze %dma_start3A_114 : memref<1x16x16xf32, #tpu.memory_space<vmem_shared>> -> memref<16x16xf32, #tpu.memory_space<vmem_shared>>
        tpu.enqueue_dma source(%arg7 : memref<16x16xf32, #tpu.memory_space<vmem>>) target(%dma_start3A_115 : memref<16x16xf32, #tpu.memory_space<vmem_shared>>) target_semaphore(%run_scoped3A : memref<!tpu.dma_semaphore, #tpu.memory_space<semaphore_mem>>)
        %dma_wait3A = arith.constant 0 : i32
        %dma_wait3A_116 = arith.constant 0 : i32
        %dma_wait3A_117 = tpu.memref_slice %arg10[%arg1, %dma_wait3A, %dma_wait3A_116] : memref<16x16x16xf32, #tpu.memory_space<vmem_shared>> -> memref<1x16x16xf32, #tpu.memory_space<vmem_shared>>
        %dma_wait3A_118 = tpu.memref_squeeze %dma_wait3A_117 : memref<1x16x16xf32, #tpu.memory_space<vmem_shared>> -> memref<16x16xf32, #tpu.memory_space<vmem_shared>>
        %dma_wait3A_119 = arith.constant 0 : i32
        %dma_wait3A_120 = arith.constant 0 : i32
        %dma_wait3A_121 = tpu.memref_slice %arg10[%arg1, %dma_wait3A_119, %dma_wait3A_120] : memref<16x16x16xf32, #tpu.memory_space<vmem_shared>> -> memref<1x16x16xf32, #tpu.memory_space<vmem_shared>>
        %dma_wait3A_122 = tpu.memref_squeeze %dma_wait3A_121 : memref<1x16x16xf32, #tpu.memory_space<vmem_shared>> -> memref<16x16xf32, #tpu.memory_space<vmem_shared>>
        tpu.wait_dma2 semaphore(%run_scoped3A : memref<!tpu.dma_semaphore, #tpu.memory_space<semaphore_mem>>) src(%arg7 : memref<16x16xf32, #tpu.memory_space<vmem>>) dst(%dma_wait3A_122 : memref<16x16xf32, #tpu.memory_space<vmem_shared>>)
        tpu.yield
      }) : () -> ()
    } else {
    }
    %barrier3A = arith.constant 0 : index
    tpu.barrier barrier_id(%barrier3A)
    %eq3A_2 = arith.constant 0 : i32
    %eq3A_3 = arith.cmpi eq, %arg0, %eq3A_2 : i32
    %eq3A_4 = arith.constant 0 : i32
    %eq3A_5 = arith.cmpi eq, %arg1, %eq3A_4 : i32
    %and3A = arith.andi %eq3A_3, %eq3A_5 : i1
    %convert_element_type3A_6 = arith.extui %and3A : i1 to i32
    %cond3A_7 = arith.constant 0 : i32
    %cond3A_8 = arith.cmpi ne, %convert_element_type3A_6, %cond3A_7 : i32
    scf.if %cond3A_8 {
      "tpu.region"() ({
        %run_scoped3A = tpu.sem_alloc : memref<!tpu.dma_semaphore, #tpu.memory_space<semaphore_mem>>
        tpu.enqueue_dma source(%arg10 : memref<16x16x16xf32, #tpu.memory_space<vmem_shared>>) target(%arg8 : memref<16x16x16xf32, #tpu.memory_space<vmem>>) target_semaphore(%run_scoped3A : memref<!tpu.dma_semaphore, #tpu.memory_space<semaphore_mem>>)
        tpu.wait_dma2 semaphore(%run_scoped3A : memref<!tpu.dma_semaphore, #tpu.memory_space<semaphore_mem>>) src(%arg10 : memref<16x16x16xf32, #tpu.memory_space<vmem_shared>>) dst(%arg8 : memref<16x16x16xf32, #tpu.memory_space<vmem>>)
        tpu.yield
      }) : () -> ()
      %get3A = arith.constant 0 : i32
      %get3A_9 = arith.constant 0 : i32
      %get3A_10 = arith.index_cast %get3A : i32 to index
      %get3A_11 = arith.index_cast %get3A_9 : i32 to index
      %get3A_12 = arith.constant 0 : index
      %get3A_13 = tpu.vector_load %arg8[%get3A_10, %get3A_11, %get3A_12] {strides = array<i32>} : memref<16x16x16xf32, #tpu.memory_space<vmem>>, vector<16xf32>,
      %get3A_14 = arith.constant 1 : i32
      %get3A_15 = arith.constant 0 : i32
      %get3A_16 = arith.index_cast %get3A_14 : i32 to index
      %get3A_17 = arith.index_cast %get3A_15 : i32 to index
      %get3A_18 = arith.constant 0 : index
      %get3A_19 = tpu.vector_load %arg8[%get3A_16, %get3A_17, %get3A_18] {strides = array<i32>} : memref<16x16x16xf32, #tpu.memory_space<vmem>>, vector<16xf32>,
      %add3A = arith.addf %get3A_13, %get3A_19 : vector<16xf32>
      %get3A_20 = arith.constant 2 : i32
      %get3A_21 = arith.constant 0 : i32
      %get3A_22 = arith.index_cast %get3A_20 : i32 to index
      %get3A_23 = arith.index_cast %get3A_21 : i32 to index
      %get3A_24 = arith.constant 0 : index
      %get3A_25 = tpu.vector_load %arg8[%get3A_22, %get3A_23, %get3A_24] {strides = array<i32>} : memref<16x16x16xf32, #tpu.memory_space<vmem>>, vector<16xf32>,
      %add3A_26 = arith.addf %add3A, %get3A_25 : vector<16xf32>
      %get3A_27 = arith.constant 3 : i32
      %get3A_28 = arith.constant 0 : i32
      %get3A_29 = arith.index_cast %get3A_27 : i32 to index
      %get3A_30 = arith.index_cast %get3A_28 : i32 to index
      %get3A_31 = arith.constant 0 : index
      %get3A_32 = tpu.vector_load %arg8[%get3A_29, %get3A_30, %get3A_31] {strides = array<i32>} : memref<16x16x16xf32, #tpu.memory_space<vmem>>, vector<16xf32>,
      %add3A_33 = arith.addf %add3A_26, %get3A_32 : vector<16xf32>
      %get3A_34 = arith.constant 4 : i32
      %get3A_35 = arith.constant 0 : i32
      %get3A_36 = arith.index_cast %get3A_34 : i32 to index
      %get3A_37 = arith.index_cast %get3A_35 : i32 to index
      %get3A_38 = arith.constant 0 : index
      %get3A_39 = tpu.vector_load %arg8[%get3A_36, %get3A_37, %get3A_38] {strides = array<i32>} : memref<16x16x16xf32, #tpu.memory_space<vmem>>, vector<16xf32>,
      %add3A_40 = arith.addf %add3A_33, %get3A_39 : vector<16xf32>
      %get3A_41 = arith.constant 5 : i32
      %get3A_42 = arith.constant 0 : i32
      %get3A_43 = arith.index_cast %get3A_41 : i32 to index
      %get3A_44 = arith.index_cast %get3A_42 : i32 to index
      %get3A_45 = arith.constant 0 : index
      %get3A_46 = tpu.vector_load %arg8[%get3A_43, %get3A_44, %get3A_45] {strides = array<i32>} : memref<16x16x16xf32, #tpu.memory_space<vmem>>, vector<16xf32>,
      %add3A_47 = arith.addf %add3A_40, %get3A_46 : vector<16xf32>
      %get3A_48 = arith.constant 6 : i32
      %get3A_49 = arith.constant 0 : i32
      %get3A_50 = arith.index_cast %get3A_48 : i32 to index
      %get3A_51 = arith.index_cast %get3A_49 : i32 to index
      %get3A_52 = arith.constant 0 : index
      %get3A_53 = tpu.vector_load %arg8[%get3A_50, %get3A_51, %get3A_52] {strides = array<i32>} : memref<16x16x16xf32, #tpu.memory_space<vmem>>, vector<16xf32>,
      %add3A_54 = arith.addf %add3A_47, %get3A_53 : vector<16xf32>
      %get3A_55 = arith.constant 7 : i32
      %get3A_56 = arith.constant 0 : i32
      %get3A_57 = arith.index_cast %get3A_55 : i32 to index
      %get3A_58 = arith.index_cast %get3A_56 : i32 to index
      %get3A_59 = arith.constant 0 : index
      %get3A_60 = tpu.vector_load %arg8[%get3A_57, %get3A_58, %get3A_59] {strides = array<i32>} : memref<16x16x16xf32, #tpu.memory_space<vmem>>, vector<16xf32>,
      %add3A_61 = arith.addf %add3A_54, %get3A_60 : vector<16xf32>
      %get3A_62 = arith.constant 8 : i32
      %get3A_63 = arith.constant 0 : i32
      %get3A_64 = arith.index_cast %get3A_62 : i32 to index
      %get3A_65 = arith.index_cast %get3A_63 : i32 to index
      %get3A_66 = arith.constant 0 : index
      %get3A_67 = tpu.vector_load %arg8[%get3A_64, %get3A_65, %get3A_66] {strides = array<i32>} : memref<16x16x16xf32, #tpu.memory_space<vmem>>, vector<16xf32>,
      %add3A_68 = arith.addf %add3A_61, %get3A_67 : vector<16xf32>
      %get3A_69 = arith.constant 9 : i32
      %get3A_70 = arith.constant 0 : i32
      %get3A_71 = arith.index_cast %get3A_69 : i32 to index
      %get3A_72 = arith.index_cast %get3A_70 : i32 to index
      %get3A_73 = arith.constant 0 : index
      %get3A_74 = tpu.vector_load %arg8[%get3A_71, %get3A_72, %get3A_73] {strides = array<i32>} : memref<16x16x16xf32, #tpu.memory_space<vmem>>, vector<16xf32>,
      %add3A_75 = arith.addf %add3A_68, %get3A_74 : vector<16xf32>
      %get3A_76 = arith.constant 10 : i32
      %get3A_77 = arith.constant 0 : i32
      %get3A_78 = arith.index_cast %get3A_76 : i32 to index
      %get3A_79 = arith.index_cast %get3A_77 : i32 to index
      %get3A_80 = arith.constant 0 : index
      %get3A_81 = tpu.vector_load %arg8[%get3A_78, %get3A_79, %get3A_80] {strides = array<i32>} : memref<16x16x16xf32, #tpu.memory_space<vmem>>, vector<16xf32>,
      %add3A_82 = arith.addf %add3A_75, %get3A_81 : vector<16xf32>
      %get3A_83 = arith.constant 11 : i32
      %get3A_84 = arith.constant 0 : i32
      %get3A_85 = arith.index_cast %get3A_83 : i32 to index
      %get3A_86 = arith.index_cast %get3A_84 : i32 to index
      %get3A_87 = arith.constant 0 : index
      %get3A_88 = tpu.vector_load %arg8[%get3A_85, %get3A_86, %get3A_87] {strides = array<i32>} : memref<16x16x16xf32, #tpu.memory_space<vmem>>, vector<16xf32>,
      %add3A_89 = arith.addf %add3A_82, %get3A_88 : vector<16xf32>
      %get3A_90 = arith.constant 12 : i32
      %get3A_91 = arith.constant 0 : i32
      %get3A_92 = arith.index_cast %get3A_90 : i32 to index
      %get3A_93 = arith.index_cast %get3A_91 : i32 to index
      %get3A_94 = arith.constant 0 : index
      %get3A_95 = tpu.vector_load %arg8[%get3A_92, %get3A_93, %get3A_94] {strides = array<i32>} : memref<16x16x16xf32, #tpu.memory_space<vmem>>, vector<16xf32>,
      %add3A_96 = arith.addf %add3A_89, %get3A_95 : vector<16xf32>
      %get3A_97 = arith.constant 13 : i32
      %get3A_98 = arith.constant 0 : i32
      %get3A_99 = arith.index_cast %get3A_97 : i32 to index
      %get3A_100 = arith.index_cast %get3A_98 : i32 to index
      %get3A_101 = arith.constant 0 : index
      %get3A_102 = tpu.vector_load %arg8[%get3A_99, %get3A_100, %get3A_101] {strides = array<i32>} : memref<16x16x16xf32, #tpu.memory_space<vmem>>, vector<16xf32>,
      %add3A_103 = arith.addf %add3A_96, %get3A_102 : vector<16xf32>
      %get3A_104 = arith.constant 14 : i32
      %get3A_105 = arith.constant 0 : i32
      %get3A_106 = arith.index_cast %get3A_104 : i32 to index
      %get3A_107 = arith.index_cast %get3A_105 : i32 to index
      %get3A_108 = arith.constant 0 : index
      %get3A_109 = tpu.vector_load %arg8[%get3A_106, %get3A_107, %get3A_108] {strides = array<i32>} : memref<16x16x16xf32, #tpu.memory_space<vmem>>, vector<16xf32>,
      %add3A_110 = arith.addf %add3A_103, %get3A_109 : vector<16xf32>
      %get3A_111 = arith.constant 15 : i32
      %get3A_112 = arith.constant 0 : i32
      %get3A_113 = arith.index_cast %get3A_111 : i32 to index
      %get3A_114 = arith.index_cast %get3A_112 : i32 to index
      %get3A_115 = arith.constant 0 : index
      %get3A_116 = tpu.vector_load %arg8[%get3A_113, %get3A_114, %get3A_115] {strides = array<i32>} : memref<16x16x16xf32, #tpu.memory_space<vmem>>, vector<16xf32>,
      %add3A_117 = arith.addf %add3A_110, %get3A_116 : vector<16xf32>
      %swap3A = arith.constant 0 : i32
      %swap3A_118 = arith.index_cast %swap3A : i32 to index
      %swap3A_119 = arith.constant 0 : index
      %swap3A_120 = tpu.vector_load %arg7[%swap3A_118, %swap3A_119] {strides = array<i32>} : memref<16x16xf32, #tpu.memory_space<vmem>>, vector<16xf32>,
      tpu.vector_store %arg7[%swap3A_118, %swap3A_119], %add3A_117 {strides = array<i32>} : memref<16x16xf32, #tpu.memory_space<vmem>>, vector<16xf32>,
      %get3A_121 = arith.constant 0 : i32
      %get3A_122 = arith.constant 1 : i32
      %get3A_123 = arith.index_cast %get3A_121 : i32 to index
      %get3A_124 = arith.index_cast %get3A_122 : i32 to index
      %get3A_125 = arith.constant 0 : index
      %get3A_126 = tpu.vector_load %arg8[%get3A_123, %get3A_124, %get3A_125] {strides = array<i32>} : memref<16x16x16xf32, #tpu.memory_space<vmem>>, vector<16xf32>,
      %get3A_127 = arith.constant 1 : i32
      %get3A_128 = arith.constant 1 : i32
      %get3A_129 = arith.index_cast %get3A_127 : i32 to index
      %get3A_130 = arith.index_cast %get3A_128 : i32 to index
      %get3A_131 = arith.constant 0 : index
      %get3A_132 = tpu.vector_load %arg8[%get3A_129, %get3A_130, %get3A_131] {strides = array<i32>} : memref<16x16x16xf32, #tpu.memory_space<vmem>>, vector<16xf32>,
      %add3A_133 = arith.addf %get3A_126, %get3A_132 : vector<16xf32>
      %get3A_134 = arith.constant 2 : i32
      %get3A_135 = arith.constant 1 : i32
      %get3A_136 = arith.index_cast %get3A_134 : i32 to index
      %get3A_137 = arith.index_cast %get3A_135 : i32 to index
      %get3A_138 = arith.constant 0 : index
      %get3A_139 = tpu.vector_load %arg8[%get3A_136, %get3A_137, %get3A_138] {strides = array<i32>} : memref<16x16x16xf32, #tpu.memory_space<vmem>>, vector<16xf32>,
      %add3A_140 = arith.addf %add3A_133, %get3A_139 : vector<16xf32>
      %get3A_141 = arith.constant 3 : i32
      %get3A_142 = arith.constant 1 : i32
      %get3A_143 = arith.index_cast %get3A_141 : i32 to index
      %get3A_144 = arith.index_cast %get3A_142 : i32 to index
      %get3A_145 = arith.constant 0 : index
      %get3A_146 = tpu.vector_load %arg8[%get3A_143, %get3A_144, %get3A_145] {strides = array<i32>} : memref<16x16x16xf32, #tpu.memory_space<vmem>>, vector<16xf32>,
      %add3A_147 = arith.addf %add3A_140, %get3A_146 : vector<16xf32>
      %get3A_148 = arith.constant 4 : i32
      %get3A_149 = arith.constant 1 : i32
      %get3A_150 = arith.index_cast %get3A_148 : i32 to index
      %get3A_151 = arith.index_cast %get3A_149 : i32 to index
      %get3A_152 = arith.constant 0 : index
      %get3A_153 = tpu.vector_load %arg8[%get3A_150, %get3A_151, %get3A_152] {strides = array<i32>} : memref<16x16x16xf32, #tpu.memory_space<vmem>>, vector<16xf32>,
      %add3A_154 = arith.addf %add3A_147, %get3A_153 : vector<16xf32>
      %get3A_155 = arith.constant 5 : i32
      %get3A_156 = arith.constant 1 : i32
      %get3A_157 = arith.index_cast %get3A_155 : i32 to index
      %get3A_158 = arith.index_cast %get3A_156 : i32 to index
      %get3A_159 = arith.constant 0 : index
      %get3A_160 = tpu.vector_load %arg8[%get3A_157, %get3A_158, %get3A_159] {strides = array<i32>} : memref<16x16x16xf32, #tpu.memory_space<vmem>>, vector<16xf32>,
      %add3A_161 = arith.addf %add3A_154, %get3A_160 : vector<16xf32>
      %get3A_162 = arith.constant 6 : i32
      %get3A_163 = arith.constant 1 : i32
      %get3A_164 = arith.index_cast %get3A_162 : i32 to index
      %get3A_165 = arith.index_cast %get3A_163 : i32 to index
      %get3A_166 = arith.constant 0 : index
      %get3A_167 = tpu.vector_load %arg8[%get3A_164, %get3A_165, %get3A_166] {strides = array<i32>} : memref<16x16x16xf32, #tpu.memory_space<vmem>>, vector<16xf32>,
      %add3A_168 = arith.addf %add3A_161, %get3A_167 : vector<16xf32>
      %get3A_169 = arith.constant 7 : i32
      %get3A_170 = arith.constant 1 : i32
      %get3A_171 = arith.index_cast %get3A_169 : i32 to index
      %get3A_172 = arith.index_cast %get3A_170 : i32 to index
      %get3A_173 = arith.constant 0 : index
      %get3A_174 = tpu.vector_load %arg8[%get3A_171, %get3A_172, %get3A_173] {strides = array<i32>} : memref<16x16x16xf32, #tpu.memory_space<vmem>>, vector<16xf32>,
      %add3A_175 = arith.addf %add3A_168, %get3A_174 : vector<16xf32>
      %get3A_176 = arith.constant 8 : i32
      %get3A_177 = arith.constant 1 : i32
      %get3A_178 = arith.index_cast %get3A_176 : i32 to index
      %get3A_179 = arith.index_cast %get3A_177 : i32 to index
      %get3A_180 = arith.constant 0 : index
      %get3A_181 = tpu.vector_load %arg8[%get3A_178, %get3A_179, %get3A_180] {strides = array<i32>} : memref<16x16x16xf32, #tpu.memory_space<vmem>>, vector<16xf32>,
      %add3A_182 = arith.addf %add3A_175, %get3A_181 : vector<16xf32>
      %get3A_183 = arith.constant 9 : i32
      %get3A_184 = arith.constant 1 : i32
      %get3A_185 = arith.index_cast %get3A_183 : i32 to index
      %get3A_186 = arith.index_cast %get3A_184 : i32 to index
      %get3A_187 = arith.constant 0 : index
      %get3A_188 = tpu.vector_load %arg8[%get3A_185, %get3A_186, %get3A_187] {strides = array<i32>} : memref<16x16x16xf32, #tpu.memory_space<vmem>>, vector<16xf32>,
      %add3A_189 = arith.addf %add3A_182, %get3A_188 : vector<16xf32>
      %get3A_190 = arith.constant 10 : i32
      %get3A_191 = arith.constant 1 : i32
      %get3A_192 = arith.index_cast %get3A_190 : i32 to index
      %get3A_193 = arith.index_cast %get3A_191 : i32 to index
      %get3A_194 = arith.constant 0 : index
      %get3A_195 = tpu.vector_load %arg8[%get3A_192, %get3A_193, %get3A_194] {strides = array<i32>} : memref<16x16x16xf32, #tpu.memory_space<vmem>>, vector<16xf32>,
      %add3A_196 = arith.addf %add3A_189, %get3A_195 : vector<16xf32>
      %get3A_197 = arith.constant 11 : i32
      %get3A_198 = arith.constant 1 : i32
      %get3A_199 = arith.index_cast %get3A_197 : i32 to index
      %get3A_200 = arith.index_cast %get3A_198 : i32 to index
      %get3A_201 = arith.constant 0 : index
      %get3A_202 = tpu.vector_load %arg8[%get3A_199, %get3A_200, %get3A_201] {strides = array<i32>} : memref<16x16x16xf32, #tpu.memory_space<vmem>>, vector<16xf32>,
      %add3A_203 = arith.addf %add3A_196, %get3A_202 : vector<16xf32>
      %get3A_204 = arith.constant 12 : i32
      %get3A_205 = arith.constant 1 : i32
      %get3A_206 = arith.index_cast %get3A_204 : i32 to index
      %get3A_207 = arith.index_cast %get3A_205 : i32 to index
      %get3A_208 = arith.constant 0 : index
      %get3A_209 = tpu.vector_load %arg8[%get3A_206, %get3A_207, %get3A_208] {strides = array<i32>} : memref<16x16x16xf32, #tpu.memory_space<vmem>>, vector<16xf32>,
      %add3A_210 = arith.addf %add3A_203, %get3A_209 : vector<16xf32>
      %get3A_211 = arith.constant 13 : i32
      %get3A_212 = arith.constant 1 : i32
      %get3A_213 = arith.index_cast %get3A_211 : i32 to index
      %get3A_214 = arith.index_cast %get3A_212 : i32 to index
      %get3A_215 = arith.constant 0 : index
      %get3A_216 = tpu.vector_load %arg8[%get3A_213, %get3A_214, %get3A_215] {strides = array<i32>} : memref<16x16x16xf32, #tpu.memory_space<vmem>>, vector<16xf32>,
      %add3A_217 = arith.addf %add3A_210, %get3A_216 : vector<16xf32>
      %get3A_218 = arith.constant 14 : i32
      %get3A_219 = arith.constant 1 : i32
      %get3A_220 = arith.index_cast %get3A_218 : i32 to index
      %get3A_221 = arith.index_cast %get3A_219 : i32 to index
      %get3A_222 = arith.constant 0 : index
      %get3A_223 = tpu.vector_load %arg8[%get3A_220, %get3A_221, %get3A_222] {strides = array<i32>} : memref<16x16x16xf32, #tpu.memory_space<vmem>>, vector<16xf32>,
      %add3A_224 = arith.addf %add3A_217, %get3A_223 : vector<16xf32>
      %get3A_225 = arith.constant 15 : i32
      %get3A_226 = arith.constant 1 : i32
      %get3A_227 = arith.index_cast %get3A_225 : i32 to index
      %get3A_228 = arith.index_cast %get3A_226 : i32 to index
      %get3A_229 = arith.constant 0 : index
      %get3A_230 = tpu.vector_load %arg8[%get3A_227, %get3A_228, %get3A_229] {strides = array<i32>} : memref<16x16x16xf32, #tpu.memory_space<vmem>>, vector<16xf32>,
      %add3A_231 = arith.addf %add3A_224, %get3A_230 : vector<16xf32>
      %swap3A_232 = arith.constant 1 : i32
      %swap3A_233 = arith.index_cast %swap3A_232 : i32 to index
      %swap3A_234 = arith.constant 0 : index
      %swap3A_235 = tpu.vector_load %arg7[%swap3A_233, %swap3A_234] {strides = array<i32>} : memref<16x16xf32, #tpu.memory_space<vmem>>, vector<16xf32>,
      tpu.vector_store %arg7[%swap3A_233, %swap3A_234], %add3A_231 {strides = array<i32>} : memref<16x16xf32, #tpu.memory_space<vmem>>, vector<16xf32>,
      %get3A_236 = arith.constant 0 : i32
      %get3A_237 = arith.constant 2 : i32
      %get3A_238 = arith.index_cast %get3A_236 : i32 to index
      %get3A_239 = arith.index_cast %get3A_237 : i32 to index
      %get3A_240 = arith.constant 0 : index
      %get3A_241 = tpu.vector_load %arg8[%get3A_238, %get3A_239, %get3A_240] {strides = array<i32>} : memref<16x16x16xf32, #tpu.memory_space<vmem>>, vector<16xf32>,
      %get3A_242 = arith.constant 1 : i32
      %get3A_243 = arith.constant 2 : i32
      %get3A_244 = arith.index_cast %get3A_242 : i32 to index
      %get3A_245 = arith.index_cast %get3A_243 : i32 to index
      %get3A_246 = arith.constant 0 : index
      %get3A_247 = tpu.vector_load %arg8[%get3A_244, %get3A_245, %get3A_246] {strides = array<i32>} : memref<16x16x16xf32, #tpu.memory_space<vmem>>, vector<16xf32>,
      %add3A_248 = arith.addf %get3A_241, %get3A_247 : vector<16xf32>
      %get3A_249 = arith.constant 2 : i32
      %get3A_250 = arith.constant 2 : i32
      %get3A_251 = arith.index_cast %get3A_249 : i32 to index
      %get3A_252 = arith.index_cast %get3A_250 : i32 to index
      %get3A_253 = arith.constant 0 : index
      %get3A_254 = tpu.vector_load %arg8[%get3A_251, %get3A_252, %get3A_253] {strides = array<i32>} : memref<16x16x16xf32, #tpu.memory_space<vmem>>, vector<16xf32>,
      %add3A_255 = arith.addf %add3A_248, %get3A_254 : vector<16xf32>
      %get3A_256 = arith.constant 3 : i32
      %get3A_257 = arith.constant 2 : i32
      %get3A_258 = arith.index_cast %get3A_256 : i32 to index
      %get3A_259 = arith.index_cast %get3A_257 : i32 to index
      %get3A_260 = arith.constant 0 : index
      %get3A_261 = tpu.vector_load %arg8[%get3A_258, %get3A_259, %get3A_260] {strides = array<i32>} : memref<16x16x16xf32, #tpu.memory_space<vmem>>, vector<16xf32>,
      %add3A_262 = arith.addf %add3A_255, %get3A_261 : vector<16xf32>
      %get3A_263 = arith.constant 4 : i32
      %get3A_264 = arith.constant 2 : i32
      %get3A_265 = arith.index_cast %get3A_263 : i32 to index
      %get3A_266 = arith.index_cast %get3A_264 : i32 to index
      %get3A_267 = arith.constant 0 : index
      %get3A_268 = tpu.vector_load %arg8[%get3A_265, %get3A_266, %get3A_267] {strides = array<i32>} : memref<16x16x16xf32, #tpu.memory_space<vmem>>, vector<16xf32>,
      %add3A_269 = arith.addf %add3A_262, %get3A_268 : vector<16xf32>
      %get3A_270 = arith.constant 5 : i32
      %get3A_271 = arith.constant 2 : i32
      %get3A_272 = arith.index_cast %get3A_270 : i32 to index
      %get3A_273 = arith.index_cast %get3A_271 : i32 to index
      %get3A_274 = arith.constant 0 : index
      %get3A_275 = tpu.vector_load %arg8[%get3A_272, %get3A_273, %get3A_274] {strides = array<i32>} : memref<16x16x16xf32, #tpu.memory_space<vmem>>, vector<16xf32>,
      %add3A_276 = arith.addf %add3A_269, %get3A_275 : vector<16xf32>
      %get3A_277 = arith.constant 6 : i32
      %get3A_278 = arith.constant 2 : i32
      %get3A_279 = arith.index_cast %get3A_277 : i32 to index
      %get3A_280 = arith.index_cast %get3A_278 : i32 to index
      %get3A_281 = arith.constant 0 : index
      %get3A_282 = tpu.vector_load %arg8[%get3A_279, %get3A_280, %get3A_281] {strides = array<i32>} : memref<16x16x16xf32, #tpu.memory_space<vmem>>, vector<16xf32>,
      %add3A_283 = arith.addf %add3A_276, %get3A_282 : vector<16xf32>
      %get3A_284 = arith.constant 7 : i32
      %get3A_285 = arith.constant 2 : i32
      %get3A_286 = arith.index_cast %get3A_284 : i32 to index
      %get3A_287 = arith.index_cast %get3A_285 : i32 to index
      %get3A_288 = arith.constant 0 : index
      %get3A_289 = tpu.vector_load %arg8[%get3A_286, %get3A_287, %get3A_288] {strides = array<i32>} : memref<16x16x16xf32, #tpu.memory_space<vmem>>, vector<16xf32>,
      %add3A_290 = arith.addf %add3A_283, %get3A_289 : vector<16xf32>
      %get3A_291 = arith.constant 8 : i32
      %get3A_292 = arith.constant 2 : i32
      %get3A_293 = arith.index_cast %get3A_291 : i32 to index
      %get3A_294 = arith.index_cast %get3A_292 : i32 to index
      %get3A_295 = arith.constant 0 : index
      %get3A_296 = tpu.vector_load %arg8[%get3A_293, %get3A_294, %get3A_295] {strides = array<i32>} : memref<16x16x16xf32, #tpu.memory_space<vmem>>, vector<16xf32>,
      %add3A_297 = arith.addf %add3A_290, %get3A_296 : vector<16xf32>
      %get3A_298 = arith.constant 9 : i32
      %get3A_299 = arith.constant 2 : i32
      %get3A_300 = arith.index_cast %get3A_298 : i32 to index
      %get3A_301 = arith.index_cast %get3A_299 : i32 to index
      %get3A_302 = arith.constant 0 : index
      %get3A_303 = tpu.vector_load %arg8[%get3A_300, %get3A_301, %get3A_302] {strides = array<i32>} : memref<16x16x16xf32, #tpu.memory_space<vmem>>, vector<16xf32>,
      %add3A_304 = arith.addf %add3A_297, %get3A_303 : vector<16xf32>
      %get3A_305 = arith.constant 10 : i32
      %get3A_306 = arith.constant 2 : i32
      %get3A_307 = arith.index_cast %get3A_305 : i32 to index
      %get3A_308 = arith.index_cast %get3A_306 : i32 to index
      %get3A_309 = arith.constant 0 : index
      %get3A_310 = tpu.vector_load %arg8[%get3A_307, %get3A_308, %get3A_309] {strides = array<i32>} : memref<16x16x16xf32, #tpu.memory_space<vmem>>, vector<16xf32>,
      %add3A_311 = arith.addf %add3A_304, %get3A_310 : vector<16xf32>
      %get3A_312 = arith.constant 11 : i32
      %get3A_313 = arith.constant 2 : i32
      %get3A_314 = arith.index_cast %get3A_312 : i32 to index
      %get3A_315 = arith.index_cast %get3A_313 : i32 to index
      %get3A_316 = arith.constant 0 : index
      %get3A_317 = tpu.vector_load %arg8[%get3A_314, %get3A_315, %get3A_316] {strides = array<i32>} : memref<16x16x16xf32, #tpu.memory_space<vmem>>, vector<16xf32>,
      %add3A_318 = arith.addf %add3A_311, %get3A_317 : vector<16xf32>
      %get3A_319 = arith.constant 12 : i32
      %get3A_320 = arith.constant 2 : i32
      %get3A_321 = arith.index_cast %get3A_319 : i32 to index
      %get3A_322 = arith.index_cast %get3A_320 : i32 to index
      %get3A_323 = arith.constant 0 : index
      %get3A_324 = tpu.vector_load %arg8[%get3A_321, %get3A_322, %get3A_323] {strides = array<i32>} : memref<16x16x16xf32, #tpu.memory_space<vmem>>, vector<16xf32>,
      %add3A_325 = arith.addf %add3A_318, %get3A_324 : vector<16xf32>
      %get3A_326 = arith.constant 13 : i32
      %get3A_327 = arith.constant 2 : i32
      %get3A_328 = arith.index_cast %get3A_326 : i32 to index
      %get3A_329 = arith.index_cast %get3A_327 : i32 to index
      %get3A_330 = arith.constant 0 : index
      %get3A_331 = tpu.vector_load %arg8[%get3A_328, %get3A_329, %get3A_330] {strides = array<i32>} : memref<16x16x16xf32, #tpu.memory_space<vmem>>, vector<16xf32>,
      %add3A_332 = arith.addf %add3A_325, %get3A_331 : vector<16xf32>
      %get3A_333 = arith.constant 14 : i32
      %get3A_334 = arith.constant 2 : i32
      %get3A_335 = arith.index_cast %get3A_333 : i32 to index
      %get3A_336 = arith.index_cast %get3A_334 : i32 to index
      %get3A_337 = arith.constant 0 : index
      %get3A_338 = tpu.vector_load %arg8[%get3A_335, %get3A_336, %get3A_337] {strides = array<i32>} : memref<16x16x16xf32, #tpu.memory_space<vmem>>, vector<16xf32>,
      %add3A_339 = arith.addf %add3A_332, %get3A_338 : vector<16xf32>
      %get3A_340 = arith.constant 15 : i32
      %get3A_341 = arith.constant 2 : i32
      %get3A_342 = arith.index_cast %get3A_340 : i32 to index
      %get3A_343 = arith.index_cast %get3A_341 : i32 to index
      %get3A_344 = arith.constant 0 : index
      %get3A_345 = tpu.vector_load %arg8[%get3A_342, %get3A_343, %get3A_344] {strides = array<i32>} : memref<16x16x16xf32, #tpu.memory_space<vmem>>, vector<16xf32>,
      %add3A_346 = arith.addf %add3A_339, %get3A_345 : vector<16xf32>
      %swap3A_347 = arith.constant 2 : i32
      %swap3A_348 = arith.index_cast %swap3A_347 : i32 to index
      %swap3A_349 = arith.constant 0 : index
      %swap3A_350 = tpu.vector_load %arg7[%swap3A_348, %swap3A_349] {strides = array<i32>} : memref<16x16xf32, #tpu.memory_space<vmem>>, vector<16xf32>,
      tpu.vector_store %arg7[%swap3A_348, %swap3A_349], %add3A_346 {strides = array<i32>} : memref<16x16xf32, #tpu.memory_space<vmem>>, vector<16xf32>,
      %get3A_351 = arith.constant 0 : i32
      %get3A_352 = arith.constant 3 : i32
      %get3A_353 = arith.index_cast %get3A_351 : i32 to index
      %get3A_354 = arith.index_cast %get3A_352 : i32 to index
      %get3A_355 = arith.constant 0 : index
      %get3A_356 = tpu.vector_load %arg8[%get3A_353, %get3A_354, %get3A_355] {strides = array<i32>} : memref<16x16x16xf32, #tpu.memory_space<vmem>>, vector<16xf32>,
      %get3A_357 = arith.constant 1 : i32
      %get3A_358 = arith.constant 3 : i32
      %get3A_359 = arith.index_cast %get3A_357 : i32 to index
      %get3A_360 = arith.index_cast %get3A_358 : i32 to index
      %get3A_361 = arith.constant 0 : index
      %get3A_362 = tpu.vector_load %arg8[%get3A_359, %get3A_360, %get3A_361] {strides = array<i32>} : memref<16x16x16xf32, #tpu.memory_space<vmem>>, vector<16xf32>,
      %add3A_363 = arith.addf %get3A_356, %get3A_362 : vector<16xf32>
      %get3A_364 = arith.constant 2 : i32
      %get3A_365 = arith.constant 3 : i32
      %get3A_366 = arith.index_cast %get3A_364 : i32 to index
      %get3A_367 = arith.index_cast %get3A_365 : i32 to index
      %get3A_368 = arith.constant 0 : index
      %get3A_369 = tpu.vector_load %arg8[%get3A_366, %get3A_367, %get3A_368] {strides = array<i32>} : memref<16x16x16xf32, #tpu.memory_space<vmem>>, vector<16xf32>,
      %add3A_370 = arith.addf %add3A_363, %get3A_369 : vector<16xf32>
      %get3A_371 = arith.constant 3 : i32
      %get3A_372 = arith.constant 3 : i32
      %get3A_373 = arith.index_cast %get3A_371 : i32 to index
      %get3A_374 = arith.index_cast %get3A_372 : i32 to index
      %get3A_375 = arith.constant 0 : index
      %get3A_376 = tpu.vector_load %arg8[%get3A_373, %get3A_374, %get3A_375] {strides = array<i32>} : memref<16x16x16xf32, #tpu.memory_space<vmem>>, vector<16xf32>,
      %add3A_377 = arith.addf %add3A_370, %get3A_376 : vector<16xf32>
      %get3A_378 = arith.constant 4 : i32
      %get3A_379 = arith.constant 3 : i32
      %get3A_380 = arith.index_cast %get3A_378 : i32 to index
      %get3A_381 = arith.index_cast %get3A_379 : i32 to index
      %get3A_382 = arith.constant 0 : index
      %get3A_383 = tpu.vector_load %arg8[%get3A_380, %get3A_381, %get3A_382] {strides = array<i32>} : memref<16x16x16xf32, #tpu.memory_space<vmem>>, vector<16xf32>,
      %add3A_384 = arith.addf %add3A_377, %get3A_383 : vector<16xf32>
      %get3A_385 = arith.constant 5 : i32
      %get3A_386 = arith.constant 3 : i32
      %get3A_387 = arith.index_cast %get3A_385 : i32 to index
      %get3A_388 = arith.index_cast %get3A_386 : i32 to index
      %get3A_389 = arith.constant 0 : index
      %get3A_390 = tpu.vector_load %arg8[%get3A_387, %get3A_388, %get3A_389] {strides = array<i32>} : memref<16x16x16xf32, #tpu.memory_space<vmem>>, vector<16xf32>,
      %add3A_391 = arith.addf %add3A_384, %get3A_390 : vector<16xf32>
      %get3A_392 = arith.constant 6 : i32
      %get3A_393 = arith.constant 3 : i32
      %get3A_394 = arith.index_cast %get3A_392 : i32 to index
      %get3A_395 = arith.index_cast %get3A_393 : i32 to index
      %get3A_396 = arith.constant 0 : index
      %get3A_397 = tpu.vector_load %arg8[%get3A_394, %get3A_395, %get3A_396] {strides = array<i32>} : memref<16x16x16xf32, #tpu.memory_space<vmem>>, vector<16xf32>,
      %add3A_398 = arith.addf %add3A_391, %get3A_397 : vector<16xf32>
      %get3A_399 = arith.constant 7 : i32
      %get3A_400 = arith.constant 3 : i32
      %get3A_401 = arith.index_cast %get3A_399 : i32 to index
      %get3A_402 = arith.index_cast %get3A_400 : i32 to index
      %get3A_403 = arith.constant 0 : index
      %get3A_404 = tpu.vector_load %arg8[%get3A_401, %get3A_402, %get3A_403] {strides = array<i32>} : memref<16x16x16xf32, #tpu.memory_space<vmem>>, vector<16xf32>,
      %add3A_405 = arith.addf %add3A_398, %get3A_404 : vector<16xf32>
      %get3A_406 = arith.constant 8 : i32
      %get3A_407 = arith.constant 3 : i32
      %get3A_408 = arith.index_cast %get3A_406 : i32 to index
      %get3A_409 = arith.index_cast %get3A_407 : i32 to index
      %get3A_410 = arith.constant 0 : index
      %get3A_411 = tpu.vector_load %arg8[%get3A_408, %get3A_409, %get3A_410] {strides = array<i32>} : memref<16x16x16xf32, #tpu.memory_space<vmem>>, vector<16xf32>,
      %add3A_412 = arith.addf %add3A_405, %get3A_411 : vector<16xf32>
      %get3A_413 = arith.constant 9 : i32
      %get3A_414 = arith.constant 3 : i32
      %get3A_415 = arith.index_cast %get3A_413 : i32 to index
      %get3A_416 = arith.index_cast %get3A_414 : i32 to index
      %get3A_417 = arith.constant 0 : index
      %get3A_418 = tpu.vector_load %arg8[%get3A_415, %get3A_416, %get3A_417] {strides = array<i32>} : memref<16x16x16xf32, #tpu.memory_space<vmem>>, vector<16xf32>,
      %add3A_419 = arith.addf %add3A_412, %get3A_418 : vector<16xf32>
      %get3A_420 = arith.constant 10 : i32
      %get3A_421 = arith.constant 3 : i32
      %get3A_422 = arith.index_cast %get3A_420 : i32 to index
      %get3A_423 = arith.index_cast %get3A_421 : i32 to index
      %get3A_424 = arith.constant 0 : index
      %get3A_425 = tpu.vector_load %arg8[%get3A_422, %get3A_423, %get3A_424] {strides = array<i32>} : memref<16x16x16xf32, #tpu.memory_space<vmem>>, vector<16xf32>,
      %add3A_426 = arith.addf %add3A_419, %get3A_425 : vector<16xf32>
      %get3A_427 = arith.constant 11 : i32
      %get3A_428 = arith.constant 3 : i32
      %get3A_429 = arith.index_cast %get3A_427 : i32 to index
      %get3A_430 = arith.index_cast %get3A_428 : i32 to index
      %get3A_431 = arith.constant 0 : index
      %get3A_432 = tpu.vector_load %arg8[%get3A_429, %get3A_430, %get3A_431] {strides = array<i32>} : memref<16x16x16xf32, #tpu.memory_space<vmem>>, vector<16xf32>,
      %add3A_433 = arith.addf %add3A_426, %get3A_432 : vector<16xf32>
      %get3A_434 = arith.constant 12 : i32
      %get3A_435 = arith.constant 3 : i32
      %get3A_436 = arith.index_cast %get3A_434 : i32 to index
      %get3A_437 = arith.index_cast %get3A_435 : i32 to index
      %get3A_438 = arith.constant 0 : index
      %get3A_439 = tpu.vector_load %arg8[%get3A_436, %get3A_437, %get3A_438] {strides = array<i32>} : memref<16x16x16xf32, #tpu.memory_space<vmem>>, vector<16xf32>,
      %add3A_440 = arith.addf %add3A_433, %get3A_439 : vector<16xf32>
      %get3A_441 = arith.constant 13 : i32
      %get3A_442 = arith.constant 3 : i32
      %get3A_443 = arith.index_cast %get3A_441 : i32 to index
      %get3A_444 = arith.index_cast %get3A_442 : i32 to index
      %get3A_445 = arith.constant 0 : index
      %get3A_446 = tpu.vector_load %arg8[%get3A_443, %get3A_444, %get3A_445] {strides = array<i32>} : memref<16x16x16xf32, #tpu.memory_space<vmem>>, vector<16xf32>,
      %add3A_447 = arith.addf %add3A_440, %get3A_446 : vector<16xf32>
      %get3A_448 = arith.constant 14 : i32
      %get3A_449 = arith.constant 3 : i32
      %get3A_450 = arith.index_cast %get3A_448 : i32 to index
      %get3A_451 = arith.index_cast %get3A_449 : i32 to index
      %get3A_452 = arith.constant 0 : index
      %get3A_453 = tpu.vector_load %arg8[%get3A_450, %get3A_451, %get3A_452] {strides = array<i32>} : memref<16x16x16xf32, #tpu.memory_space<vmem>>, vector<16xf32>,
      %add3A_454 = arith.addf %add3A_447, %get3A_453 : vector<16xf32>
      %get3A_455 = arith.constant 15 : i32
      %get3A_456 = arith.constant 3 : i32
      %get3A_457 = arith.index_cast %get3A_455 : i32 to index
      %get3A_458 = arith.index_cast %get3A_456 : i32 to index
      %get3A_459 = arith.constant 0 : index
      %get3A_460 = tpu.vector_load %arg8[%get3A_457, %get3A_458, %get3A_459] {strides = array<i32>} : memref<16x16x16xf32, #tpu.memory_space<vmem>>, vector<16xf32>,
      %add3A_461 = arith.addf %add3A_454, %get3A_460 : vector<16xf32>
      %swap3A_462 = arith.constant 3 : i32
      %swap3A_463 = arith.index_cast %swap3A_462 : i32 to index
      %swap3A_464 = arith.constant 0 : index
      %swap3A_465 = tpu.vector_load %arg7[%swap3A_463, %swap3A_464] {strides = array<i32>} : memref<16x16xf32, #tpu.memory_space<vmem>>, vector<16xf32>,
      tpu.vector_store %arg7[%swap3A_463, %swap3A_464], %add3A_461 {strides = array<i32>} : memref<16x16xf32, #tpu.memory_space<vmem>>, vector<16xf32>,
      %get3A_466 = arith.constant 0 : i32
      %get3A_467 = arith.constant 4 : i32
      %get3A_468 = arith.index_cast %get3A_466 : i32 to index
      %get3A_469 = arith.index_cast %get3A_467 : i32 to index
      %get3A_470 = arith.constant 0 : index
      %get3A_471 = tpu.vector_load %arg8[%get3A_468, %get3A_469, %get3A_470] {strides = array<i32>} : memref<16x16x16xf32, #tpu.memory_space<vmem>>, vector<16xf32>,
      %get3A_472 = arith.constant 1 : i32
      %get3A_473 = arith.constant 4 : i32
      %get3A_474 = arith.index_cast %get3A_472 : i32 to index
      %get3A_475 = arith.index_cast %get3A_473 : i32 to index
      %get3A_476 = arith.constant 0 : index
      %get3A_477 = tpu.vector_load %arg8[%get3A_474, %get3A_475, %get3A_476] {strides = array<i32>} : memref<16x16x16xf32, #tpu.memory_space<vmem>>, vector<16xf32>,
      %add3A_478 = arith.addf %get3A_471, %get3A_477 : vector<16xf32>
      %get3A_479 = arith.constant 2 : i32
      %get3A_480 = arith.constant 4 : i32
      %get3A_481 = arith.index_cast %get3A_479 : i32 to index
      %get3A_482 = arith.index_cast %get3A_480 : i32 to index
      %get3A_483 = arith.constant 0 : index
      %get3A_484 = tpu.vector_load %arg8[%get3A_481, %get3A_482, %get3A_483] {strides = array<i32>} : memref<16x16x16xf32, #tpu.memory_space<vmem>>, vector<16xf32>,
      %add3A_485 = arith.addf %add3A_478, %get3A_484 : vector<16xf32>
      %get3A_486 = arith.constant 3 : i32
      %get3A_487 = arith.constant 4 : i32
      %get3A_488 = arith.index_cast %get3A_486 : i32 to index
      %get3A_489 = arith.index_cast %get3A_487 : i32 to index
      %get3A_490 = arith.constant 0 : index
      %get3A_491 = tpu.vector_load %arg8[%get3A_488, %get3A_489, %get3A_490] {strides = array<i32>} : memref<16x16x16xf32, #tpu.memory_space<vmem>>, vector<16xf32>,
      %add3A_492 = arith.addf %add3A_485, %get3A_491 : vector<16xf32>
      %get3A_493 = arith.constant 4 : i32
      %get3A_494 = arith.constant 4 : i32
      %get3A_495 = arith.index_cast %get3A_493 : i32 to index
      %get3A_496 = arith.index_cast %get3A_494 : i32 to index
      %get3A_497 = arith.constant 0 : index
      %get3A_498 = tpu.vector_load %arg8[%get3A_495, %get3A_496, %get3A_497] {strides = array<i32>} : memref<16x16x16xf32, #tpu.memory_space<vmem>>, vector<16xf32>,
      %add3A_499 = arith.addf %add3A_492, %get3A_498 : vector<16xf32>
      %get3A_500 = arith.constant 5 : i32
      %get3A_501 = arith.constant 4 : i32
      %get3A_502 = arith.index_cast %get3A_500 : i32 to index
      %get3A_503 = arith.index_cast %get3A_501 : i32 to index
      %get3A_504 = arith.constant 0 : index
      %get3A_505 = tpu.vector_load %arg8[%get3A_502, %get3A_503, %get3A_504] {strides = array<i32>} : memref<16x16x16xf32, #tpu.memory_space<vmem>>, vector<16xf32>,
      %add3A_506 = arith.addf %add3A_499, %get3A_505 : vector<16xf32>
      %get3A_507 = arith.constant 6 : i32
      %get3A_508 = arith.constant 4 : i32
      %get3A_509 = arith.index_cast %get3A_507 : i32 to index
      %get3A_510 = arith.index_cast %get3A_508 : i32 to index
      %get3A_511 = arith.constant 0 : index
      %get3A_512 = tpu.vector_load %arg8[%get3A_509, %get3A_510, %get3A_511] {strides = array<i32>} : memref<16x16x16xf32, #tpu.memory_space<vmem>>, vector<16xf32>,
      %add3A_513 = arith.addf %add3A_506, %get3A_512 : vector<16xf32>
      %get3A_514 = arith.constant 7 : i32
      %get3A_515 = arith.constant 4 : i32
      %get3A_516 = arith.index_cast %get3A_514 : i32 to index
      %get3A_517 = arith.index_cast %get3A_515 : i32 to index
      %get3A_518 = arith.constant 0 : index
      %get3A_519 = tpu.vector_load %arg8[%get3A_516, %get3A_517, %get3A_518] {strides = array<i32>} : memref<16x16x16xf32, #tpu.memory_space<vmem>>, vector<16xf32>,
      %add3A_520 = arith.addf %add3A_513, %get3A_519 : vector<16xf32>
      %get3A_521 = arith.constant 8 : i32
      %get3A_522 = arith.constant 4 : i32
      %get3A_523 = arith.index_cast %get3A_521 : i32 to index
      %get3A_524 = arith.index_cast %get3A_522 : i32 to index
      %get3A_525 = arith.constant 0 : index
      %get3A_526 = tpu.vector_load %arg8[%get3A_523, %get3A_524, %get3A_525] {strides = array<i32>} : memref<16x16x16xf32, #tpu.memory_space<vmem>>, vector<16xf32>,
      %add3A_527 = arith.addf %add3A_520, %get3A_526 : vector<16xf32>
      %get3A_528 = arith.constant 9 : i32
      %get3A_529 = arith.constant 4 : i32
      %get3A_530 = arith.index_cast %get3A_528 : i32 to index
      %get3A_531 = arith.index_cast %get3A_529 : i32 to index
      %get3A_532 = arith.constant 0 : index
      %get3A_533 = tpu.vector_load %arg8[%get3A_530, %get3A_531, %get3A_532] {strides = array<i32>} : memref<16x16x16xf32, #tpu.memory_space<vmem>>, vector<16xf32>,
      %add3A_534 = arith.addf %add3A_527, %get3A_533 : vector<16xf32>
      %get3A_535 = arith.constant 10 : i32
      %get3A_536 = arith.constant 4 : i32
      %get3A_537 = arith.index_cast %get3A_535 : i32 to index
      %get3A_538 = arith.index_cast %get3A_536 : i32 to index
      %get3A_539 = arith.constant 0 : index
      %get3A_540 = tpu.vector_load %arg8[%get3A_537, %get3A_538, %get3A_539] {strides = array<i32>} : memref<16x16x16xf32, #tpu.memory_space<vmem>>, vector<16xf32>,
      %add3A_541 = arith.addf %add3A_534, %get3A_540 : vector<16xf32>
      %get3A_542 = arith.constant 11 : i32
      %get3A_543 = arith.constant 4 : i32
      %get3A_544 = arith.index_cast %get3A_542 : i32 to index
      %get3A_545 = arith.index_cast %get3A_543 : i32 to index
      %get3A_546 = arith.constant 0 : index
      %get3A_547 = tpu.vector_load %arg8[%get3A_544, %get3A_545, %get3A_546] {strides = array<i32>} : memref<16x16x16xf32, #tpu.memory_space<vmem>>, vector<16xf32>,
      %add3A_548 = arith.addf %add3A_541, %get3A_547 : vector<16xf32>
      %get3A_549 = arith.constant 12 : i32
      %get3A_550 = arith.constant 4 : i32
      %get3A_551 = arith.index_cast %get3A_549 : i32 to index
      %get3A_552 = arith.index_cast %get3A_550 : i32 to index
      %get3A_553 = arith.constant 0 : index
      %get3A_554 = tpu.vector_load %arg8[%get3A_551, %get3A_552, %get3A_553] {strides = array<i32>} : memref<16x16x16xf32, #tpu.memory_space<vmem>>, vector<16xf32>,
      %add3A_555 = arith.addf %add3A_548, %get3A_554 : vector<16xf32>
      %get3A_556 = arith.constant 13 : i32
      %get3A_557 = arith.constant 4 : i32
      %get3A_558 = arith.index_cast %get3A_556 : i32 to index
      %get3A_559 = arith.index_cast %get3A_557 : i32 to index
      %get3A_560 = arith.constant 0 : index
      %get3A_561 = tpu.vector_load %arg8[%get3A_558, %get3A_559, %get3A_560] {strides = array<i32>} : memref<16x16x16xf32, #tpu.memory_space<vmem>>, vector<16xf32>,
      %add3A_562 = arith.addf %add3A_555, %get3A_561 : vector<16xf32>
      %get3A_563 = arith.constant 14 : i32
      %get3A_564 = arith.constant 4 : i32
      %get3A_565 = arith.index_cast %get3A_563 : i32 to index
      %get3A_566 = arith.index_cast %get3A_564 : i32 to index
      %get3A_567 = arith.constant 0 : index
      %get3A_568 = tpu.vector_load %arg8[%get3A_565, %get3A_566, %get3A_567] {strides = array<i32>} : memref<16x16x16xf32, #tpu.memory_space<vmem>>, vector<16xf32>,
      %add3A_569 = arith.addf %add3A_562, %get3A_568 : vector<16xf32>
      %get3A_570 = arith.constant 15 : i32
      %get3A_571 = arith.constant 4 : i32
      %get3A_572 = arith.index_cast %get3A_570 : i32 to index
      %get3A_573 = arith.index_cast %get3A_571 : i32 to index
      %get3A_574 = arith.constant 0 : index
      %get3A_575 = tpu.vector_load %arg8[%get3A_572, %get3A_573, %get3A_574] {strides = array<i32>} : memref<16x16x16xf32, #tpu.memory_space<vmem>>, vector<16xf32>,
      %add3A_576 = arith.addf %add3A_569, %get3A_575 : vector<16xf32>
      %swap3A_577 = arith.constant 4 : i32
      %swap3A_578 = arith.index_cast %swap3A_577 : i32 to index
      %swap3A_579 = arith.constant 0 : index
      %swap3A_580 = tpu.vector_load %arg7[%swap3A_578, %swap3A_579] {strides = array<i32>} : memref<16x16xf32, #tpu.memory_space<vmem>>, vector<16xf32>,
      tpu.vector_store %arg7[%swap3A_578, %swap3A_579], %add3A_576 {strides = array<i32>} : memref<16x16xf32, #tpu.memory_space<vmem>>, vector<16xf32>,
      %get3A_581 = arith.constant 0 : i32
      %get3A_582 = arith.constant 5 : i32
      %get3A_583 = arith.index_cast %get3A_581 : i32 to index
      %get3A_584 = arith.index_cast %get3A_582 : i32 to index
      %get3A_585 = arith.constant 0 : index
      %get3A_586 = tpu.vector_load %arg8[%get3A_583, %get3A_584, %get3A_585] {strides = array<i32>} : memref<16x16x16xf32, #tpu.memory_space<vmem>>, vector<16xf32>,
      %get3A_587 = arith.constant 1 : i32
      %get3A_588 = arith.constant 5 : i32
      %get3A_589 = arith.index_cast %get3A_587 : i32 to index
      %get3A_590 = arith.index_cast %get3A_588 : i32 to index
      %get3A_591 = arith.constant 0 : index
      %get3A_592 = tpu.vector_load %arg8[%get3A_589, %get3A_590, %get3A_591] {strides = array<i32>} : memref<16x16x16xf32, #tpu.memory_space<vmem>>, vector<16xf32>,
      %add3A_593 = arith.addf %get3A_586, %get3A_592 : vector<16xf32>
      %get3A_594 = arith.constant 2 : i32
      %get3A_595 = arith.constant 5 : i32
      %get3A_596 = arith.index_cast %get3A_594 : i32 to index
      %get3A_597 = arith.index_cast %get3A_595 : i32 to index
      %get3A_598 = arith.constant 0 : index
      %get3A_599 = tpu.vector_load %arg8[%get3A_596, %get3A_597, %get3A_598] {strides = array<i32>} : memref<16x16x16xf32, #tpu.memory_space<vmem>>, vector<16xf32>,
      %add3A_600 = arith.addf %add3A_593, %get3A_599 : vector<16xf32>
      %get3A_601 = arith.constant 3 : i32
      %get3A_602 = arith.constant 5 : i32
      %get3A_603 = arith.index_cast %get3A_601 : i32 to index
      %get3A_604 = arith.index_cast %get3A_602 : i32 to index
      %get3A_605 = arith.constant 0 : index
      %get3A_606 = tpu.vector_load %arg8[%get3A_603, %get3A_604, %get3A_605] {strides = array<i32>} : memref<16x16x16xf32, #tpu.memory_space<vmem>>, vector<16xf32>,
      %add3A_607 = arith.addf %add3A_600, %get3A_606 : vector<16xf32>
      %get3A_608 = arith.constant 4 : i32
      %get3A_609 = arith.constant 5 : i32
      %get3A_610 = arith.index_cast %get3A_608 : i32 to index
      %get3A_611 = arith.index_cast %get3A_609 : i32 to index
      %get3A_612 = arith.constant 0 : index
      %get3A_613 = tpu.vector_load %arg8[%get3A_610, %get3A_611, %get3A_612] {strides = array<i32>} : memref<16x16x16xf32, #tpu.memory_space<vmem>>, vector<16xf32>,
      %add3A_614 = arith.addf %add3A_607, %get3A_613 : vector<16xf32>
      %get3A_615 = arith.constant 5 : i32
      %get3A_616 = arith.constant 5 : i32
      %get3A_617 = arith.index_cast %get3A_615 : i32 to index
      %get3A_618 = arith.index_cast %get3A_616 : i32 to index
      %get3A_619 = arith.constant 0 : index
      %get3A_620 = tpu.vector_load %arg8[%get3A_617, %get3A_618, %get3A_619] {strides = array<i32>} : memref<16x16x16xf32, #tpu.memory_space<vmem>>, vector<16xf32>,
      %add3A_621 = arith.addf %add3A_614, %get3A_620 : vector<16xf32>
      %get3A_622 = arith.constant 6 : i32
      %get3A_623 = arith.constant 5 : i32
      %get3A_624 = arith.index_cast %get3A_622 : i32 to index
      %get3A_625 = arith.index_cast %get3A_623 : i32 to index
      %get3A_626 = arith.constant 0 : index
      %get3A_627 = tpu.vector_load %arg8[%get3A_624, %get3A_625, %get3A_626] {strides = array<i32>} : memref<16x16x16xf32, #tpu.memory_space<vmem>>, vector<16xf32>,
      %add3A_628 = arith.addf %add3A_621, %get3A_627 : vector<16xf32>
      %get3A_629 = arith.constant 7 : i32
      %get3A_630 = arith.constant 5 : i32
      %get3A_631 = arith.index_cast %get3A_629 : i32 to index
      %get3A_632 = arith.index_cast %get3A_630 : i32 to index
      %get3A_633 = arith.constant 0 : index
      %get3A_634 = tpu.vector_load %arg8[%get3A_631, %get3A_632, %get3A_633] {strides = array<i32>} : memref<16x16x16xf32, #tpu.memory_space<vmem>>, vector<16xf32>,
      %add3A_635 = arith.addf %add3A_628, %get3A_634 : vector<16xf32>
      %get3A_636 = arith.constant 8 : i32
      %get3A_637 = arith.constant 5 : i32
      %get3A_638 = arith.index_cast %get3A_636 : i32 to index
      %get3A_639 = arith.index_cast %get3A_637 : i32 to index
      %get3A_640 = arith.constant 0 : index
      %get3A_641 = tpu.vector_load %arg8[%get3A_638, %get3A_639, %get3A_640] {strides = array<i32>} : memref<16x16x16xf32, #tpu.memory_space<vmem>>, vector<16xf32>,
      %add3A_642 = arith.addf %add3A_635, %get3A_641 : vector<16xf32>
      %get3A_643 = arith.constant 9 : i32
      %get3A_644 = arith.constant 5 : i32
      %get3A_645 = arith.index_cast %get3A_643 : i32 to index
      %get3A_646 = arith.index_cast %get3A_644 : i32 to index
      %get3A_647 = arith.constant 0 : index
      %get3A_648 = tpu.vector_load %arg8[%get3A_645, %get3A_646, %get3A_647] {strides = array<i32>} : memref<16x16x16xf32, #tpu.memory_space<vmem>>, vector<16xf32>,
      %add3A_649 = arith.addf %add3A_642, %get3A_648 : vector<16xf32>
      %get3A_650 = arith.constant 10 : i32
      %get3A_651 = arith.constant 5 : i32
      %get3A_652 = arith.index_cast %get3A_650 : i32 to index
      %get3A_653 = arith.index_cast %get3A_651 : i32 to index
      %get3A_654 = arith.constant 0 : index
      %get3A_655 = tpu.vector_load %arg8[%get3A_652, %get3A_653, %get3A_654] {strides = array<i32>} : memref<16x16x16xf32, #tpu.memory_space<vmem>>, vector<16xf32>,
      %add3A_656 = arith.addf %add3A_649, %get3A_655 : vector<16xf32>
      %get3A_657 = arith.constant 11 : i32
      %get3A_658 = arith.constant 5 : i32
      %get3A_659 = arith.index_cast %get3A_657 : i32 to index
      %get3A_660 = arith.index_cast %get3A_658 : i32 to index
      %get3A_661 = arith.constant 0 : index
      %get3A_662 = tpu.vector_load %arg8[%get3A_659, %get3A_660, %get3A_661] {strides = array<i32>} : memref<16x16x16xf32, #tpu.memory_space<vmem>>, vector<16xf32>,
      %add3A_663 = arith.addf %add3A_656, %get3A_662 : vector<16xf32>
      %get3A_664 = arith.constant 12 : i32
      %get3A_665 = arith.constant 5 : i32
      %get3A_666 = arith.index_cast %get3A_664 : i32 to index
      %get3A_667 = arith.index_cast %get3A_665 : i32 to index
      %get3A_668 = arith.constant 0 : index
      %get3A_669 = tpu.vector_load %arg8[%get3A_666, %get3A_667, %get3A_668] {strides = array<i32>} : memref<16x16x16xf32, #tpu.memory_space<vmem>>, vector<16xf32>,
      %add3A_670 = arith.addf %add3A_663, %get3A_669 : vector<16xf32>
      %get3A_671 = arith.constant 13 : i32
      %get3A_672 = arith.constant 5 : i32
      %get3A_673 = arith.index_cast %get3A_671 : i32 to index
      %get3A_674 = arith.index_cast %get3A_672 : i32 to index
      %get3A_675 = arith.constant 0 : index
      %get3A_676 = tpu.vector_load %arg8[%get3A_673, %get3A_674, %get3A_675] {strides = array<i32>} : memref<16x16x16xf32, #tpu.memory_space<vmem>>, vector<16xf32>,
      %add3A_677 = arith.addf %add3A_670, %get3A_676 : vector<16xf32>
      %get3A_678 = arith.constant 14 : i32
      %get3A_679 = arith.constant 5 : i32
      %get3A_680 = arith.index_cast %get3A_678 : i32 to index
      %get3A_681 = arith.index_cast %get3A_679 : i32 to index
      %get3A_682 = arith.constant 0 : index
      %get3A_683 = tpu.vector_load %arg8[%get3A_680, %get3A_681, %get3A_682] {strides = array<i32>} : memref<16x16x16xf32, #tpu.memory_space<vmem>>, vector<16xf32>,
      %add3A_684 = arith.addf %add3A_677, %get3A_683 : vector<16xf32>
      %get3A_685 = arith.constant 15 : i32
      %get3A_686 = arith.constant 5 : i32
      %get3A_687 = arith.index_cast %get3A_685 : i32 to index
      %get3A_688 = arith.index_cast %get3A_686 : i32 to index
      %get3A_689 = arith.constant 0 : index
      %get3A_690 = tpu.vector_load %arg8[%get3A_687, %get3A_688, %get3A_689] {strides = array<i32>} : memref<16x16x16xf32, #tpu.memory_space<vmem>>, vector<16xf32>,
      %add3A_691 = arith.addf %add3A_684, %get3A_690 : vector<16xf32>
      %swap3A_692 = arith.constant 5 : i32
      %swap3A_693 = arith.index_cast %swap3A_692 : i32 to index
      %swap3A_694 = arith.constant 0 : index
      %swap3A_695 = tpu.vector_load %arg7[%swap3A_693, %swap3A_694] {strides = array<i32>} : memref<16x16xf32, #tpu.memory_space<vmem>>, vector<16xf32>,
      tpu.vector_store %arg7[%swap3A_693, %swap3A_694], %add3A_691 {strides = array<i32>} : memref<16x16xf32, #tpu.memory_space<vmem>>, vector<16xf32>,
      %get3A_696 = arith.constant 0 : i32
      %get3A_697 = arith.constant 6 : i32
      %get3A_698 = arith.index_cast %get3A_696 : i32 to index
      %get3A_699 = arith.index_cast %get3A_697 : i32 to index
      %get3A_700 = arith.constant 0 : index
      %get3A_701 = tpu.vector_load %arg8[%get3A_698, %get3A_699, %get3A_700] {strides = array<i32>} : memref<16x16x16xf32, #tpu.memory_space<vmem>>, vector<16xf32>,
      %get3A_702 = arith.constant 1 : i32
      %get3A_703 = arith.constant 6 : i32
      %get3A_704 = arith.index_cast %get3A_702 : i32 to index
      %get3A_705 = arith.index_cast %get3A_703 : i32 to index
      %get3A_706 = arith.constant 0 : index
      %get3A_707 = tpu.vector_load %arg8[%get3A_704, %get3A_705, %get3A_706] {strides = array<i32>} : memref<16x16x16xf32, #tpu.memory_space<vmem>>, vector<16xf32>,
      %add3A_708 = arith.addf %get3A_701, %get3A_707 : vector<16xf32>
      %get3A_709 = arith.constant 2 : i32
      %get3A_710 = arith.constant 6 : i32
      %get3A_711 = arith.index_cast %get3A_709 : i32 to index
      %get3A_712 = arith.index_cast %get3A_710 : i32 to index
      %get3A_713 = arith.constant 0 : index
      %get3A_714 = tpu.vector_load %arg8[%get3A_711, %get3A_712, %get3A_713] {strides = array<i32>} : memref<16x16x16xf32, #tpu.memory_space<vmem>>, vector<16xf32>,
      %add3A_715 = arith.addf %add3A_708, %get3A_714 : vector<16xf32>
      %get3A_716 = arith.constant 3 : i32
      %get3A_717 = arith.constant 6 : i32
      %get3A_718 = arith.index_cast %get3A_716 : i32 to index
      %get3A_719 = arith.index_cast %get3A_717 : i32 to index
      %get3A_720 = arith.constant 0 : index
      %get3A_721 = tpu.vector_load %arg8[%get3A_718, %get3A_719, %get3A_720] {strides = array<i32>} : memref<16x16x16xf32, #tpu.memory_space<vmem>>, vector<16xf32>,
      %add3A_722 = arith.addf %add3A_715, %get3A_721 : vector<16xf32>
      %get3A_723 = arith.constant 4 : i32
      %get3A_724 = arith.constant 6 : i32
      %get3A_725 = arith.index_cast %get3A_723 : i32 to index
      %get3A_726 = arith.index_cast %get3A_724 : i32 to index
      %get3A_727 = arith.constant 0 : index
      %get3A_728 = tpu.vector_load %arg8[%get3A_725, %get3A_726, %get3A_727] {strides = array<i32>} : memref<16x16x16xf32, #tpu.memory_space<vmem>>, vector<16xf32>,
      %add3A_729 = arith.addf %add3A_722, %get3A_728 : vector<16xf32>
      %get3A_730 = arith.constant 5 : i32
      %get3A_731 = arith.constant 6 : i32
      %get3A_732 = arith.index_cast %get3A_730 : i32 to index
      %get3A_733 = arith.index_cast %get3A_731 : i32 to index
      %get3A_734 = arith.constant 0 : index
      %get3A_735 = tpu.vector_load %arg8[%get3A_732, %get3A_733, %get3A_734] {strides = array<i32>} : memref<16x16x16xf32, #tpu.memory_space<vmem>>, vector<16xf32>,
      %add3A_736 = arith.addf %add3A_729, %get3A_735 : vector<16xf32>
      %get3A_737 = arith.constant 6 : i32
      %get3A_738 = arith.constant 6 : i32
      %get3A_739 = arith.index_cast %get3A_737 : i32 to index
      %get3A_740 = arith.index_cast %get3A_738 : i32 to index
      %get3A_741 = arith.constant 0 : index
      %get3A_742 = tpu.vector_load %arg8[%get3A_739, %get3A_740, %get3A_741] {strides = array<i32>} : memref<16x16x16xf32, #tpu.memory_space<vmem>>, vector<16xf32>,
      %add3A_743 = arith.addf %add3A_736, %get3A_742 : vector<16xf32>
      %get3A_744 = arith.constant 7 : i32
      %get3A_745 = arith.constant 6 : i32
      %get3A_746 = arith.index_cast %get3A_744 : i32 to index
      %get3A_747 = arith.index_cast %get3A_745 : i32 to index
      %get3A_748 = arith.constant 0 : index
      %get3A_749 = tpu.vector_load %arg8[%get3A_746, %get3A_747, %get3A_748] {strides = array<i32>} : memref<16x16x16xf32, #tpu.memory_space<vmem>>, vector<16xf32>,
      %add3A_750 = arith.addf %add3A_743, %get3A_749 : vector<16xf32>
      %get3A_751 = arith.constant 8 : i32
      %get3A_752 = arith.constant 6 : i32
      %get3A_753 = arith.index_cast %get3A_751 : i32 to index
      %get3A_754 = arith.index_cast %get3A_752 : i32 to index
      %get3A_755 = arith.constant 0 : index
      %get3A_756 = tpu.vector_load %arg8[%get3A_753, %get3A_754, %get3A_755] {strides = array<i32>} : memref<16x16x16xf32, #tpu.memory_space<vmem>>, vector<16xf32>,
      %add3A_757 = arith.addf %add3A_750, %get3A_756 : vector<16xf32>
      %get3A_758 = arith.constant 9 : i32
      %get3A_759 = arith.constant 6 : i32
      %get3A_760 = arith.index_cast %get3A_758 : i32 to index
      %get3A_761 = arith.index_cast %get3A_759 : i32 to index
      %get3A_762 = arith.constant 0 : index
      %get3A_763 = tpu.vector_load %arg8[%get3A_760, %get3A_761, %get3A_762] {strides = array<i32>} : memref<16x16x16xf32, #tpu.memory_space<vmem>>, vector<16xf32>,
      %add3A_764 = arith.addf %add3A_757, %get3A_763 : vector<16xf32>
      %get3A_765 = arith.constant 10 : i32
      %get3A_766 = arith.constant 6 : i32
      %get3A_767 = arith.index_cast %get3A_765 : i32 to index
      %get3A_768 = arith.index_cast %get3A_766 : i32 to index
      %get3A_769 = arith.constant 0 : index
      %get3A_770 = tpu.vector_load %arg8[%get3A_767, %get3A_768, %get3A_769] {strides = array<i32>} : memref<16x16x16xf32, #tpu.memory_space<vmem>>, vector<16xf32>,
      %add3A_771 = arith.addf %add3A_764, %get3A_770 : vector<16xf32>
      %get3A_772 = arith.constant 11 : i32
      %get3A_773 = arith.constant 6 : i32
      %get3A_774 = arith.index_cast %get3A_772 : i32 to index
      %get3A_775 = arith.index_cast %get3A_773 : i32 to index
      %get3A_776 = arith.constant 0 : index
      %get3A_777 = tpu.vector_load %arg8[%get3A_774, %get3A_775, %get3A_776] {strides = array<i32>} : memref<16x16x16xf32, #tpu.memory_space<vmem>>, vector<16xf32>,
      %add3A_778 = arith.addf %add3A_771, %get3A_777 : vector<16xf32>
      %get3A_779 = arith.constant 12 : i32
      %get3A_780 = arith.constant 6 : i32
      %get3A_781 = arith.index_cast %get3A_779 : i32 to index
      %get3A_782 = arith.index_cast %get3A_780 : i32 to index
      %get3A_783 = arith.constant 0 : index
      %get3A_784 = tpu.vector_load %arg8[%get3A_781, %get3A_782, %get3A_783] {strides = array<i32>} : memref<16x16x16xf32, #tpu.memory_space<vmem>>, vector<16xf32>,
      %add3A_785 = arith.addf %add3A_778, %get3A_784 : vector<16xf32>
      %get3A_786 = arith.constant 13 : i32
      %get3A_787 = arith.constant 6 : i32
      %get3A_788 = arith.index_cast %get3A_786 : i32 to index
      %get3A_789 = arith.index_cast %get3A_787 : i32 to index
      %get3A_790 = arith.constant 0 : index
      %get3A_791 = tpu.vector_load %arg8[%get3A_788, %get3A_789, %get3A_790] {strides = array<i32>} : memref<16x16x16xf32, #tpu.memory_space<vmem>>, vector<16xf32>,
      %add3A_792 = arith.addf %add3A_785, %get3A_791 : vector<16xf32>
      %get3A_793 = arith.constant 14 : i32
      %get3A_794 = arith.constant 6 : i32
      %get3A_795 = arith.index_cast %get3A_793 : i32 to index
      %get3A_796 = arith.index_cast %get3A_794 : i32 to index
      %get3A_797 = arith.constant 0 : index
      %get3A_798 = tpu.vector_load %arg8[%get3A_795, %get3A_796, %get3A_797] {strides = array<i32>} : memref<16x16x16xf32, #tpu.memory_space<vmem>>, vector<16xf32>,
      %add3A_799 = arith.addf %add3A_792, %get3A_798 : vector<16xf32>
      %get3A_800 = arith.constant 15 : i32
      %get3A_801 = arith.constant 6 : i32
      %get3A_802 = arith.index_cast %get3A_800 : i32 to index
      %get3A_803 = arith.index_cast %get3A_801 : i32 to index
      %get3A_804 = arith.constant 0 : index
      %get3A_805 = tpu.vector_load %arg8[%get3A_802, %get3A_803, %get3A_804] {strides = array<i32>} : memref<16x16x16xf32, #tpu.memory_space<vmem>>, vector<16xf32>,
      %add3A_806 = arith.addf %add3A_799, %get3A_805 : vector<16xf32>
      %swap3A_807 = arith.constant 6 : i32
      %swap3A_808 = arith.index_cast %swap3A_807 : i32 to index
      %swap3A_809 = arith.constant 0 : index
      %swap3A_810 = tpu.vector_load %arg7[%swap3A_808, %swap3A_809] {strides = array<i32>} : memref<16x16xf32, #tpu.memory_space<vmem>>, vector<16xf32>,
      tpu.vector_store %arg7[%swap3A_808, %swap3A_809], %add3A_806 {strides = array<i32>} : memref<16x16xf32, #tpu.memory_space<vmem>>, vector<16xf32>,
      %get3A_811 = arith.constant 0 : i32
      %get3A_812 = arith.constant 7 : i32
      %get3A_813 = arith.index_cast %get3A_811 : i32 to index
      %get3A_814 = arith.index_cast %get3A_812 : i32 to index
      %get3A_815 = arith.constant 0 : index
      %get3A_816 = tpu.vector_load %arg8[%get3A_813, %get3A_814, %get3A_815] {strides = array<i32>} : memref<16x16x16xf32, #tpu.memory_space<vmem>>, vector<16xf32>,
      %get3A_817 = arith.constant 1 : i32
      %get3A_818 = arith.constant 7 : i32
      %get3A_819 = arith.index_cast %get3A_817 : i32 to index
      %get3A_820 = arith.index_cast %get3A_818 : i32 to index
      %get3A_821 = arith.constant 0 : index
      %get3A_822 = tpu.vector_load %arg8[%get3A_819, %get3A_820, %get3A_821] {strides = array<i32>} : memref<16x16x16xf32, #tpu.memory_space<vmem>>, vector<16xf32>,
      %add3A_823 = arith.addf %get3A_816, %get3A_822 : vector<16xf32>
      %get3A_824 = arith.constant 2 : i32
      %get3A_825 = arith.constant 7 : i32
      %get3A_826 = arith.index_cast %get3A_824 : i32 to index
      %get3A_827 = arith.index_cast %get3A_825 : i32 to index
      %get3A_828 = arith.constant 0 : index
      %get3A_829 = tpu.vector_load %arg8[%get3A_826, %get3A_827, %get3A_828] {strides = array<i32>} : memref<16x16x16xf32, #tpu.memory_space<vmem>>, vector<16xf32>,
      %add3A_830 = arith.addf %add3A_823, %get3A_829 : vector<16xf32>
      %get3A_831 = arith.constant 3 : i32
      %get3A_832 = arith.constant 7 : i32
      %get3A_833 = arith.index_cast %get3A_831 : i32 to index
      %get3A_834 = arith.index_cast %get3A_832 : i32 to index
      %get3A_835 = arith.constant 0 : index
      %get3A_836 = tpu.vector_load %arg8[%get3A_833, %get3A_834, %get3A_835] {strides = array<i32>} : memref<16x16x16xf32, #tpu.memory_space<vmem>>, vector<16xf32>,
      %add3A_837 = arith.addf %add3A_830, %get3A_836 : vector<16xf32>
      %get3A_838 = arith.constant 4 : i32
      %get3A_839 = arith.constant 7 : i32
      %get3A_840 = arith.index_cast %get3A_838 : i32 to index
      %get3A_841 = arith.index_cast %get3A_839 : i32 to index
      %get3A_842 = arith.constant 0 : index
      %get3A_843 = tpu.vector_load %arg8[%get3A_840, %get3A_841, %get3A_842] {strides = array<i32>} : memref<16x16x16xf32, #tpu.memory_space<vmem>>, vector<16xf32>,
      %add3A_844 = arith.addf %add3A_837, %get3A_843 : vector<16xf32>
      %get3A_845 = arith.constant 5 : i32
      %get3A_846 = arith.constant 7 : i32
      %get3A_847 = arith.index_cast %get3A_845 : i32 to index
      %get3A_848 = arith.index_cast %get3A_846 : i32 to index
      %get3A_849 = arith.constant 0 : index
      %get3A_850 = tpu.vector_load %arg8[%get3A_847, %get3A_848, %get3A_849] {strides = array<i32>} : memref<16x16x16xf32, #tpu.memory_space<vmem>>, vector<16xf32>,
      %add3A_851 = arith.addf %add3A_844, %get3A_850 : vector<16xf32>
      %get3A_852 = arith.constant 6 : i32
      %get3A_853 = arith.constant 7 : i32
      %get3A_854 = arith.index_cast %get3A_852 : i32 to index
      %get3A_855 = arith.index_cast %get3A_853 : i32 to index
      %get3A_856 = arith.constant 0 : index
      %get3A_857 = tpu.vector_load %arg8[%get3A_854, %get3A_855, %get3A_856] {strides = array<i32>} : memref<16x16x16xf32, #tpu.memory_space<vmem>>, vector<16xf32>,
      %add3A_858 = arith.addf %add3A_851, %get3A_857 : vector<16xf32>
      %get3A_859 = arith.constant 7 : i32
      %get3A_860 = arith.constant 7 : i32
      %get3A_861 = arith.index_cast %get3A_859 : i32 to index
      %get3A_862 = arith.index_cast %get3A_860 : i32 to index
      %get3A_863 = arith.constant 0 : index
      %get3A_864 = tpu.vector_load %arg8[%get3A_861, %get3A_862, %get3A_863] {strides = array<i32>} : memref<16x16x16xf32, #tpu.memory_space<vmem>>, vector<16xf32>,
      %add3A_865 = arith.addf %add3A_858, %get3A_864 : vector<16xf32>
      %get3A_866 = arith.constant 8 : i32
      %get3A_867 = arith.constant 7 : i32
      %get3A_868 = arith.index_cast %get3A_866 : i32 to index
      %get3A_869 = arith.index_cast %get3A_867 : i32 to index
      %get3A_870 = arith.constant 0 : index
      %get3A_871 = tpu.vector_load %arg8[%get3A_868, %get3A_869, %get3A_870] {strides = array<i32>} : memref<16x16x16xf32, #tpu.memory_space<vmem>>, vector<16xf32>,
      %add3A_872 = arith.addf %add3A_865, %get3A_871 : vector<16xf32>
      %get3A_873 = arith.constant 9 : i32
      %get3A_874 = arith.constant 7 : i32
      %get3A_875 = arith.index_cast %get3A_873 : i32 to index
      %get3A_876 = arith.index_cast %get3A_874 : i32 to index
      %get3A_877 = arith.constant 0 : index
      %get3A_878 = tpu.vector_load %arg8[%get3A_875, %get3A_876, %get3A_877] {strides = array<i32>} : memref<16x16x16xf32, #tpu.memory_space<vmem>>, vector<16xf32>,
      %add3A_879 = arith.addf %add3A_872, %get3A_878 : vector<16xf32>
      %get3A_880 = arith.constant 10 : i32
      %get3A_881 = arith.constant 7 : i32
      %get3A_882 = arith.index_cast %get3A_880 : i32 to index
      %get3A_883 = arith.index_cast %get3A_881 : i32 to index
      %get3A_884 = arith.constant 0 : index
      %get3A_885 = tpu.vector_load %arg8[%get3A_882, %get3A_883, %get3A_884] {strides = array<i32>} : memref<16x16x16xf32, #tpu.memory_space<vmem>>, vector<16xf32>,
      %add3A_886 = arith.addf %add3A_879, %get3A_885 : vector<16xf32>
      %get3A_887 = arith.constant 11 : i32
      %get3A_888 = arith.constant 7 : i32
      %get3A_889 = arith.index_cast %get3A_887 : i32 to index
      %get3A_890 = arith.index_cast %get3A_888 : i32 to index
      %get3A_891 = arith.constant 0 : index
      %get3A_892 = tpu.vector_load %arg8[%get3A_889, %get3A_890, %get3A_891] {strides = array<i32>} : memref<16x16x16xf32, #tpu.memory_space<vmem>>, vector<16xf32>,
      %add3A_893 = arith.addf %add3A_886, %get3A_892 : vector<16xf32>
      %get3A_894 = arith.constant 12 : i32
      %get3A_895 = arith.constant 7 : i32
      %get3A_896 = arith.index_cast %get3A_894 : i32 to index
      %get3A_897 = arith.index_cast %get3A_895 : i32 to index
      %get3A_898 = arith.constant 0 : index
      %get3A_899 = tpu.vector_load %arg8[%get3A_896, %get3A_897, %get3A_898] {strides = array<i32>} : memref<16x16x16xf32, #tpu.memory_space<vmem>>, vector<16xf32>,
      %add3A_900 = arith.addf %add3A_893, %get3A_899 : vector<16xf32>
      %get3A_901 = arith.constant 13 : i32
      %get3A_902 = arith.constant 7 : i32
      %get3A_903 = arith.index_cast %get3A_901 : i32 to index
      %get3A_904 = arith.index_cast %get3A_902 : i32 to index
      %get3A_905 = arith.constant 0 : index
      %get3A_906 = tpu.vector_load %arg8[%get3A_903, %get3A_904, %get3A_905] {strides = array<i32>} : memref<16x16x16xf32, #tpu.memory_space<vmem>>, vector<16xf32>,
      %add3A_907 = arith.addf %add3A_900, %get3A_906 : vector<16xf32>
      %get3A_908 = arith.constant 14 : i32
      %get3A_909 = arith.constant 7 : i32
      %get3A_910 = arith.index_cast %get3A_908 : i32 to index
      %get3A_911 = arith.index_cast %get3A_909 : i32 to index
      %get3A_912 = arith.constant 0 : index
      %get3A_913 = tpu.vector_load %arg8[%get3A_910, %get3A_911, %get3A_912] {strides = array<i32>} : memref<16x16x16xf32, #tpu.memory_space<vmem>>, vector<16xf32>,
      %add3A_914 = arith.addf %add3A_907, %get3A_913 : vector<16xf32>
      %get3A_915 = arith.constant 15 : i32
      %get3A_916 = arith.constant 7 : i32
      %get3A_917 = arith.index_cast %get3A_915 : i32 to index
      %get3A_918 = arith.index_cast %get3A_916 : i32 to index
      %get3A_919 = arith.constant 0 : index
      %get3A_920 = tpu.vector_load %arg8[%get3A_917, %get3A_918, %get3A_919] {strides = array<i32>} : memref<16x16x16xf32, #tpu.memory_space<vmem>>, vector<16xf32>,
      %add3A_921 = arith.addf %add3A_914, %get3A_920 : vector<16xf32>
      %swap3A_922 = arith.constant 7 : i32
      %swap3A_923 = arith.index_cast %swap3A_922 : i32 to index
      %swap3A_924 = arith.constant 0 : index
      %swap3A_925 = tpu.vector_load %arg7[%swap3A_923, %swap3A_924] {strides = array<i32>} : memref<16x16xf32, #tpu.memory_space<vmem>>, vector<16xf32>,
      tpu.vector_store %arg7[%swap3A_923, %swap3A_924], %add3A_921 {strides = array<i32>} : memref<16x16xf32, #tpu.memory_space<vmem>>, vector<16xf32>,
      %get3A_926 = arith.constant 0 : i32
      %get3A_927 = arith.constant 8 : i32
      %get3A_928 = arith.index_cast %get3A_926 : i32 to index
      %get3A_929 = arith.index_cast %get3A_927 : i32 to index
      %get3A_930 = arith.constant 0 : index
      %get3A_931 = tpu.vector_load %arg8[%get3A_928, %get3A_929, %get3A_930] {strides = array<i32>} : memref<16x16x16xf32, #tpu.memory_space<vmem>>, vector<16xf32>,
      %get3A_932 = arith.constant 1 : i32
      %get3A_933 = arith.constant 8 : i32
      %get3A_934 = arith.index_cast %get3A_932 : i32 to index
      %get3A_935 = arith.index_cast %get3A_933 : i32 to index
      %get3A_936 = arith.constant 0 : index
      %get3A_937 = tpu.vector_load %arg8[%get3A_934, %get3A_935, %get3A_936] {strides = array<i32>} : memref<16x16x16xf32, #tpu.memory_space<vmem>>, vector<16xf32>,
      %add3A_938 = arith.addf %get3A_931, %get3A_937 : vector<16xf32>
      %get3A_939 = arith.constant 2 : i32
      %get3A_940 = arith.constant 8 : i32
      %get3A_941 = arith.index_cast %get3A_939 : i32 to index
      %get3A_942 = arith.index_cast %get3A_940 : i32 to index
      %get3A_943 = arith.constant 0 : index
      %get3A_944 = tpu.vector_load %arg8[%get3A_941, %get3A_942, %get3A_943] {strides = array<i32>} : memref<16x16x16xf32, #tpu.memory_space<vmem>>, vector<16xf32>,
      %add3A_945 = arith.addf %add3A_938, %get3A_944 : vector<16xf32>
      %get3A_946 = arith.constant 3 : i32
      %get3A_947 = arith.constant 8 : i32
      %get3A_948 = arith.index_cast %get3A_946 : i32 to index
      %get3A_949 = arith.index_cast %get3A_947 : i32 to index
      %get3A_950 = arith.constant 0 : index
      %get3A_951 = tpu.vector_load %arg8[%get3A_948, %get3A_949, %get3A_950] {strides = array<i32>} : memref<16x16x16xf32, #tpu.memory_space<vmem>>, vector<16xf32>,
      %add3A_952 = arith.addf %add3A_945, %get3A_951 : vector<16xf32>
      %get3A_953 = arith.constant 4 : i32
      %get3A_954 = arith.constant 8 : i32
      %get3A_955 = arith.index_cast %get3A_953 : i32 to index
      %get3A_956 = arith.index_cast %get3A_954 : i32 to index
      %get3A_957 = arith.constant 0 : index
      %get3A_958 = tpu.vector_load %arg8[%get3A_955, %get3A_956, %get3A_957] {strides = array<i32>} : memref<16x16x16xf32, #tpu.memory_space<vmem>>, vector<16xf32>,
      %add3A_959 = arith.addf %add3A_952, %get3A_958 : vector<16xf32>
      %get3A_960 = arith.constant 5 : i32
      %get3A_961 = arith.constant 8 : i32
      %get3A_962 = arith.index_cast %get3A_960 : i32 to index
      %get3A_963 = arith.index_cast %get3A_961 : i32 to index
      %get3A_964 = arith.constant 0 : index
      %get3A_965 = tpu.vector_load %arg8[%get3A_962, %get3A_963, %get3A_964] {strides = array<i32>} : memref<16x16x16xf32, #tpu.memory_space<vmem>>, vector<16xf32>,
      %add3A_966 = arith.addf %add3A_959, %get3A_965 : vector<16xf32>
      %get3A_967 = arith.constant 6 : i32
      %get3A_968 = arith.constant 8 : i32
      %get3A_969 = arith.index_cast %get3A_967 : i32 to index
      %get3A_970 = arith.index_cast %get3A_968 : i32 to index
      %get3A_971 = arith.constant 0 : index
      %get3A_972 = tpu.vector_load %arg8[%get3A_969, %get3A_970, %get3A_971] {strides = array<i32>} : memref<16x16x16xf32, #tpu.memory_space<vmem>>, vector<16xf32>,
      %add3A_973 = arith.addf %add3A_966, %get3A_972 : vector<16xf32>
      %get3A_974 = arith.constant 7 : i32
      %get3A_975 = arith.constant 8 : i32
      %get3A_976 = arith.index_cast %get3A_974 : i32 to index
      %get3A_977 = arith.index_cast %get3A_975 : i32 to index
      %get3A_978 = arith.constant 0 : index
      %get3A_979 = tpu.vector_load %arg8[%get3A_976, %get3A_977, %get3A_978] {strides = array<i32>} : memref<16x16x16xf32, #tpu.memory_space<vmem>>, vector<16xf32>,
      %add3A_980 = arith.addf %add3A_973, %get3A_979 : vector<16xf32>
      %get3A_981 = arith.constant 8 : i32
      %get3A_982 = arith.constant 8 : i32
      %get3A_983 = arith.index_cast %get3A_981 : i32 to index
      %get3A_984 = arith.index_cast %get3A_982 : i32 to index
      %get3A_985 = arith.constant 0 : index
      %get3A_986 = tpu.vector_load %arg8[%get3A_983, %get3A_984, %get3A_985] {strides = array<i32>} : memref<16x16x16xf32, #tpu.memory_space<vmem>>, vector<16xf32>,
      %add3A_987 = arith.addf %add3A_980, %get3A_986 : vector<16xf32>
      %get3A_988 = arith.constant 9 : i32
      %get3A_989 = arith.constant 8 : i32
      %get3A_990 = arith.index_cast %get3A_988 : i32 to index
      %get3A_991 = arith.index_cast %get3A_989 : i32 to index
      %get3A_992 = arith.constant 0 : index
      %get3A_993 = tpu.vector_load %arg8[%get3A_990, %get3A_991, %get3A_992] {strides = array<i32>} : memref<16x16x16xf32, #tpu.memory_space<vmem>>, vector<16xf32>,
      %add3A_994 = arith.addf %add3A_987, %get3A_993 : vector<16xf32>
      %get3A_995 = arith.constant 10 : i32
      %get3A_996 = arith.constant 8 : i32
      %get3A_997 = arith.index_cast %get3A_995 : i32 to index
      %get3A_998 = arith.index_cast %get3A_996 : i32 to index
      %get3A_999 = arith.constant 0 : index
      %get3A_1000 = tpu.vector_load %arg8[%get3A_997, %get3A_998, %get3A_999] {strides = array<i32>} : memref<16x16x16xf32, #tpu.memory_space<vmem>>, vector<16xf32>,
      %add3A_1001 = arith.addf %add3A_994, %get3A_1000 : vector<16xf32>
      %get3A_1002 = arith.constant 11 : i32
      %get3A_1003 = arith.constant 8 : i32
      %get3A_1004 = arith.index_cast %get3A_1002 : i32 to index
      %get3A_1005 = arith.index_cast %get3A_1003 : i32 to index
      %get3A_1006 = arith.constant 0 : index
      %get3A_1007 = tpu.vector_load %arg8[%get3A_1004, %get3A_1005, %get3A_1006] {strides = array<i32>} : memref<16x16x16xf32, #tpu.memory_space<vmem>>, vector<16xf32>,
      %add3A_1008 = arith.addf %add3A_1001, %get3A_1007 : vector<16xf32>
      %get3A_1009 = arith.constant 12 : i32
      %get3A_1010 = arith.constant 8 : i32
      %get3A_1011 = arith.index_cast %get3A_1009 : i32 to index
      %get3A_1012 = arith.index_cast %get3A_1010 : i32 to index
      %get3A_1013 = arith.constant 0 : index
      %get3A_1014 = tpu.vector_load %arg8[%get3A_1011, %get3A_1012, %get3A_1013] {strides = array<i32>} : memref<16x16x16xf32, #tpu.memory_space<vmem>>, vector<16xf32>,
      %add3A_1015 = arith.addf %add3A_1008, %get3A_1014 : vector<16xf32>
      %get3A_1016 = arith.constant 13 : i32
      %get3A_1017 = arith.constant 8 : i32
      %get3A_1018 = arith.index_cast %get3A_1016 : i32 to index
      %get3A_1019 = arith.index_cast %get3A_1017 : i32 to index
      %get3A_1020 = arith.constant 0 : index
      %get3A_1021 = tpu.vector_load %arg8[%get3A_1018, %get3A_1019, %get3A_1020] {strides = array<i32>} : memref<16x16x16xf32, #tpu.memory_space<vmem>>, vector<16xf32>,
      %add3A_1022 = arith.addf %add3A_1015, %get3A_1021 : vector<16xf32>
      %get3A_1023 = arith.constant 14 : i32
      %get3A_1024 = arith.constant 8 : i32
      %get3A_1025 = arith.index_cast %get3A_1023 : i32 to index
      %get3A_1026 = arith.index_cast %get3A_1024 : i32 to index
      %get3A_1027 = arith.constant 0 : index
      %get3A_1028 = tpu.vector_load %arg8[%get3A_1025, %get3A_1026, %get3A_1027] {strides = array<i32>} : memref<16x16x16xf32, #tpu.memory_space<vmem>>, vector<16xf32>,
      %add3A_1029 = arith.addf %add3A_1022, %get3A_1028 : vector<16xf32>
      %get3A_1030 = arith.constant 15 : i32
      %get3A_1031 = arith.constant 8 : i32
      %get3A_1032 = arith.index_cast %get3A_1030 : i32 to index
      %get3A_1033 = arith.index_cast %get3A_1031 : i32 to index
      %get3A_1034 = arith.constant 0 : index
      %get3A_1035 = tpu.vector_load %arg8[%get3A_1032, %get3A_1033, %get3A_1034] {strides = array<i32>} : memref<16x16x16xf32, #tpu.memory_space<vmem>>, vector<16xf32>,
      %add3A_1036 = arith.addf %add3A_1029, %get3A_1035 : vector<16xf32>
      %swap3A_1037 = arith.constant 8 : i32
      %swap3A_1038 = arith.index_cast %swap3A_1037 : i32 to index
      %swap3A_1039 = arith.constant 0 : index
      %swap3A_1040 = tpu.vector_load %arg7[%swap3A_1038, %swap3A_1039] {strides = array<i32>} : memref<16x16xf32, #tpu.memory_space<vmem>>, vector<16xf32>,
      tpu.vector_store %arg7[%swap3A_1038, %swap3A_1039], %add3A_1036 {strides = array<i32>} : memref<16x16xf32, #tpu.memory_space<vmem>>, vector<16xf32>,
      %get3A_1041 = arith.constant 0 : i32
      %get3A_1042 = arith.constant 9 : i32
      %get3A_1043 = arith.index_cast %get3A_1041 : i32 to index
      %get3A_1044 = arith.index_cast %get3A_1042 : i32 to index
      %get3A_1045 = arith.constant 0 : index
      %get3A_1046 = tpu.vector_load %arg8[%get3A_1043, %get3A_1044, %get3A_1045] {strides = array<i32>} : memref<16x16x16xf32, #tpu.memory_space<vmem>>, vector<16xf32>,
      %get3A_1047 = arith.constant 1 : i32
      %get3A_1048 = arith.constant 9 : i32
      %get3A_1049 = arith.index_cast %get3A_1047 : i32 to index
      %get3A_1050 = arith.index_cast %get3A_1048 : i32 to index
      %get3A_1051 = arith.constant 0 : index
      %get3A_1052 = tpu.vector_load %arg8[%get3A_1049, %get3A_1050, %get3A_1051] {strides = array<i32>} : memref<16x16x16xf32, #tpu.memory_space<vmem>>, vector<16xf32>,
      %add3A_1053 = arith.addf %get3A_1046, %get3A_1052 : vector<16xf32>
      %get3A_1054 = arith.constant 2 : i32
      %get3A_1055 = arith.constant 9 : i32
      %get3A_1056 = arith.index_cast %get3A_1054 : i32 to index
      %get3A_1057 = arith.index_cast %get3A_1055 : i32 to index
      %get3A_1058 = arith.constant 0 : index
      %get3A_1059 = tpu.vector_load %arg8[%get3A_1056, %get3A_1057, %get3A_1058] {strides = array<i32>} : memref<16x16x16xf32, #tpu.memory_space<vmem>>, vector<16xf32>,
      %add3A_1060 = arith.addf %add3A_1053, %get3A_1059 : vector<16xf32>
      %get3A_1061 = arith.constant 3 : i32
      %get3A_1062 = arith.constant 9 : i32
      %get3A_1063 = arith.index_cast %get3A_1061 : i32 to index
      %get3A_1064 = arith.index_cast %get3A_1062 : i32 to index
      %get3A_1065 = arith.constant 0 : index
      %get3A_1066 = tpu.vector_load %arg8[%get3A_1063, %get3A_1064, %get3A_1065] {strides = array<i32>} : memref<16x16x16xf32, #tpu.memory_space<vmem>>, vector<16xf32>,
      %add3A_1067 = arith.addf %add3A_1060, %get3A_1066 : vector<16xf32>
      %get3A_1068 = arith.constant 4 : i32
      %get3A_1069 = arith.constant 9 : i32
      %get3A_1070 = arith.index_cast %get3A_1068 : i32 to index
      %get3A_1071 = arith.index_cast %get3A_1069 : i32 to index
      %get3A_1072 = arith.constant 0 : index
      %get3A_1073 = tpu.vector_load %arg8[%get3A_1070, %get3A_1071, %get3A_1072] {strides = array<i32>} : memref<16x16x16xf32, #tpu.memory_space<vmem>>, vector<16xf32>,
      %add3A_1074 = arith.addf %add3A_1067, %get3A_1073 : vector<16xf32>
      %get3A_1075 = arith.constant 5 : i32
      %get3A_1076 = arith.constant 9 : i32
      %get3A_1077 = arith.index_cast %get3A_1075 : i32 to index
      %get3A_1078 = arith.index_cast %get3A_1076 : i32 to index
      %get3A_1079 = arith.constant 0 : index
      %get3A_1080 = tpu.vector_load %arg8[%get3A_1077, %get3A_1078, %get3A_1079] {strides = array<i32>} : memref<16x16x16xf32, #tpu.memory_space<vmem>>, vector<16xf32>,
      %add3A_1081 = arith.addf %add3A_1074, %get3A_1080 : vector<16xf32>
      %get3A_1082 = arith.constant 6 : i32
      %get3A_1083 = arith.constant 9 : i32
      %get3A_1084 = arith.index_cast %get3A_1082 : i32 to index
      %get3A_1085 = arith.index_cast %get3A_1083 : i32 to index
      %get3A_1086 = arith.constant 0 : index
      %get3A_1087 = tpu.vector_load %arg8[%get3A_1084, %get3A_1085, %get3A_1086] {strides = array<i32>} : memref<16x16x16xf32, #tpu.memory_space<vmem>>, vector<16xf32>,
      %add3A_1088 = arith.addf %add3A_1081, %get3A_1087 : vector<16xf32>
      %get3A_1089 = arith.constant 7 : i32
      %get3A_1090 = arith.constant 9 : i32
      %get3A_1091 = arith.index_cast %get3A_1089 : i32 to index
      %get3A_1092 = arith.index_cast %get3A_1090 : i32 to index
      %get3A_1093 = arith.constant 0 : index
      %get3A_1094 = tpu.vector_load %arg8[%get3A_1091, %get3A_1092, %get3A_1093] {strides = array<i32>} : memref<16x16x16xf32, #tpu.memory_space<vmem>>, vector<16xf32>,
      %add3A_1095 = arith.addf %add3A_1088, %get3A_1094 : vector<16xf32>
      %get3A_1096 = arith.constant 8 : i32
      %get3A_1097 = arith.constant 9 : i32
      %get3A_1098 = arith.index_cast %get3A_1096 : i32 to index
      %get3A_1099 = arith.index_cast %get3A_1097 : i32 to index
      %get3A_1100 = arith.constant 0 : index
      %get3A_1101 = tpu.vector_load %arg8[%get3A_1098, %get3A_1099, %get3A_1100] {strides = array<i32>} : memref<16x16x16xf32, #tpu.memory_space<vmem>>, vector<16xf32>,
      %add3A_1102 = arith.addf %add3A_1095, %get3A_1101 : vector<16xf32>
      %get3A_1103 = arith.constant 9 : i32
      %get3A_1104 = arith.constant 9 : i32
      %get3A_1105 = arith.index_cast %get3A_1103 : i32 to index
      %get3A_1106 = arith.index_cast %get3A_1104 : i32 to index
      %get3A_1107 = arith.constant 0 : index
      %get3A_1108 = tpu.vector_load %arg8[%get3A_1105, %get3A_1106, %get3A_1107] {strides = array<i32>} : memref<16x16x16xf32, #tpu.memory_space<vmem>>, vector<16xf32>,
      %add3A_1109 = arith.addf %add3A_1102, %get3A_1108 : vector<16xf32>
      %get3A_1110 = arith.constant 10 : i32
      %get3A_1111 = arith.constant 9 : i32
      %get3A_1112 = arith.index_cast %get3A_1110 : i32 to index
      %get3A_1113 = arith.index_cast %get3A_1111 : i32 to index
      %get3A_1114 = arith.constant 0 : index
      %get3A_1115 = tpu.vector_load %arg8[%get3A_1112, %get3A_1113, %get3A_1114] {strides = array<i32>} : memref<16x16x16xf32, #tpu.memory_space<vmem>>, vector<16xf32>,
      %add3A_1116 = arith.addf %add3A_1109, %get3A_1115 : vector<16xf32>
      %get3A_1117 = arith.constant 11 : i32
      %get3A_1118 = arith.constant 9 : i32
      %get3A_1119 = arith.index_cast %get3A_1117 : i32 to index
      %get3A_1120 = arith.index_cast %get3A_1118 : i32 to index
      %get3A_1121 = arith.constant 0 : index
      %get3A_1122 = tpu.vector_load %arg8[%get3A_1119, %get3A_1120, %get3A_1121] {strides = array<i32>} : memref<16x16x16xf32, #tpu.memory_space<vmem>>, vector<16xf32>,
      %add3A_1123 = arith.addf %add3A_1116, %get3A_1122 : vector<16xf32>
      %get3A_1124 = arith.constant 12 : i32
      %get3A_1125 = arith.constant 9 : i32
      %get3A_1126 = arith.index_cast %get3A_1124 : i32 to index
      %get3A_1127 = arith.index_cast %get3A_1125 : i32 to index
      %get3A_1128 = arith.constant 0 : index
      %get3A_1129 = tpu.vector_load %arg8[%get3A_1126, %get3A_1127, %get3A_1128] {strides = array<i32>} : memref<16x16x16xf32, #tpu.memory_space<vmem>>, vector<16xf32>,
      %add3A_1130 = arith.addf %add3A_1123, %get3A_1129 : vector<16xf32>
      %get3A_1131 = arith.constant 13 : i32
      %get3A_1132 = arith.constant 9 : i32
      %get3A_1133 = arith.index_cast %get3A_1131 : i32 to index
      %get3A_1134 = arith.index_cast %get3A_1132 : i32 to index
      %get3A_1135 = arith.constant 0 : index
      %get3A_1136 = tpu.vector_load %arg8[%get3A_1133, %get3A_1134, %get3A_1135] {strides = array<i32>} : memref<16x16x16xf32, #tpu.memory_space<vmem>>, vector<16xf32>,
      %add3A_1137 = arith.addf %add3A_1130, %get3A_1136 : vector<16xf32>
      %get3A_1138 = arith.constant 14 : i32
      %get3A_1139 = arith.constant 9 : i32
      %get3A_1140 = arith.index_cast %get3A_1138 : i32 to index
      %get3A_1141 = arith.index_cast %get3A_1139 : i32 to index
      %get3A_1142 = arith.constant 0 : index
      %get3A_1143 = tpu.vector_load %arg8[%get3A_1140, %get3A_1141, %get3A_1142] {strides = array<i32>} : memref<16x16x16xf32, #tpu.memory_space<vmem>>, vector<16xf32>,
      %add3A_1144 = arith.addf %add3A_1137, %get3A_1143 : vector<16xf32>
      %get3A_1145 = arith.constant 15 : i32
      %get3A_1146 = arith.constant 9 : i32
      %get3A_1147 = arith.index_cast %get3A_1145 : i32 to index
      %get3A_1148 = arith.index_cast %get3A_1146 : i32 to index
      %get3A_1149 = arith.constant 0 : index
      %get3A_1150 = tpu.vector_load %arg8[%get3A_1147, %get3A_1148, %get3A_1149] {strides = array<i32>} : memref<16x16x16xf32, #tpu.memory_space<vmem>>, vector<16xf32>,
      %add3A_1151 = arith.addf %add3A_1144, %get3A_1150 : vector<16xf32>
      %swap3A_1152 = arith.constant 9 : i32
      %swap3A_1153 = arith.index_cast %swap3A_1152 : i32 to index
      %swap3A_1154 = arith.constant 0 : index
      %swap3A_1155 = tpu.vector_load %arg7[%swap3A_1153, %swap3A_1154] {strides = array<i32>} : memref<16x16xf32, #tpu.memory_space<vmem>>, vector<16xf32>,
      tpu.vector_store %arg7[%swap3A_1153, %swap3A_1154], %add3A_1151 {strides = array<i32>} : memref<16x16xf32, #tpu.memory_space<vmem>>, vector<16xf32>,
      %get3A_1156 = arith.constant 0 : i32
      %get3A_1157 = arith.constant 10 : i32
      %get3A_1158 = arith.index_cast %get3A_1156 : i32 to index
      %get3A_1159 = arith.index_cast %get3A_1157 : i32 to index
      %get3A_1160 = arith.constant 0 : index
      %get3A_1161 = tpu.vector_load %arg8[%get3A_1158, %get3A_1159, %get3A_1160] {strides = array<i32>} : memref<16x16x16xf32, #tpu.memory_space<vmem>>, vector<16xf32>,
      %get3A_1162 = arith.constant 1 : i32
      %get3A_1163 = arith.constant 10 : i32
      %get3A_1164 = arith.index_cast %get3A_1162 : i32 to index
      %get3A_1165 = arith.index_cast %get3A_1163 : i32 to index
      %get3A_1166 = arith.constant 0 : index
      %get3A_1167 = tpu.vector_load %arg8[%get3A_1164, %get3A_1165, %get3A_1166] {strides = array<i32>} : memref<16x16x16xf32, #tpu.memory_space<vmem>>, vector<16xf32>,
      %add3A_1168 = arith.addf %get3A_1161, %get3A_1167 : vector<16xf32>
      %get3A_1169 = arith.constant 2 : i32
      %get3A_1170 = arith.constant 10 : i32
      %get3A_1171 = arith.index_cast %get3A_1169 : i32 to index
      %get3A_1172 = arith.index_cast %get3A_1170 : i32 to index
      %get3A_1173 = arith.constant 0 : index
      %get3A_1174 = tpu.vector_load %arg8[%get3A_1171, %get3A_1172, %get3A_1173] {strides = array<i32>} : memref<16x16x16xf32, #tpu.memory_space<vmem>>, vector<16xf32>,
      %add3A_1175 = arith.addf %add3A_1168, %get3A_1174 : vector<16xf32>
      %get3A_1176 = arith.constant 3 : i32
      %get3A_1177 = arith.constant 10 : i32
      %get3A_1178 = arith.index_cast %get3A_1176 : i32 to index
      %get3A_1179 = arith.index_cast %get3A_1177 : i32 to index
      %get3A_1180 = arith.constant 0 : index
      %get3A_1181 = tpu.vector_load %arg8[%get3A_1178, %get3A_1179, %get3A_1180] {strides = array<i32>} : memref<16x16x16xf32, #tpu.memory_space<vmem>>, vector<16xf32>,
      %add3A_1182 = arith.addf %add3A_1175, %get3A_1181 : vector<16xf32>
      %get3A_1183 = arith.constant 4 : i32
      %get3A_1184 = arith.constant 10 : i32
      %get3A_1185 = arith.index_cast %get3A_1183 : i32 to index
      %get3A_1186 = arith.index_cast %get3A_1184 : i32 to index
      %get3A_1187 = arith.constant 0 : index
      %get3A_1188 = tpu.vector_load %arg8[%get3A_1185, %get3A_1186, %get3A_1187] {strides = array<i32>} : memref<16x16x16xf32, #tpu.memory_space<vmem>>, vector<16xf32>,
      %add3A_1189 = arith.addf %add3A_1182, %get3A_1188 : vector<16xf32>
      %get3A_1190 = arith.constant 5 : i32
      %get3A_1191 = arith.constant 10 : i32
      %get3A_1192 = arith.index_cast %get3A_1190 : i32 to index
      %get3A_1193 = arith.index_cast %get3A_1191 : i32 to index
      %get3A_1194 = arith.constant 0 : index
      %get3A_1195 = tpu.vector_load %arg8[%get3A_1192, %get3A_1193, %get3A_1194] {strides = array<i32>} : memref<16x16x16xf32, #tpu.memory_space<vmem>>, vector<16xf32>,
      %add3A_1196 = arith.addf %add3A_1189, %get3A_1195 : vector<16xf32>
      %get3A_1197 = arith.constant 6 : i32
      %get3A_1198 = arith.constant 10 : i32
      %get3A_1199 = arith.index_cast %get3A_1197 : i32 to index
      %get3A_1200 = arith.index_cast %get3A_1198 : i32 to index
      %get3A_1201 = arith.constant 0 : index
      %get3A_1202 = tpu.vector_load %arg8[%get3A_1199, %get3A_1200, %get3A_1201] {strides = array<i32>} : memref<16x16x16xf32, #tpu.memory_space<vmem>>, vector<16xf32>,
      %add3A_1203 = arith.addf %add3A_1196, %get3A_1202 : vector<16xf32>
      %get3A_1204 = arith.constant 7 : i32
      %get3A_1205 = arith.constant 10 : i32
      %get3A_1206 = arith.index_cast %get3A_1204 : i32 to index
      %get3A_1207 = arith.index_cast %get3A_1205 : i32 to index
      %get3A_1208 = arith.constant 0 : index
      %get3A_1209 = tpu.vector_load %arg8[%get3A_1206, %get3A_1207, %get3A_1208] {strides = array<i32>} : memref<16x16x16xf32, #tpu.memory_space<vmem>>, vector<16xf32>,
      %add3A_1210 = arith.addf %add3A_1203, %get3A_1209 : vector<16xf32>
      %get3A_1211 = arith.constant 8 : i32
      %get3A_1212 = arith.constant 10 : i32
      %get3A_1213 = arith.index_cast %get3A_1211 : i32 to index
      %get3A_1214 = arith.index_cast %get3A_1212 : i32 to index
      %get3A_1215 = arith.constant 0 : index
      %get3A_1216 = tpu.vector_load %arg8[%get3A_1213, %get3A_1214, %get3A_1215] {strides = array<i32>} : memref<16x16x16xf32, #tpu.memory_space<vmem>>, vector<16xf32>,
      %add3A_1217 = arith.addf %add3A_1210, %get3A_1216 : vector<16xf32>
      %get3A_1218 = arith.constant 9 : i32
      %get3A_1219 = arith.constant 10 : i32
      %get3A_1220 = arith.index_cast %get3A_1218 : i32 to index
      %get3A_1221 = arith.index_cast %get3A_1219 : i32 to index
      %get3A_1222 = arith.constant 0 : index
      %get3A_1223 = tpu.vector_load %arg8[%get3A_1220, %get3A_1221, %get3A_1222] {strides = array<i32>} : memref<16x16x16xf32, #tpu.memory_space<vmem>>, vector<16xf32>,
      %add3A_1224 = arith.addf %add3A_1217, %get3A_1223 : vector<16xf32>
      %get3A_1225 = arith.constant 10 : i32
      %get3A_1226 = arith.constant 10 : i32
      %get3A_1227 = arith.index_cast %get3A_1225 : i32 to index
      %get3A_1228 = arith.index_cast %get3A_1226 : i32 to index
      %get3A_1229 = arith.constant 0 : index
      %get3A_1230 = tpu.vector_load %arg8[%get3A_1227, %get3A_1228, %get3A_1229] {strides = array<i32>} : memref<16x16x16xf32, #tpu.memory_space<vmem>>, vector<16xf32>,
      %add3A_1231 = arith.addf %add3A_1224, %get3A_1230 : vector<16xf32>
      %get3A_1232 = arith.constant 11 : i32
      %get3A_1233 = arith.constant 10 : i32
      %get3A_1234 = arith.index_cast %get3A_1232 : i32 to index
      %get3A_1235 = arith.index_cast %get3A_1233 : i32 to index
      %get3A_1236 = arith.constant 0 : index
      %get3A_1237 = tpu.vector_load %arg8[%get3A_1234, %get3A_1235, %get3A_1236] {strides = array<i32>} : memref<16x16x16xf32, #tpu.memory_space<vmem>>, vector<16xf32>,
      %add3A_1238 = arith.addf %add3A_1231, %get3A_1237 : vector<16xf32>
      %get3A_1239 = arith.constant 12 : i32
      %get3A_1240 = arith.constant 10 : i32
      %get3A_1241 = arith.index_cast %get3A_1239 : i32 to index
      %get3A_1242 = arith.index_cast %get3A_1240 : i32 to index
      %get3A_1243 = arith.constant 0 : index
      %get3A_1244 = tpu.vector_load %arg8[%get3A_1241, %get3A_1242, %get3A_1243] {strides = array<i32>} : memref<16x16x16xf32, #tpu.memory_space<vmem>>, vector<16xf32>,
      %add3A_1245 = arith.addf %add3A_1238, %get3A_1244 : vector<16xf32>
      %get3A_1246 = arith.constant 13 : i32
      %get3A_1247 = arith.constant 10 : i32
      %get3A_1248 = arith.index_cast %get3A_1246 : i32 to index
      %get3A_1249 = arith.index_cast %get3A_1247 : i32 to index
      %get3A_1250 = arith.constant 0 : index
      %get3A_1251 = tpu.vector_load %arg8[%get3A_1248, %get3A_1249, %get3A_1250] {strides = array<i32>} : memref<16x16x16xf32, #tpu.memory_space<vmem>>, vector<16xf32>,
      %add3A_1252 = arith.addf %add3A_1245, %get3A_1251 : vector<16xf32>
      %get3A_1253 = arith.constant 14 : i32
      %get3A_1254 = arith.constant 10 : i32
      %get3A_1255 = arith.index_cast %get3A_1253 : i32 to index
      %get3A_1256 = arith.index_cast %get3A_1254 : i32 to index
      %get3A_1257 = arith.constant 0 : index
      %get3A_1258 = tpu.vector_load %arg8[%get3A_1255, %get3A_1256, %get3A_1257] {strides = array<i32>} : memref<16x16x16xf32, #tpu.memory_space<vmem>>, vector<16xf32>,
      %add3A_1259 = arith.addf %add3A_1252, %get3A_1258 : vector<16xf32>
      %get3A_1260 = arith.constant 15 : i32
      %get3A_1261 = arith.constant 10 : i32
      %get3A_1262 = arith.index_cast %get3A_1260 : i32 to index
      %get3A_1263 = arith.index_cast %get3A_1261 : i32 to index
      %get3A_1264 = arith.constant 0 : index
      %get3A_1265 = tpu.vector_load %arg8[%get3A_1262, %get3A_1263, %get3A_1264] {strides = array<i32>} : memref<16x16x16xf32, #tpu.memory_space<vmem>>, vector<16xf32>,
      %add3A_1266 = arith.addf %add3A_1259, %get3A_1265 : vector<16xf32>
      %swap3A_1267 = arith.constant 10 : i32
      %swap3A_1268 = arith.index_cast %swap3A_1267 : i32 to index
      %swap3A_1269 = arith.constant 0 : index
      %swap3A_1270 = tpu.vector_load %arg7[%swap3A_1268, %swap3A_1269] {strides = array<i32>} : memref<16x16xf32, #tpu.memory_space<vmem>>, vector<16xf32>,
      tpu.vector_store %arg7[%swap3A_1268, %swap3A_1269], %add3A_1266 {strides = array<i32>} : memref<16x16xf32, #tpu.memory_space<vmem>>, vector<16xf32>,
      %get3A_1271 = arith.constant 0 : i32
      %get3A_1272 = arith.constant 11 : i32
      %get3A_1273 = arith.index_cast %get3A_1271 : i32 to index
      %get3A_1274 = arith.index_cast %get3A_1272 : i32 to index
      %get3A_1275 = arith.constant 0 : index
      %get3A_1276 = tpu.vector_load %arg8[%get3A_1273, %get3A_1274, %get3A_1275] {strides = array<i32>} : memref<16x16x16xf32, #tpu.memory_space<vmem>>, vector<16xf32>,
      %get3A_1277 = arith.constant 1 : i32
      %get3A_1278 = arith.constant 11 : i32
      %get3A_1279 = arith.index_cast %get3A_1277 : i32 to index
      %get3A_1280 = arith.index_cast %get3A_1278 : i32 to index
      %get3A_1281 = arith.constant 0 : index
      %get3A_1282 = tpu.vector_load %arg8[%get3A_1279, %get3A_1280, %get3A_1281] {strides = array<i32>} : memref<16x16x16xf32, #tpu.memory_space<vmem>>, vector<16xf32>,
      %add3A_1283 = arith.addf %get3A_1276, %get3A_1282 : vector<16xf32>
      %get3A_1284 = arith.constant 2 : i32
      %get3A_1285 = arith.constant 11 : i32
      %get3A_1286 = arith.index_cast %get3A_1284 : i32 to index
      %get3A_1287 = arith.index_cast %get3A_1285 : i32 to index
      %get3A_1288 = arith.constant 0 : index
      %get3A_1289 = tpu.vector_load %arg8[%get3A_1286, %get3A_1287, %get3A_1288] {strides = array<i32>} : memref<16x16x16xf32, #tpu.memory_space<vmem>>, vector<16xf32>,
      %add3A_1290 = arith.addf %add3A_1283, %get3A_1289 : vector<16xf32>
      %get3A_1291 = arith.constant 3 : i32
      %get3A_1292 = arith.constant 11 : i32
      %get3A_1293 = arith.index_cast %get3A_1291 : i32 to index
      %get3A_1294 = arith.index_cast %get3A_1292 : i32 to index
      %get3A_1295 = arith.constant 0 : index
      %get3A_1296 = tpu.vector_load %arg8[%get3A_1293, %get3A_1294, %get3A_1295] {strides = array<i32>} : memref<16x16x16xf32, #tpu.memory_space<vmem>>, vector<16xf32>,
      %add3A_1297 = arith.addf %add3A_1290, %get3A_1296 : vector<16xf32>
      %get3A_1298 = arith.constant 4 : i32
      %get3A_1299 = arith.constant 11 : i32
      %get3A_1300 = arith.index_cast %get3A_1298 : i32 to index
      %get3A_1301 = arith.index_cast %get3A_1299 : i32 to index
      %get3A_1302 = arith.constant 0 : index
      %get3A_1303 = tpu.vector_load %arg8[%get3A_1300, %get3A_1301, %get3A_1302] {strides = array<i32>} : memref<16x16x16xf32, #tpu.memory_space<vmem>>, vector<16xf32>,
      %add3A_1304 = arith.addf %add3A_1297, %get3A_1303 : vector<16xf32>
      %get3A_1305 = arith.constant 5 : i32
      %get3A_1306 = arith.constant 11 : i32
      %get3A_1307 = arith.index_cast %get3A_1305 : i32 to index
      %get3A_1308 = arith.index_cast %get3A_1306 : i32 to index
      %get3A_1309 = arith.constant 0 : index
      %get3A_1310 = tpu.vector_load %arg8[%get3A_1307, %get3A_1308, %get3A_1309] {strides = array<i32>} : memref<16x16x16xf32, #tpu.memory_space<vmem>>, vector<16xf32>,
      %add3A_1311 = arith.addf %add3A_1304, %get3A_1310 : vector<16xf32>
      %get3A_1312 = arith.constant 6 : i32
      %get3A_1313 = arith.constant 11 : i32
      %get3A_1314 = arith.index_cast %get3A_1312 : i32 to index
      %get3A_1315 = arith.index_cast %get3A_1313 : i32 to index
      %get3A_1316 = arith.constant 0 : index
      %get3A_1317 = tpu.vector_load %arg8[%get3A_1314, %get3A_1315, %get3A_1316] {strides = array<i32>} : memref<16x16x16xf32, #tpu.memory_space<vmem>>, vector<16xf32>,
      %add3A_1318 = arith.addf %add3A_1311, %get3A_1317 : vector<16xf32>
      %get3A_1319 = arith.constant 7 : i32
      %get3A_1320 = arith.constant 11 : i32
      %get3A_1321 = arith.index_cast %get3A_1319 : i32 to index
      %get3A_1322 = arith.index_cast %get3A_1320 : i32 to index
      %get3A_1323 = arith.constant 0 : index
      %get3A_1324 = tpu.vector_load %arg8[%get3A_1321, %get3A_1322, %get3A_1323] {strides = array<i32>} : memref<16x16x16xf32, #tpu.memory_space<vmem>>, vector<16xf32>,
      %add3A_1325 = arith.addf %add3A_1318, %get3A_1324 : vector<16xf32>
      %get3A_1326 = arith.constant 8 : i32
      %get3A_1327 = arith.constant 11 : i32
      %get3A_1328 = arith.index_cast %get3A_1326 : i32 to index
      %get3A_1329 = arith.index_cast %get3A_1327 : i32 to index
      %get3A_1330 = arith.constant 0 : index
      %get3A_1331 = tpu.vector_load %arg8[%get3A_1328, %get3A_1329, %get3A_1330] {strides = array<i32>} : memref<16x16x16xf32, #tpu.memory_space<vmem>>, vector<16xf32>,
      %add3A_1332 = arith.addf %add3A_1325, %get3A_1331 : vector<16xf32>
      %get3A_1333 = arith.constant 9 : i32
      %get3A_1334 = arith.constant 11 : i32
      %get3A_1335 = arith.index_cast %get3A_1333 : i32 to index
      %get3A_1336 = arith.index_cast %get3A_1334 : i32 to index
      %get3A_1337 = arith.constant 0 : index
      %get3A_1338 = tpu.vector_load %arg8[%get3A_1335, %get3A_1336, %get3A_1337] {strides = array<i32>} : memref<16x16x16xf32, #tpu.memory_space<vmem>>, vector<16xf32>,
      %add3A_1339 = arith.addf %add3A_1332, %get3A_1338 : vector<16xf32>
      %get3A_1340 = arith.constant 10 : i32
      %get3A_1341 = arith.constant 11 : i32
      %get3A_1342 = arith.index_cast %get3A_1340 : i32 to index
      %get3A_1343 = arith.index_cast %get3A_1341 : i32 to index
      %get3A_1344 = arith.constant 0 : index
      %get3A_1345 = tpu.vector_load %arg8[%get3A_1342, %get3A_1343, %get3A_1344] {strides = array<i32>} : memref<16x16x16xf32, #tpu.memory_space<vmem>>, vector<16xf32>,
      %add3A_1346 = arith.addf %add3A_1339, %get3A_1345 : vector<16xf32>
      %get3A_1347 = arith.constant 11 : i32
      %get3A_1348 = arith.constant 11 : i32
      %get3A_1349 = arith.index_cast %get3A_1347 : i32 to index
      %get3A_1350 = arith.index_cast %get3A_1348 : i32 to index
      %get3A_1351 = arith.constant 0 : index
      %get3A_1352 = tpu.vector_load %arg8[%get3A_1349, %get3A_1350, %get3A_1351] {strides = array<i32>} : memref<16x16x16xf32, #tpu.memory_space<vmem>>, vector<16xf32>,
      %add3A_1353 = arith.addf %add3A_1346, %get3A_1352 : vector<16xf32>
      %get3A_1354 = arith.constant 12 : i32
      %get3A_1355 = arith.constant 11 : i32
      %get3A_1356 = arith.index_cast %get3A_1354 : i32 to index
      %get3A_1357 = arith.index_cast %get3A_1355 : i32 to index
      %get3A_1358 = arith.constant 0 : index
      %get3A_1359 = tpu.vector_load %arg8[%get3A_1356, %get3A_1357, %get3A_1358] {strides = array<i32>} : memref<16x16x16xf32, #tpu.memory_space<vmem>>, vector<16xf32>,
      %add3A_1360 = arith.addf %add3A_1353, %get3A_1359 : vector<16xf32>
      %get3A_1361 = arith.constant 13 : i32
      %get3A_1362 = arith.constant 11 : i32
      %get3A_1363 = arith.index_cast %get3A_1361 : i32 to index
      %get3A_1364 = arith.index_cast %get3A_1362 : i32 to index
      %get3A_1365 = arith.constant 0 : index
      %get3A_1366 = tpu.vector_load %arg8[%get3A_1363, %get3A_1364, %get3A_1365] {strides = array<i32>} : memref<16x16x16xf32, #tpu.memory_space<vmem>>, vector<16xf32>,
      %add3A_1367 = arith.addf %add3A_1360, %get3A_1366 : vector<16xf32>
      %get3A_1368 = arith.constant 14 : i32
      %get3A_1369 = arith.constant 11 : i32
      %get3A_1370 = arith.index_cast %get3A_1368 : i32 to index
      %get3A_1371 = arith.index_cast %get3A_1369 : i32 to index
      %get3A_1372 = arith.constant 0 : index
      %get3A_1373 = tpu.vector_load %arg8[%get3A_1370, %get3A_1371, %get3A_1372] {strides = array<i32>} : memref<16x16x16xf32, #tpu.memory_space<vmem>>, vector<16xf32>,
      %add3A_1374 = arith.addf %add3A_1367, %get3A_1373 : vector<16xf32>
      %get3A_1375 = arith.constant 15 : i32
      %get3A_1376 = arith.constant 11 : i32
      %get3A_1377 = arith.index_cast %get3A_1375 : i32 to index
      %get3A_1378 = arith.index_cast %get3A_1376 : i32 to index
      %get3A_1379 = arith.constant 0 : index
      %get3A_1380 = tpu.vector_load %arg8[%get3A_1377, %get3A_1378, %get3A_1379] {strides = array<i32>} : memref<16x16x16xf32, #tpu.memory_space<vmem>>, vector<16xf32>,
      %add3A_1381 = arith.addf %add3A_1374, %get3A_1380 : vector<16xf32>
      %swap3A_1382 = arith.constant 11 : i32
      %swap3A_1383 = arith.index_cast %swap3A_1382 : i32 to index
      %swap3A_1384 = arith.constant 0 : index
      %swap3A_1385 = tpu.vector_load %arg7[%swap3A_1383, %swap3A_1384] {strides = array<i32>} : memref<16x16xf32, #tpu.memory_space<vmem>>, vector<16xf32>,
      tpu.vector_store %arg7[%swap3A_1383, %swap3A_1384], %add3A_1381 {strides = array<i32>} : memref<16x16xf32, #tpu.memory_space<vmem>>, vector<16xf32>,
      %get3A_1386 = arith.constant 0 : i32
      %get3A_1387 = arith.constant 12 : i32
      %get3A_1388 = arith.index_cast %get3A_1386 : i32 to index
      %get3A_1389 = arith.index_cast %get3A_1387 : i32 to index
      %get3A_1390 = arith.constant 0 : index
      %get3A_1391 = tpu.vector_load %arg8[%get3A_1388, %get3A_1389, %get3A_1390] {strides = array<i32>} : memref<16x16x16xf32, #tpu.memory_space<vmem>>, vector<16xf32>,
      %get3A_1392 = arith.constant 1 : i32
      %get3A_1393 = arith.constant 12 : i32
      %get3A_1394 = arith.index_cast %get3A_1392 : i32 to index
      %get3A_1395 = arith.index_cast %get3A_1393 : i32 to index
      %get3A_1396 = arith.constant 0 : index
      %get3A_1397 = tpu.vector_load %arg8[%get3A_1394, %get3A_1395, %get3A_1396] {strides = array<i32>} : memref<16x16x16xf32, #tpu.memory_space<vmem>>, vector<16xf32>,
      %add3A_1398 = arith.addf %get3A_1391, %get3A_1397 : vector<16xf32>
      %get3A_1399 = arith.constant 2 : i32
      %get3A_1400 = arith.constant 12 : i32
      %get3A_1401 = arith.index_cast %get3A_1399 : i32 to index
      %get3A_1402 = arith.index_cast %get3A_1400 : i32 to index
      %get3A_1403 = arith.constant 0 : index
      %get3A_1404 = tpu.vector_load %arg8[%get3A_1401, %get3A_1402, %get3A_1403] {strides = array<i32>} : memref<16x16x16xf32, #tpu.memory_space<vmem>>, vector<16xf32>,
      %add3A_1405 = arith.addf %add3A_1398, %get3A_1404 : vector<16xf32>
      %get3A_1406 = arith.constant 3 : i32
      %get3A_1407 = arith.constant 12 : i32
      %get3A_1408 = arith.index_cast %get3A_1406 : i32 to index
      %get3A_1409 = arith.index_cast %get3A_1407 : i32 to index
      %get3A_1410 = arith.constant 0 : index
      %get3A_1411 = tpu.vector_load %arg8[%get3A_1408, %get3A_1409, %get3A_1410] {strides = array<i32>} : memref<16x16x16xf32, #tpu.memory_space<vmem>>, vector<16xf32>,
      %add3A_1412 = arith.addf %add3A_1405, %get3A_1411 : vector<16xf32>
      %get3A_1413 = arith.constant 4 : i32
      %get3A_1414 = arith.constant 12 : i32
      %get3A_1415 = arith.index_cast %get3A_1413 : i32 to index
      %get3A_1416 = arith.index_cast %get3A_1414 : i32 to index
      %get3A_1417 = arith.constant 0 : index
      %get3A_1418 = tpu.vector_load %arg8[%get3A_1415, %get3A_1416, %get3A_1417] {strides = array<i32>} : memref<16x16x16xf32, #tpu.memory_space<vmem>>, vector<16xf32>,
      %add3A_1419 = arith.addf %add3A_1412, %get3A_1418 : vector<16xf32>
      %get3A_1420 = arith.constant 5 : i32
      %get3A_1421 = arith.constant 12 : i32
      %get3A_1422 = arith.index_cast %get3A_1420 : i32 to index
      %get3A_1423 = arith.index_cast %get3A_1421 : i32 to index
      %get3A_1424 = arith.constant 0 : index
      %get3A_1425 = tpu.vector_load %arg8[%get3A_1422, %get3A_1423, %get3A_1424] {strides = array<i32>} : memref<16x16x16xf32, #tpu.memory_space<vmem>>, vector<16xf32>,
      %add3A_1426 = arith.addf %add3A_1419, %get3A_1425 : vector<16xf32>
      %get3A_1427 = arith.constant 6 : i32
      %get3A_1428 = arith.constant 12 : i32
      %get3A_1429 = arith.index_cast %get3A_1427 : i32 to index
      %get3A_1430 = arith.index_cast %get3A_1428 : i32 to index
      %get3A_1431 = arith.constant 0 : index
      %get3A_1432 = tpu.vector_load %arg8[%get3A_1429, %get3A_1430, %get3A_1431] {strides = array<i32>} : memref<16x16x16xf32, #tpu.memory_space<vmem>>, vector<16xf32>,
      %add3A_1433 = arith.addf %add3A_1426, %get3A_1432 : vector<16xf32>
      %get3A_1434 = arith.constant 7 : i32
      %get3A_1435 = arith.constant 12 : i32
      %get3A_1436 = arith.index_cast %get3A_1434 : i32 to index
      %get3A_1437 = arith.index_cast %get3A_1435 : i32 to index
      %get3A_1438 = arith.constant 0 : index
      %get3A_1439 = tpu.vector_load %arg8[%get3A_1436, %get3A_1437, %get3A_1438] {strides = array<i32>} : memref<16x16x16xf32, #tpu.memory_space<vmem>>, vector<16xf32>,
      %add3A_1440 = arith.addf %add3A_1433, %get3A_1439 : vector<16xf32>
      %get3A_1441 = arith.constant 8 : i32
      %get3A_1442 = arith.constant 12 : i32
      %get3A_1443 = arith.index_cast %get3A_1441 : i32 to index
      %get3A_1444 = arith.index_cast %get3A_1442 : i32 to index
      %get3A_1445 = arith.constant 0 : index
      %get3A_1446 = tpu.vector_load %arg8[%get3A_1443, %get3A_1444, %get3A_1445] {strides = array<i32>} : memref<16x16x16xf32, #tpu.memory_space<vmem>>, vector<16xf32>,
      %add3A_1447 = arith.addf %add3A_1440, %get3A_1446 : vector<16xf32>
      %get3A_1448 = arith.constant 9 : i32
      %get3A_1449 = arith.constant 12 : i32
      %get3A_1450 = arith.index_cast %get3A_1448 : i32 to index
      %get3A_1451 = arith.index_cast %get3A_1449 : i32 to index
      %get3A_1452 = arith.constant 0 : index
      %get3A_1453 = tpu.vector_load %arg8[%get3A_1450, %get3A_1451, %get3A_1452] {strides = array<i32>} : memref<16x16x16xf32, #tpu.memory_space<vmem>>, vector<16xf32>,
      %add3A_1454 = arith.addf %add3A_1447, %get3A_1453 : vector<16xf32>
      %get3A_1455 = arith.constant 10 : i32
      %get3A_1456 = arith.constant 12 : i32
      %get3A_1457 = arith.index_cast %get3A_1455 : i32 to index
      %get3A_1458 = arith.index_cast %get3A_1456 : i32 to index
      %get3A_1459 = arith.constant 0 : index
      %get3A_1460 = tpu.vector_load %arg8[%get3A_1457, %get3A_1458, %get3A_1459] {strides = array<i32>} : memref<16x16x16xf32, #tpu.memory_space<vmem>>, vector<16xf32>,
      %add3A_1461 = arith.addf %add3A_1454, %get3A_1460 : vector<16xf32>
      %get3A_1462 = arith.constant 11 : i32
      %get3A_1463 = arith.constant 12 : i32
      %get3A_1464 = arith.index_cast %get3A_1462 : i32 to index
      %get3A_1465 = arith.index_cast %get3A_1463 : i32 to index
      %get3A_1466 = arith.constant 0 : index
      %get3A_1467 = tpu.vector_load %arg8[%get3A_1464, %get3A_1465, %get3A_1466] {strides = array<i32>} : memref<16x16x16xf32, #tpu.memory_space<vmem>>, vector<16xf32>,
      %add3A_1468 = arith.addf %add3A_1461, %get3A_1467 : vector<16xf32>
      %get3A_1469 = arith.constant 12 : i32
      %get3A_1470 = arith.constant 12 : i32
      %get3A_1471 = arith.index_cast %get3A_1469 : i32 to index
      %get3A_1472 = arith.index_cast %get3A_1470 : i32 to index
      %get3A_1473 = arith.constant 0 : index
      %get3A_1474 = tpu.vector_load %arg8[%get3A_1471, %get3A_1472, %get3A_1473] {strides = array<i32>} : memref<16x16x16xf32, #tpu.memory_space<vmem>>, vector<16xf32>,
      %add3A_1475 = arith.addf %add3A_1468, %get3A_1474 : vector<16xf32>
      %get3A_1476 = arith.constant 13 : i32
      %get3A_1477 = arith.constant 12 : i32
      %get3A_1478 = arith.index_cast %get3A_1476 : i32 to index
      %get3A_1479 = arith.index_cast %get3A_1477 : i32 to index
      %get3A_1480 = arith.constant 0 : index
      %get3A_1481 = tpu.vector_load %arg8[%get3A_1478, %get3A_1479, %get3A_1480] {strides = array<i32>} : memref<16x16x16xf32, #tpu.memory_space<vmem>>, vector<16xf32>,
      %add3A_1482 = arith.addf %add3A_1475, %get3A_1481 : vector<16xf32>
      %get3A_1483 = arith.constant 14 : i32
      %get3A_1484 = arith.constant 12 : i32
      %get3A_1485 = arith.index_cast %get3A_1483 : i32 to index
      %get3A_1486 = arith.index_cast %get3A_1484 : i32 to index
      %get3A_1487 = arith.constant 0 : index
      %get3A_1488 = tpu.vector_load %arg8[%get3A_1485, %get3A_1486, %get3A_1487] {strides = array<i32>} : memref<16x16x16xf32, #tpu.memory_space<vmem>>, vector<16xf32>,
      %add3A_1489 = arith.addf %add3A_1482, %get3A_1488 : vector<16xf32>
      %get3A_1490 = arith.constant 15 : i32
      %get3A_1491 = arith.constant 12 : i32
      %get3A_1492 = arith.index_cast %get3A_1490 : i32 to index
      %get3A_1493 = arith.index_cast %get3A_1491 : i32 to index
      %get3A_1494 = arith.constant 0 : index
      %get3A_1495 = tpu.vector_load %arg8[%get3A_1492, %get3A_1493, %get3A_1494] {strides = array<i32>} : memref<16x16x16xf32, #tpu.memory_space<vmem>>, vector<16xf32>,
      %add3A_1496 = arith.addf %add3A_1489, %get3A_1495 : vector<16xf32>
      %swap3A_1497 = arith.constant 12 : i32
      %swap3A_1498 = arith.index_cast %swap3A_1497 : i32 to index
      %swap3A_1499 = arith.constant 0 : index
      %swap3A_1500 = tpu.vector_load %arg7[%swap3A_1498, %swap3A_1499] {strides = array<i32>} : memref<16x16xf32, #tpu.memory_space<vmem>>, vector<16xf32>,
      tpu.vector_store %arg7[%swap3A_1498, %swap3A_1499], %add3A_1496 {strides = array<i32>} : memref<16x16xf32, #tpu.memory_space<vmem>>, vector<16xf32>,
      %get3A_1501 = arith.constant 0 : i32
      %get3A_1502 = arith.constant 13 : i32
      %get3A_1503 = arith.index_cast %get3A_1501 : i32 to index
      %get3A_1504 = arith.index_cast %get3A_1502 : i32 to index
      %get3A_1505 = arith.constant 0 : index
      %get3A_1506 = tpu.vector_load %arg8[%get3A_1503, %get3A_1504, %get3A_1505] {strides = array<i32>} : memref<16x16x16xf32, #tpu.memory_space<vmem>>, vector<16xf32>,
      %get3A_1507 = arith.constant 1 : i32
      %get3A_1508 = arith.constant 13 : i32
      %get3A_1509 = arith.index_cast %get3A_1507 : i32 to index
      %get3A_1510 = arith.index_cast %get3A_1508 : i32 to index
      %get3A_1511 = arith.constant 0 : index
      %get3A_1512 = tpu.vector_load %arg8[%get3A_1509, %get3A_1510, %get3A_1511] {strides = array<i32>} : memref<16x16x16xf32, #tpu.memory_space<vmem>>, vector<16xf32>,
      %add3A_1513 = arith.addf %get3A_1506, %get3A_1512 : vector<16xf32>
      %get3A_1514 = arith.constant 2 : i32
      %get3A_1515 = arith.constant 13 : i32
      %get3A_1516 = arith.index_cast %get3A_1514 : i32 to index
      %get3A_1517 = arith.index_cast %get3A_1515 : i32 to index
      %get3A_1518 = arith.constant 0 : index
      %get3A_1519 = tpu.vector_load %arg8[%get3A_1516, %get3A_1517, %get3A_1518] {strides = array<i32>} : memref<16x16x16xf32, #tpu.memory_space<vmem>>, vector<16xf32>,
      %add3A_1520 = arith.addf %add3A_1513, %get3A_1519 : vector<16xf32>
      %get3A_1521 = arith.constant 3 : i32
      %get3A_1522 = arith.constant 13 : i32
      %get3A_1523 = arith.index_cast %get3A_1521 : i32 to index
      %get3A_1524 = arith.index_cast %get3A_1522 : i32 to index
      %get3A_1525 = arith.constant 0 : index
      %get3A_1526 = tpu.vector_load %arg8[%get3A_1523, %get3A_1524, %get3A_1525] {strides = array<i32>} : memref<16x16x16xf32, #tpu.memory_space<vmem>>, vector<16xf32>,
      %add3A_1527 = arith.addf %add3A_1520, %get3A_1526 : vector<16xf32>
      %get3A_1528 = arith.constant 4 : i32
      %get3A_1529 = arith.constant 13 : i32
      %get3A_1530 = arith.index_cast %get3A_1528 : i32 to index
      %get3A_1531 = arith.index_cast %get3A_1529 : i32 to index
      %get3A_1532 = arith.constant 0 : index
      %get3A_1533 = tpu.vector_load %arg8[%get3A_1530, %get3A_1531, %get3A_1532] {strides = array<i32>} : memref<16x16x16xf32, #tpu.memory_space<vmem>>, vector<16xf32>,
      %add3A_1534 = arith.addf %add3A_1527, %get3A_1533 : vector<16xf32>
      %get3A_1535 = arith.constant 5 : i32
      %get3A_1536 = arith.constant 13 : i32
      %get3A_1537 = arith.index_cast %get3A_1535 : i32 to index
      %get3A_1538 = arith.index_cast %get3A_1536 : i32 to index
      %get3A_1539 = arith.constant 0 : index
      %get3A_1540 = tpu.vector_load %arg8[%get3A_1537, %get3A_1538, %get3A_1539] {strides = array<i32>} : memref<16x16x16xf32, #tpu.memory_space<vmem>>, vector<16xf32>,
      %add3A_1541 = arith.addf %add3A_1534, %get3A_1540 : vector<16xf32>
      %get3A_1542 = arith.constant 6 : i32
      %get3A_1543 = arith.constant 13 : i32
      %get3A_1544 = arith.index_cast %get3A_1542 : i32 to index
      %get3A_1545 = arith.index_cast %get3A_1543 : i32 to index
      %get3A_1546 = arith.constant 0 : index
      %get3A_1547 = tpu.vector_load %arg8[%get3A_1544, %get3A_1545, %get3A_1546] {strides = array<i32>} : memref<16x16x16xf32, #tpu.memory_space<vmem>>, vector<16xf32>,
      %add3A_1548 = arith.addf %add3A_1541, %get3A_1547 : vector<16xf32>
      %get3A_1549 = arith.constant 7 : i32
      %get3A_1550 = arith.constant 13 : i32
      %get3A_1551 = arith.index_cast %get3A_1549 : i32 to index
      %get3A_1552 = arith.index_cast %get3A_1550 : i32 to index
      %get3A_1553 = arith.constant 0 : index
      %get3A_1554 = tpu.vector_load %arg8[%get3A_1551, %get3A_1552, %get3A_1553] {strides = array<i32>} : memref<16x16x16xf32, #tpu.memory_space<vmem>>, vector<16xf32>,
      %add3A_1555 = arith.addf %add3A_1548, %get3A_1554 : vector<16xf32>
      %get3A_1556 = arith.constant 8 : i32
      %get3A_1557 = arith.constant 13 : i32
      %get3A_1558 = arith.index_cast %get3A_1556 : i32 to index
      %get3A_1559 = arith.index_cast %get3A_1557 : i32 to index
      %get3A_1560 = arith.constant 0 : index
      %get3A_1561 = tpu.vector_load %arg8[%get3A_1558, %get3A_1559, %get3A_1560] {strides = array<i32>} : memref<16x16x16xf32, #tpu.memory_space<vmem>>, vector<16xf32>,
      %add3A_1562 = arith.addf %add3A_1555, %get3A_1561 : vector<16xf32>
      %get3A_1563 = arith.constant 9 : i32
      %get3A_1564 = arith.constant 13 : i32
      %get3A_1565 = arith.index_cast %get3A_1563 : i32 to index
      %get3A_1566 = arith.index_cast %get3A_1564 : i32 to index
      %get3A_1567 = arith.constant 0 : index
      %get3A_1568 = tpu.vector_load %arg8[%get3A_1565, %get3A_1566, %get3A_1567] {strides = array<i32>} : memref<16x16x16xf32, #tpu.memory_space<vmem>>, vector<16xf32>,
      %add3A_1569 = arith.addf %add3A_1562, %get3A_1568 : vector<16xf32>
      %get3A_1570 = arith.constant 10 : i32
      %get3A_1571 = arith.constant 13 : i32
      %get3A_1572 = arith.index_cast %get3A_1570 : i32 to index
      %get3A_1573 = arith.index_cast %get3A_1571 : i32 to index
      %get3A_1574 = arith.constant 0 : index
      %get3A_1575 = tpu.vector_load %arg8[%get3A_1572, %get3A_1573, %get3A_1574] {strides = array<i32>} : memref<16x16x16xf32, #tpu.memory_space<vmem>>, vector<16xf32>,
      %add3A_1576 = arith.addf %add3A_1569, %get3A_1575 : vector<16xf32>
      %get3A_1577 = arith.constant 11 : i32
      %get3A_1578 = arith.constant 13 : i32
      %get3A_1579 = arith.index_cast %get3A_1577 : i32 to index
      %get3A_1580 = arith.index_cast %get3A_1578 : i32 to index
      %get3A_1581 = arith.constant 0 : index
      %get3A_1582 = tpu.vector_load %arg8[%get3A_1579, %get3A_1580, %get3A_1581] {strides = array<i32>} : memref<16x16x16xf32, #tpu.memory_space<vmem>>, vector<16xf32>,
      %add3A_1583 = arith.addf %add3A_1576, %get3A_1582 : vector<16xf32>
      %get3A_1584 = arith.constant 12 : i32
      %get3A_1585 = arith.constant 13 : i32
      %get3A_1586 = arith.index_cast %get3A_1584 : i32 to index
      %get3A_1587 = arith.index_cast %get3A_1585 : i32 to index
      %get3A_1588 = arith.constant 0 : index
      %get3A_1589 = tpu.vector_load %arg8[%get3A_1586, %get3A_1587, %get3A_1588] {strides = array<i32>} : memref<16x16x16xf32, #tpu.memory_space<vmem>>, vector<16xf32>,
      %add3A_1590 = arith.addf %add3A_1583, %get3A_1589 : vector<16xf32>
      %get3A_1591 = arith.constant 13 : i32
      %get3A_1592 = arith.constant 13 : i32
      %get3A_1593 = arith.index_cast %get3A_1591 : i32 to index
      %get3A_1594 = arith.index_cast %get3A_1592 : i32 to index
      %get3A_1595 = arith.constant 0 : index
      %get3A_1596 = tpu.vector_load %arg8[%get3A_1593, %get3A_1594, %get3A_1595] {strides = array<i32>} : memref<16x16x16xf32, #tpu.memory_space<vmem>>, vector<16xf32>,
      %add3A_1597 = arith.addf %add3A_1590, %get3A_1596 : vector<16xf32>
      %get3A_1598 = arith.constant 14 : i32
      %get3A_1599 = arith.constant 13 : i32
      %get3A_1600 = arith.index_cast %get3A_1598 : i32 to index
      %get3A_1601 = arith.index_cast %get3A_1599 : i32 to index
      %get3A_1602 = arith.constant 0 : index
      %get3A_1603 = tpu.vector_load %arg8[%get3A_1600, %get3A_1601, %get3A_1602] {strides = array<i32>} : memref<16x16x16xf32, #tpu.memory_space<vmem>>, vector<16xf32>,
      %add3A_1604 = arith.addf %add3A_1597, %get3A_1603 : vector<16xf32>
      %get3A_1605 = arith.constant 15 : i32
      %get3A_1606 = arith.constant 13 : i32
      %get3A_1607 = arith.index_cast %get3A_1605 : i32 to index
      %get3A_1608 = arith.index_cast %get3A_1606 : i32 to index
      %get3A_1609 = arith.constant 0 : index
      %get3A_1610 = tpu.vector_load %arg8[%get3A_1607, %get3A_1608, %get3A_1609] {strides = array<i32>} : memref<16x16x16xf32, #tpu.memory_space<vmem>>, vector<16xf32>,
      %add3A_1611 = arith.addf %add3A_1604, %get3A_1610 : vector<16xf32>
      %swap3A_1612 = arith.constant 13 : i32
      %swap3A_1613 = arith.index_cast %swap3A_1612 : i32 to index
      %swap3A_1614 = arith.constant 0 : index
      %swap3A_1615 = tpu.vector_load %arg7[%swap3A_1613, %swap3A_1614] {strides = array<i32>} : memref<16x16xf32, #tpu.memory_space<vmem>>, vector<16xf32>,
      tpu.vector_store %arg7[%swap3A_1613, %swap3A_1614], %add3A_1611 {strides = array<i32>} : memref<16x16xf32, #tpu.memory_space<vmem>>, vector<16xf32>,
      %get3A_1616 = arith.constant 0 : i32
      %get3A_1617 = arith.constant 14 : i32
      %get3A_1618 = arith.index_cast %get3A_1616 : i32 to index
      %get3A_1619 = arith.index_cast %get3A_1617 : i32 to index
      %get3A_1620 = arith.constant 0 : index
      %get3A_1621 = tpu.vector_load %arg8[%get3A_1618, %get3A_1619, %get3A_1620] {strides = array<i32>} : memref<16x16x16xf32, #tpu.memory_space<vmem>>, vector<16xf32>,
      %get3A_1622 = arith.constant 1 : i32
      %get3A_1623 = arith.constant 14 : i32
      %get3A_1624 = arith.index_cast %get3A_1622 : i32 to index
      %get3A_1625 = arith.index_cast %get3A_1623 : i32 to index
      %get3A_1626 = arith.constant 0 : index
      %get3A_1627 = tpu.vector_load %arg8[%get3A_1624, %get3A_1625, %get3A_1626] {strides = array<i32>} : memref<16x16x16xf32, #tpu.memory_space<vmem>>, vector<16xf32>,
      %add3A_1628 = arith.addf %get3A_1621, %get3A_1627 : vector<16xf32>
      %get3A_1629 = arith.constant 2 : i32
      %get3A_1630 = arith.constant 14 : i32
      %get3A_1631 = arith.index_cast %get3A_1629 : i32 to index
      %get3A_1632 = arith.index_cast %get3A_1630 : i32 to index
      %get3A_1633 = arith.constant 0 : index
      %get3A_1634 = tpu.vector_load %arg8[%get3A_1631, %get3A_1632, %get3A_1633] {strides = array<i32>} : memref<16x16x16xf32, #tpu.memory_space<vmem>>, vector<16xf32>,
      %add3A_1635 = arith.addf %add3A_1628, %get3A_1634 : vector<16xf32>
      %get3A_1636 = arith.constant 3 : i32
      %get3A_1637 = arith.constant 14 : i32
      %get3A_1638 = arith.index_cast %get3A_1636 : i32 to index
      %get3A_1639 = arith.index_cast %get3A_1637 : i32 to index
      %get3A_1640 = arith.constant 0 : index
      %get3A_1641 = tpu.vector_load %arg8[%get3A_1638, %get3A_1639, %get3A_1640] {strides = array<i32>} : memref<16x16x16xf32, #tpu.memory_space<vmem>>, vector<16xf32>,
      %add3A_1642 = arith.addf %add3A_1635, %get3A_1641 : vector<16xf32>
      %get3A_1643 = arith.constant 4 : i32
      %get3A_1644 = arith.constant 14 : i32
      %get3A_1645 = arith.index_cast %get3A_1643 : i32 to index
      %get3A_1646 = arith.index_cast %get3A_1644 : i32 to index
      %get3A_1647 = arith.constant 0 : index
      %get3A_1648 = tpu.vector_load %arg8[%get3A_1645, %get3A_1646, %get3A_1647] {strides = array<i32>} : memref<16x16x16xf32, #tpu.memory_space<vmem>>, vector<16xf32>,
      %add3A_1649 = arith.addf %add3A_1642, %get3A_1648 : vector<16xf32>
      %get3A_1650 = arith.constant 5 : i32
      %get3A_1651 = arith.constant 14 : i32
      %get3A_1652 = arith.index_cast %get3A_1650 : i32 to index
      %get3A_1653 = arith.index_cast %get3A_1651 : i32 to index
      %get3A_1654 = arith.constant 0 : index
      %get3A_1655 = tpu.vector_load %arg8[%get3A_1652, %get3A_1653, %get3A_1654] {strides = array<i32>} : memref<16x16x16xf32, #tpu.memory_space<vmem>>, vector<16xf32>,
      %add3A_1656 = arith.addf %add3A_1649, %get3A_1655 : vector<16xf32>
      %get3A_1657 = arith.constant 6 : i32
      %get3A_1658 = arith.constant 14 : i32
      %get3A_1659 = arith.index_cast %get3A_1657 : i32 to index
      %get3A_1660 = arith.index_cast %get3A_1658 : i32 to index
      %get3A_1661 = arith.constant 0 : index
      %get3A_1662 = tpu.vector_load %arg8[%get3A_1659, %get3A_1660, %get3A_1661] {strides = array<i32>} : memref<16x16x16xf32, #tpu.memory_space<vmem>>, vector<16xf32>,
      %add3A_1663 = arith.addf %add3A_1656, %get3A_1662 : vector<16xf32>
      %get3A_1664 = arith.constant 7 : i32
      %get3A_1665 = arith.constant 14 : i32
      %get3A_1666 = arith.index_cast %get3A_1664 : i32 to index
      %get3A_1667 = arith.index_cast %get3A_1665 : i32 to index
      %get3A_1668 = arith.constant 0 : index
      %get3A_1669 = tpu.vector_load %arg8[%get3A_1666, %get3A_1667, %get3A_1668] {strides = array<i32>} : memref<16x16x16xf32, #tpu.memory_space<vmem>>, vector<16xf32>,
      %add3A_1670 = arith.addf %add3A_1663, %get3A_1669 : vector<16xf32>
      %get3A_1671 = arith.constant 8 : i32
      %get3A_1672 = arith.constant 14 : i32
      %get3A_1673 = arith.index_cast %get3A_1671 : i32 to index
      %get3A_1674 = arith.index_cast %get3A_1672 : i32 to index
      %get3A_1675 = arith.constant 0 : index
      %get3A_1676 = tpu.vector_load %arg8[%get3A_1673, %get3A_1674, %get3A_1675] {strides = array<i32>} : memref<16x16x16xf32, #tpu.memory_space<vmem>>, vector<16xf32>,
      %add3A_1677 = arith.addf %add3A_1670, %get3A_1676 : vector<16xf32>
      %get3A_1678 = arith.constant 9 : i32
      %get3A_1679 = arith.constant 14 : i32
      %get3A_1680 = arith.index_cast %get3A_1678 : i32 to index
      %get3A_1681 = arith.index_cast %get3A_1679 : i32 to index
      %get3A_1682 = arith.constant 0 : index
      %get3A_1683 = tpu.vector_load %arg8[%get3A_1680, %get3A_1681, %get3A_1682] {strides = array<i32>} : memref<16x16x16xf32, #tpu.memory_space<vmem>>, vector<16xf32>,
      %add3A_1684 = arith.addf %add3A_1677, %get3A_1683 : vector<16xf32>
      %get3A_1685 = arith.constant 10 : i32
      %get3A_1686 = arith.constant 14 : i32
      %get3A_1687 = arith.index_cast %get3A_1685 : i32 to index
      %get3A_1688 = arith.index_cast %get3A_1686 : i32 to index
      %get3A_1689 = arith.constant 0 : index
      %get3A_1690 = tpu.vector_load %arg8[%get3A_1687, %get3A_1688, %get3A_1689] {strides = array<i32>} : memref<16x16x16xf32, #tpu.memory_space<vmem>>, vector<16xf32>,
      %add3A_1691 = arith.addf %add3A_1684, %get3A_1690 : vector<16xf32>
      %get3A_1692 = arith.constant 11 : i32
      %get3A_1693 = arith.constant 14 : i32
      %get3A_1694 = arith.index_cast %get3A_1692 : i32 to index
      %get3A_1695 = arith.index_cast %get3A_1693 : i32 to index
      %get3A_1696 = arith.constant 0 : index
      %get3A_1697 = tpu.vector_load %arg8[%get3A_1694, %get3A_1695, %get3A_1696] {strides = array<i32>} : memref<16x16x16xf32, #tpu.memory_space<vmem>>, vector<16xf32>,
      %add3A_1698 = arith.addf %add3A_1691, %get3A_1697 : vector<16xf32>
      %get3A_1699 = arith.constant 12 : i32
      %get3A_1700 = arith.constant 14 : i32
      %get3A_1701 = arith.index_cast %get3A_1699 : i32 to index
      %get3A_1702 = arith.index_cast %get3A_1700 : i32 to index
      %get3A_1703 = arith.constant 0 : index
      %get3A_1704 = tpu.vector_load %arg8[%get3A_1701, %get3A_1702, %get3A_1703] {strides = array<i32>} : memref<16x16x16xf32, #tpu.memory_space<vmem>>, vector<16xf32>,
      %add3A_1705 = arith.addf %add3A_1698, %get3A_1704 : vector<16xf32>
      %get3A_1706 = arith.constant 13 : i32
      %get3A_1707 = arith.constant 14 : i32
      %get3A_1708 = arith.index_cast %get3A_1706 : i32 to index
      %get3A_1709 = arith.index_cast %get3A_1707 : i32 to index
      %get3A_1710 = arith.constant 0 : index
      %get3A_1711 = tpu.vector_load %arg8[%get3A_1708, %get3A_1709, %get3A_1710] {strides = array<i32>} : memref<16x16x16xf32, #tpu.memory_space<vmem>>, vector<16xf32>,
      %add3A_1712 = arith.addf %add3A_1705, %get3A_1711 : vector<16xf32>
      %get3A_1713 = arith.constant 14 : i32
      %get3A_1714 = arith.constant 14 : i32
      %get3A_1715 = arith.index_cast %get3A_1713 : i32 to index
      %get3A_1716 = arith.index_cast %get3A_1714 : i32 to index
      %get3A_1717 = arith.constant 0 : index
      %get3A_1718 = tpu.vector_load %arg8[%get3A_1715, %get3A_1716, %get3A_1717] {strides = array<i32>} : memref<16x16x16xf32, #tpu.memory_space<vmem>>, vector<16xf32>,
      %add3A_1719 = arith.addf %add3A_1712, %get3A_1718 : vector<16xf32>
      %get3A_1720 = arith.constant 15 : i32
      %get3A_1721 = arith.constant 14 : i32
      %get3A_1722 = arith.index_cast %get3A_1720 : i32 to index
      %get3A_1723 = arith.index_cast %get3A_1721 : i32 to index
      %get3A_1724 = arith.constant 0 : index
      %get3A_1725 = tpu.vector_load %arg8[%get3A_1722, %get3A_1723, %get3A_1724] {strides = array<i32>} : memref<16x16x16xf32, #tpu.memory_space<vmem>>, vector<16xf32>,
      %add3A_1726 = arith.addf %add3A_1719, %get3A_1725 : vector<16xf32>
      %swap3A_1727 = arith.constant 14 : i32
      %swap3A_1728 = arith.index_cast %swap3A_1727 : i32 to index
      %swap3A_1729 = arith.constant 0 : index
      %swap3A_1730 = tpu.vector_load %arg7[%swap3A_1728, %swap3A_1729] {strides = array<i32>} : memref<16x16xf32, #tpu.memory_space<vmem>>, vector<16xf32>,
      tpu.vector_store %arg7[%swap3A_1728, %swap3A_1729], %add3A_1726 {strides = array<i32>} : memref<16x16xf32, #tpu.memory_space<vmem>>, vector<16xf32>,
      %get3A_1731 = arith.constant 0 : i32
      %get3A_1732 = arith.constant 15 : i32
      %get3A_1733 = arith.index_cast %get3A_1731 : i32 to index
      %get3A_1734 = arith.index_cast %get3A_1732 : i32 to index
      %get3A_1735 = arith.constant 0 : index
      %get3A_1736 = tpu.vector_load %arg8[%get3A_1733, %get3A_1734, %get3A_1735] {strides = array<i32>} : memref<16x16x16xf32, #tpu.memory_space<vmem>>, vector<16xf32>,
      %get3A_1737 = arith.constant 1 : i32
      %get3A_1738 = arith.constant 15 : i32
      %get3A_1739 = arith.index_cast %get3A_1737 : i32 to index
      %get3A_1740 = arith.index_cast %get3A_1738 : i32 to index
      %get3A_1741 = arith.constant 0 : index
      %get3A_1742 = tpu.vector_load %arg8[%get3A_1739, %get3A_1740, %get3A_1741] {strides = array<i32>} : memref<16x16x16xf32, #tpu.memory_space<vmem>>, vector<16xf32>,
      %add3A_1743 = arith.addf %get3A_1736, %get3A_1742 : vector<16xf32>
      %get3A_1744 = arith.constant 2 : i32
      %get3A_1745 = arith.constant 15 : i32
      %get3A_1746 = arith.index_cast %get3A_1744 : i32 to index
      %get3A_1747 = arith.index_cast %get3A_1745 : i32 to index
      %get3A_1748 = arith.constant 0 : index
      %get3A_1749 = tpu.vector_load %arg8[%get3A_1746, %get3A_1747, %get3A_1748] {strides = array<i32>} : memref<16x16x16xf32, #tpu.memory_space<vmem>>, vector<16xf32>,
      %add3A_1750 = arith.addf %add3A_1743, %get3A_1749 : vector<16xf32>
      %get3A_1751 = arith.constant 3 : i32
      %get3A_1752 = arith.constant 15 : i32
      %get3A_1753 = arith.index_cast %get3A_1751 : i32 to index
      %get3A_1754 = arith.index_cast %get3A_1752 : i32 to index
      %get3A_1755 = arith.constant 0 : index
      %get3A_1756 = tpu.vector_load %arg8[%get3A_1753, %get3A_1754, %get3A_1755] {strides = array<i32>} : memref<16x16x16xf32, #tpu.memory_space<vmem>>, vector<16xf32>,
      %add3A_1757 = arith.addf %add3A_1750, %get3A_1756 : vector<16xf32>
      %get3A_1758 = arith.constant 4 : i32
      %get3A_1759 = arith.constant 15 : i32
      %get3A_1760 = arith.index_cast %get3A_1758 : i32 to index
      %get3A_1761 = arith.index_cast %get3A_1759 : i32 to index
      %get3A_1762 = arith.constant 0 : index
      %get3A_1763 = tpu.vector_load %arg8[%get3A_1760, %get3A_1761, %get3A_1762] {strides = array<i32>} : memref<16x16x16xf32, #tpu.memory_space<vmem>>, vector<16xf32>,
      %add3A_1764 = arith.addf %add3A_1757, %get3A_1763 : vector<16xf32>
      %get3A_1765 = arith.constant 5 : i32
      %get3A_1766 = arith.constant 15 : i32
      %get3A_1767 = arith.index_cast %get3A_1765 : i32 to index
      %get3A_1768 = arith.index_cast %get3A_1766 : i32 to index
      %get3A_1769 = arith.constant 0 : index
      %get3A_1770 = tpu.vector_load %arg8[%get3A_1767, %get3A_1768, %get3A_1769] {strides = array<i32>} : memref<16x16x16xf32, #tpu.memory_space<vmem>>, vector<16xf32>,
      %add3A_1771 = arith.addf %add3A_1764, %get3A_1770 : vector<16xf32>
      %get3A_1772 = arith.constant 6 : i32
      %get3A_1773 = arith.constant 15 : i32
      %get3A_1774 = arith.index_cast %get3A_1772 : i32 to index
      %get3A_1775 = arith.index_cast %get3A_1773 : i32 to index
      %get3A_1776 = arith.constant 0 : index
      %get3A_1777 = tpu.vector_load %arg8[%get3A_1774, %get3A_1775, %get3A_1776] {strides = array<i32>} : memref<16x16x16xf32, #tpu.memory_space<vmem>>, vector<16xf32>,
      %add3A_1778 = arith.addf %add3A_1771, %get3A_1777 : vector<16xf32>
      %get3A_1779 = arith.constant 7 : i32
      %get3A_1780 = arith.constant 15 : i32
      %get3A_1781 = arith.index_cast %get3A_1779 : i32 to index
      %get3A_1782 = arith.index_cast %get3A_1780 : i32 to index
      %get3A_1783 = arith.constant 0 : index
      %get3A_1784 = tpu.vector_load %arg8[%get3A_1781, %get3A_1782, %get3A_1783] {strides = array<i32>} : memref<16x16x16xf32, #tpu.memory_space<vmem>>, vector<16xf32>,
      %add3A_1785 = arith.addf %add3A_1778, %get3A_1784 : vector<16xf32>
      %get3A_1786 = arith.constant 8 : i32
      %get3A_1787 = arith.constant 15 : i32
      %get3A_1788 = arith.index_cast %get3A_1786 : i32 to index
      %get3A_1789 = arith.index_cast %get3A_1787 : i32 to index
      %get3A_1790 = arith.constant 0 : index
      %get3A_1791 = tpu.vector_load %arg8[%get3A_1788, %get3A_1789, %get3A_1790] {strides = array<i32>} : memref<16x16x16xf32, #tpu.memory_space<vmem>>, vector<16xf32>,
      %add3A_1792 = arith.addf %add3A_1785, %get3A_1791 : vector<16xf32>
      %get3A_1793 = arith.constant 9 : i32
      %get3A_1794 = arith.constant 15 : i32
      %get3A_1795 = arith.index_cast %get3A_1793 : i32 to index
      %get3A_1796 = arith.index_cast %get3A_1794 : i32 to index
      %get3A_1797 = arith.constant 0 : index
      %get3A_1798 = tpu.vector_load %arg8[%get3A_1795, %get3A_1796, %get3A_1797] {strides = array<i32>} : memref<16x16x16xf32, #tpu.memory_space<vmem>>, vector<16xf32>,
      %add3A_1799 = arith.addf %add3A_1792, %get3A_1798 : vector<16xf32>
      %get3A_1800 = arith.constant 10 : i32
      %get3A_1801 = arith.constant 15 : i32
      %get3A_1802 = arith.index_cast %get3A_1800 : i32 to index
      %get3A_1803 = arith.index_cast %get3A_1801 : i32 to index
      %get3A_1804 = arith.constant 0 : index
      %get3A_1805 = tpu.vector_load %arg8[%get3A_1802, %get3A_1803, %get3A_1804] {strides = array<i32>} : memref<16x16x16xf32, #tpu.memory_space<vmem>>, vector<16xf32>,
      %add3A_1806 = arith.addf %add3A_1799, %get3A_1805 : vector<16xf32>
      %get3A_1807 = arith.constant 11 : i32
      %get3A_1808 = arith.constant 15 : i32
      %get3A_1809 = arith.index_cast %get3A_1807 : i32 to index
      %get3A_1810 = arith.index_cast %get3A_1808 : i32 to index
      %get3A_1811 = arith.constant 0 : index
      %get3A_1812 = tpu.vector_load %arg8[%get3A_1809, %get3A_1810, %get3A_1811] {strides = array<i32>} : memref<16x16x16xf32, #tpu.memory_space<vmem>>, vector<16xf32>,
      %add3A_1813 = arith.addf %add3A_1806, %get3A_1812 : vector<16xf32>
      %get3A_1814 = arith.constant 12 : i32
      %get3A_1815 = arith.constant 15 : i32
      %get3A_1816 = arith.index_cast %get3A_1814 : i32 to index
      %get3A_1817 = arith.index_cast %get3A_1815 : i32 to index
      %get3A_1818 = arith.constant 0 : index
      %get3A_1819 = tpu.vector_load %arg8[%get3A_1816, %get3A_1817, %get3A_1818] {strides = array<i32>} : memref<16x16x16xf32, #tpu.memory_space<vmem>>, vector<16xf32>,
      %add3A_1820 = arith.addf %add3A_1813, %get3A_1819 : vector<16xf32>
      %get3A_1821 = arith.constant 13 : i32
      %get3A_1822 = arith.constant 15 : i32
      %get3A_1823 = arith.index_cast %get3A_1821 : i32 to index
      %get3A_1824 = arith.index_cast %get3A_1822 : i32 to index
      %get3A_1825 = arith.constant 0 : index
      %get3A_1826 = tpu.vector_load %arg8[%get3A_1823, %get3A_1824, %get3A_1825] {strides = array<i32>} : memref<16x16x16xf32, #tpu.memory_space<vmem>>, vector<16xf32>,
      %add3A_1827 = arith.addf %add3A_1820, %get3A_1826 : vector<16xf32>
      %get3A_1828 = arith.constant 14 : i32
      %get3A_1829 = arith.constant 15 : i32
      %get3A_1830 = arith.index_cast %get3A_1828 : i32 to index
      %get3A_1831 = arith.index_cast %get3A_1829 : i32 to index
      %get3A_1832 = arith.constant 0 : index
      %get3A_1833 = tpu.vector_load %arg8[%get3A_1830, %get3A_1831, %get3A_1832] {strides = array<i32>} : memref<16x16x16xf32, #tpu.memory_space<vmem>>, vector<16xf32>,
      %add3A_1834 = arith.addf %add3A_1827, %get3A_1833 : vector<16xf32>
      %get3A_1835 = arith.constant 15 : i32
      %get3A_1836 = arith.constant 15 : i32
      %get3A_1837 = arith.index_cast %get3A_1835 : i32 to index
      %get3A_1838 = arith.index_cast %get3A_1836 : i32 to index
      %get3A_1839 = arith.constant 0 : index
      %get3A_1840 = tpu.vector_load %arg8[%get3A_1837, %get3A_1838, %get3A_1839] {strides = array<i32>} : memref<16x16x16xf32, #tpu.memory_space<vmem>>, vector<16xf32>,
      %add3A_1841 = arith.addf %add3A_1834, %get3A_1840 : vector<16xf32>
      %swap3A_1842 = arith.constant 15 : i32
      %swap3A_1843 = arith.index_cast %swap3A_1842 : i32 to index
      %swap3A_1844 = arith.constant 0 : index
      %swap3A_1845 = tpu.vector_load %arg7[%swap3A_1843, %swap3A_1844] {strides = array<i32>} : memref<16x16xf32, #tpu.memory_space<vmem>>, vector<16xf32>,
      tpu.vector_store %arg7[%swap3A_1843, %swap3A_1844], %add3A_1841 {strides = array<i32>} : memref<16x16xf32, #tpu.memory_space<vmem>>, vector<16xf32>,
      %iota3A = tpu.iota {dimensions = array<i32: 0>} : vector<16xi32>
      %broadcast_in_dim3A = arith.constant 0.000000e+00 : f32
      %broadcast_in_dim3A_1846 = vector.broadcast %broadcast_in_dim3A : f32 to vector<16xf32>
      %broadcast_in_dim3A_1847 = arith.constant 0 : i32
      %broadcast_in_dim3A_1848 = vector.broadcast %broadcast_in_dim3A_1847 : i32 to vector<16xi32>
      %gather3A = tpu.vector_load_idx %arg7[%iota3A, %broadcast_in_dim3A_1848] : memref<16x16xf32, #tpu.memory_space<vmem>>[vector<16xi32>, vector<16xi32>], vector<16xf32>,
      %add3A_1849 = arith.addf %broadcast_in_dim3A_1846, %gather3A : vector<16xf32>
      %broadcast_in_dim3A_1850 = arith.constant 1 : i32
      %broadcast_in_dim3A_1851 = vector.broadcast %broadcast_in_dim3A_1850 : i32 to vector<16xi32>
      %gather3A_1852 = tpu.vector_load_idx %arg7[%iota3A, %broadcast_in_dim3A_1851] : memref<16x16xf32, #tpu.memory_space<vmem>>[vector<16xi32>, vector<16xi32>], vector<16xf32>,
      %add3A_1853 = arith.addf %add3A_1849, %gather3A_1852 : vector<16xf32>
      %broadcast_in_dim3A_1854 = arith.constant 2 : i32
      %broadcast_in_dim3A_1855 = vector.broadcast %broadcast_in_dim3A_1854 : i32 to vector<16xi32>
      %gather3A_1856 = tpu.vector_load_idx %arg7[%iota3A, %broadcast_in_dim3A_1855] : memref<16x16xf32, #tpu.memory_space<vmem>>[vector<16xi32>, vector<16xi32>], vector<16xf32>,
      %add3A_1857 = arith.addf %add3A_1853, %gather3A_1856 : vector<16xf32>
      %broadcast_in_dim3A_1858 = arith.constant 3 : i32
      %broadcast_in_dim3A_1859 = vector.broadcast %broadcast_in_dim3A_1858 : i32 to vector<16xi32>
      %gather3A_1860 = tpu.vector_load_idx %arg7[%iota3A, %broadcast_in_dim3A_1859] : memref<16x16xf32, #tpu.memory_space<vmem>>[vector<16xi32>, vector<16xi32>], vector<16xf32>,
      %add3A_1861 = arith.addf %add3A_1857, %gather3A_1860 : vector<16xf32>
      %broadcast_in_dim3A_1862 = arith.constant 4 : i32
      %broadcast_in_dim3A_1863 = vector.broadcast %broadcast_in_dim3A_1862 : i32 to vector<16xi32>
      %gather3A_1864 = tpu.vector_load_idx %arg7[%iota3A, %broadcast_in_dim3A_1863] : memref<16x16xf32, #tpu.memory_space<vmem>>[vector<16xi32>, vector<16xi32>], vector<16xf32>,
      %add3A_1865 = arith.addf %add3A_1861, %gather3A_1864 : vector<16xf32>
      %broadcast_in_dim3A_1866 = arith.constant 5 : i32
      %broadcast_in_dim3A_1867 = vector.broadcast %broadcast_in_dim3A_1866 : i32 to vector<16xi32>
      %gather3A_1868 = tpu.vector_load_idx %arg7[%iota3A, %broadcast_in_dim3A_1867] : memref<16x16xf32, #tpu.memory_space<vmem>>[vector<16xi32>, vector<16xi32>], vector<16xf32>,
      %add3A_1869 = arith.addf %add3A_1865, %gather3A_1868 : vector<16xf32>
      %broadcast_in_dim3A_1870 = arith.constant 6 : i32
      %broadcast_in_dim3A_1871 = vector.broadcast %broadcast_in_dim3A_1870 : i32 to vector<16xi32>
      %gather3A_1872 = tpu.vector_load_idx %arg7[%iota3A, %broadcast_in_dim3A_1871] : memref<16x16xf32, #tpu.memory_space<vmem>>[vector<16xi32>, vector<16xi32>], vector<16xf32>,
      %add3A_1873 = arith.addf %add3A_1869, %gather3A_1872 : vector<16xf32>
      %broadcast_in_dim3A_1874 = arith.constant 7 : i32
      %broadcast_in_dim3A_1875 = vector.broadcast %broadcast_in_dim3A_1874 : i32 to vector<16xi32>
      %gather3A_1876 = tpu.vector_load_idx %arg7[%iota3A, %broadcast_in_dim3A_1875] : memref<16x16xf32, #tpu.memory_space<vmem>>[vector<16xi32>, vector<16xi32>], vector<16xf32>,
      %add3A_1877 = arith.addf %add3A_1873, %gather3A_1876 : vector<16xf32>
      %broadcast_in_dim3A_1878 = arith.constant 8 : i32
      %broadcast_in_dim3A_1879 = vector.broadcast %broadcast_in_dim3A_1878 : i32 to vector<16xi32>
      %gather3A_1880 = tpu.vector_load_idx %arg7[%iota3A, %broadcast_in_dim3A_1879] : memref<16x16xf32, #tpu.memory_space<vmem>>[vector<16xi32>, vector<16xi32>], vector<16xf32>,
      %add3A_1881 = arith.addf %add3A_1877, %gather3A_1880 : vector<16xf32>
      %broadcast_in_dim3A_1882 = arith.constant 9 : i32
      %broadcast_in_dim3A_1883 = vector.broadcast %broadcast_in_dim3A_1882 : i32 to vector<16xi32>
      %gather3A_1884 = tpu.vector_load_idx %arg7[%iota3A, %broadcast_in_dim3A_1883] : memref<16x16xf32, #tpu.memory_space<vmem>>[vector<16xi32>, vector<16xi32>], vector<16xf32>,
      %add3A_1885 = arith.addf %add3A_1881, %gather3A_1884 : vector<16xf32>
      %broadcast_in_dim3A_1886 = arith.constant 10 : i32
      %broadcast_in_dim3A_1887 = vector.broadcast %broadcast_in_dim3A_1886 : i32 to vector<16xi32>
      %gather3A_1888 = tpu.vector_load_idx %arg7[%iota3A, %broadcast_in_dim3A_1887] : memref<16x16xf32, #tpu.memory_space<vmem>>[vector<16xi32>, vector<16xi32>], vector<16xf32>,
      %add3A_1889 = arith.addf %add3A_1885, %gather3A_1888 : vector<16xf32>
      %broadcast_in_dim3A_1890 = arith.constant 11 : i32
      %broadcast_in_dim3A_1891 = vector.broadcast %broadcast_in_dim3A_1890 : i32 to vector<16xi32>
      %gather3A_1892 = tpu.vector_load_idx %arg7[%iota3A, %broadcast_in_dim3A_1891] : memref<16x16xf32, #tpu.memory_space<vmem>>[vector<16xi32>, vector<16xi32>], vector<16xf32>,
      %add3A_1893 = arith.addf %add3A_1889, %gather3A_1892 : vector<16xf32>
      %broadcast_in_dim3A_1894 = arith.constant 12 : i32
      %broadcast_in_dim3A_1895 = vector.broadcast %broadcast_in_dim3A_1894 : i32 to vector<16xi32>
      %gather3A_1896 = tpu.vector_load_idx %arg7[%iota3A, %broadcast_in_dim3A_1895] : memref<16x16xf32, #tpu.memory_space<vmem>>[vector<16xi32>, vector<16xi32>], vector<16xf32>,
      %add3A_1897 = arith.addf %add3A_1893, %gather3A_1896 : vector<16xf32>
      %broadcast_in_dim3A_1898 = arith.constant 13 : i32
      %broadcast_in_dim3A_1899 = vector.broadcast %broadcast_in_dim3A_1898 : i32 to vector<16xi32>
      %gather3A_1900 = tpu.vector_load_idx %arg7[%iota3A, %broadcast_in_dim3A_1899] : memref<16x16xf32, #tpu.memory_space<vmem>>[vector<16xi32>, vector<16xi32>], vector<16xf32>,
      %add3A_1901 = arith.addf %add3A_1897, %gather3A_1900 : vector<16xf32>
      %broadcast_in_dim3A_1902 = arith.constant 14 : i32
      %broadcast_in_dim3A_1903 = vector.broadcast %broadcast_in_dim3A_1902 : i32 to vector<16xi32>
      %gather3A_1904 = tpu.vector_load_idx %arg7[%iota3A, %broadcast_in_dim3A_1903] : memref<16x16xf32, #tpu.memory_space<vmem>>[vector<16xi32>, vector<16xi32>], vector<16xf32>,
      %add3A_1905 = arith.addf %add3A_1901, %gather3A_1904 : vector<16xf32>
      %broadcast_in_dim3A_1906 = arith.constant 15 : i32
      %broadcast_in_dim3A_1907 = vector.broadcast %broadcast_in_dim3A_1906 : i32 to vector<16xi32>
      %gather3A_1908 = tpu.vector_load_idx %arg7[%iota3A, %broadcast_in_dim3A_1907] : memref<16x16xf32, #tpu.memory_space<vmem>>[vector<16xi32>, vector<16xi32>], vector<16xf32>,
      %add3A_1909 = arith.addf %add3A_1905, %gather3A_1908 : vector<16xf32>
      %swap3A_1910 = arith.constant 0 : index
      %swap3A_1911 = tpu.vector_load %arg9[%swap3A_1910] {strides = array<i32>} : memref<16xf32, #tpu.memory_space<vmem>>, vector<16xf32>,
      tpu.vector_store %arg9[%swap3A_1910], %add3A_1909 {strides = array<i32>} : memref<16xf32, #tpu.memory_space<vmem>>, vector<16xf32>,
      "tpu.region"() ({
        %run_scoped3A = tpu.sem_alloc : memref<!tpu.dma_semaphore, #tpu.memory_space<semaphore_mem>>
        tpu.enqueue_dma source(%arg9 : memref<16xf32, #tpu.memory_space<vmem>>) target(%arg4 : memref<16xf32, #tpu.memory_space<hbm>>) target_semaphore(%run_scoped3A : memref<!tpu.dma_semaphore, #tpu.memory_space<semaphore_mem>>)
        tpu.wait_dma2 semaphore(%run_scoped3A : memref<!tpu.dma_semaphore, #tpu.memory_space<semaphore_mem>>) src(%arg9 : memref<16xf32, #tpu.memory_space<vmem>>) dst(%arg4 : memref<16xf32, #tpu.memory_space<hbm>>)
        tpu.yield
      }) : () -> ()
    } else {
    }
    return
  }
}

module attributes {stable_mosaic.version = 14 : i64} {
  func.func @_tc_body(%arg0: i32, %arg1: memref<1x2048x1xi32, #tpu.memory_space<vmem>>, %arg2: memref<2048x8xf32, #tpu.memory_space<vmem>>, %arg3: memref<128x256xf32, #tpu.memory_space<vmem>>, %arg4: memref<8x256xf32, #tpu.memory_space<vmem>>, %arg5: memref<256x128xf32, #tpu.memory_space<vmem>>, %arg6: memref<1x128xf32, #tpu.memory_space<vmem>>, %arg7: memref<128x1xf32, #tpu.memory_space<vmem>>, %arg8: memref<1x1xf32, #tpu.memory_space<vmem>>, %arg9: memref<16x128xf32, #tpu.memory_space<vmem>>) attributes {dimension_semantics = [#tpu.dimension_semantics<arbitrary>], iteration_bounds = array<i64: 8>, scalar_prefetch = 0 : i64, scratch_operands = 0 : i64, tpu.core_type = #tpu.core_type<tc>, window_params = [{transform_indices = @transform_0, window_bounds = array<i64: 1, 2048, 1>}, {transform_indices = @transform_1, window_bounds = array<i64: 2048, 8>}, {pipeline_mode = #tpu.pipeline_mode<synchronous>, transform_indices = @transform_2, window_bounds = array<i64: 128, 256>}, {pipeline_mode = #tpu.pipeline_mode<synchronous>, transform_indices = @transform_3, window_bounds = array<i64: 8, 256>}, {pipeline_mode = #tpu.pipeline_mode<synchronous>, transform_indices = @transform_4, window_bounds = array<i64: 256, 128>}, {pipeline_mode = #tpu.pipeline_mode<synchronous>, transform_indices = @transform_5, window_bounds = array<i64: 1, 128>}, {pipeline_mode = #tpu.pipeline_mode<synchronous>, transform_indices = @transform_6, window_bounds = array<i64: 128, 1>}, {pipeline_mode = #tpu.pipeline_mode<synchronous>, transform_indices = @transform_7, window_bounds = array<i64: 1, 1>}, {transform_indices = @transform_8, window_bounds = array<i64: 16, 128>}]} {
    %get3A = arith.constant 0 : index
    %get3A_0 = arith.constant 0 : index
    %get3A_1 = arith.constant 0 : index
    %get3A_2 = vector.load %arg1[%get3A, %get3A_0, %get3A_1] : memref<1x2048x1xi32, #tpu.memory_space<vmem>>, vector<1x2048x1xi32>
    %get3A_3 = vector.shape_cast %get3A_2 : vector<1x2048x1xi32> to vector<2048x1xi32>
    %iota3A = tpu.iota {dimensions = array<i32: 1>} : vector<2048x128xi32>
    %eq3A = vector.broadcast %get3A_3 : vector<2048x1xi32> to vector<2048x128xi32>
    %eq3A_4 = arith.cmpi eq, %eq3A, %iota3A : vector<2048x128xi32>
    %convert_element_type3A = arith.extui %eq3A_4 : vector<2048x128xi1> to vector<2048x128xi32>
    %convert_element_type3A_5 = arith.sitofp %convert_element_type3A : vector<2048x128xi32> to vector<2048x128xf32>
    %get3A_6 = arith.constant 0 : index
    %get3A_7 = arith.constant 0 : index
    %get3A_8 = vector.load %arg3[%get3A_6, %get3A_7] : memref<128x256xf32, #tpu.memory_space<vmem>>, vector<128x256xf32>
    %dot_general3A = arith.constant dense<0.000000e+00> : vector<2048x256xf32>
    %dot_general3A_9 = tpu.matmul %convert_element_type3A_5, %get3A_8, %dot_general3A {dimension_numbers = #tpu.dot_dimension_numbers<[1], [0], [0], [1], [0, 0, 1, 1], [], []>, transpose_lhs_hint = false} : vector<2048x128xf32>, vector<128x256xf32>, vector<2048x256xf32> -> vector<2048x256xf32>
    %get3A_10 = arith.constant 0 : index
    %get3A_11 = arith.constant 0 : index
    %get3A_12 = vector.load %arg2[%get3A_10, %get3A_11] : memref<2048x8xf32, #tpu.memory_space<vmem>>, vector<2048x8xf32>
    %get3A_13 = arith.constant 0 : index
    %get3A_14 = arith.constant 0 : index
    %get3A_15 = vector.load %arg4[%get3A_13, %get3A_14] : memref<8x256xf32, #tpu.memory_space<vmem>>, vector<8x256xf32>
    %dot_general3A_16 = arith.constant dense<0.000000e+00> : vector<2048x256xf32>
    %dot_general3A_17 = tpu.matmul %get3A_12, %get3A_15, %dot_general3A_16 {dimension_numbers = #tpu.dot_dimension_numbers<[1], [0], [0], [1], [0, 0, 1, 1], [], []>, transpose_lhs_hint = false} : vector<2048x8xf32>, vector<8x256xf32>, vector<2048x256xf32> -> vector<2048x256xf32>
    %add3A = arith.addf %dot_general3A_9, %dot_general3A_17 : vector<2048x256xf32>
    %get3A_18 = arith.constant 0 : index
    %get3A_19 = arith.constant 0 : index
    %get3A_20 = vector.load %arg5[%get3A_18, %get3A_19] : memref<256x128xf32, #tpu.memory_space<vmem>>, vector<256x128xf32>
    %dot_general3A_21 = arith.constant dense<0.000000e+00> : vector<2048x128xf32>
    %dot_general3A_22 = tpu.matmul %add3A, %get3A_20, %dot_general3A_21 {dimension_numbers = #tpu.dot_dimension_numbers<[1], [0], [0], [1], [0, 0, 1, 1], [], []>, transpose_lhs_hint = false} : vector<2048x256xf32>, vector<256x128xf32>, vector<2048x128xf32> -> vector<2048x128xf32>
    %get3A_23 = arith.constant 0 : index
    %get3A_24 = arith.constant 0 : index
    %get3A_25 = vector.load %arg6[%get3A_23, %get3A_24] : memref<1x128xf32, #tpu.memory_space<vmem>>, vector<1x128xf32>
    %add3A_26 = vector.broadcast %get3A_25 : vector<1x128xf32> to vector<2048x128xf32>
    %add3A_27 = arith.addf %dot_general3A_22, %add3A_26 : vector<2048x128xf32>
    %logistic3A = arith.negf %add3A_27 : vector<2048x128xf32>
    %logistic3A_28 = math.exp %logistic3A : vector<2048x128xf32>
    %logistic3A_29 = arith.constant 1.000000e+00 : f32
    %logistic3A_30 = vector.broadcast %logistic3A_29 : f32 to vector<2048x128xf32>
    %logistic3A_31 = arith.addf %logistic3A_30, %logistic3A_28 : vector<2048x128xf32>
    %logistic3A_32 = arith.divf %logistic3A_30, %logistic3A_31 : vector<2048x128xf32>
    %mul3A = arith.mulf %add3A_27, %logistic3A_32 : vector<2048x128xf32>
    %get3A_33 = arith.constant 0 : index
    %get3A_34 = arith.constant 0 : index
    %get3A_35 = vector.load %arg7[%get3A_33, %get3A_34] : memref<128x1xf32, #tpu.memory_space<vmem>>, vector<128x1xf32>
    %dot_general3A_36 = arith.constant dense<0.000000e+00> : vector<2048x1xf32>
    %dot_general3A_37 = tpu.matmul %mul3A, %get3A_35, %dot_general3A_36 {dimension_numbers = #tpu.dot_dimension_numbers<[1], [0], [0], [1], [0, 0, 1, 1], [], []>, transpose_lhs_hint = false} : vector<2048x128xf32>, vector<128x1xf32>, vector<2048x1xf32> -> vector<2048x1xf32>
    %reshape3A = vector.shape_cast %dot_general3A_37 : vector<2048x1xf32> to vector<1x2048xf32>
    %get3A_38 = arith.constant 0 : index
    %get3A_39 = arith.constant 0 : index
    %get3A_40 = vector.load %arg8[%get3A_38, %get3A_39] : memref<1x1xf32, #tpu.memory_space<vmem>>, vector<1x1xf32>
    %add3A_41 = vector.broadcast %get3A_40 : vector<1x1xf32> to vector<1x2048xf32>
    %add3A_42 = arith.addf %reshape3A, %add3A_41 : vector<1x2048xf32>
    %slice3A = vector.extract_strided_slice %add3A_42 {offsets = [0, 0], sizes = [1, 128], strides = [1, 1]} : vector<1x2048xf32> to vector<1x128xf32>
    %squeeze3A = vector.shape_cast %slice3A : vector<1x128xf32> to vector<128xf32>
    %swap3A = arith.constant 0 : index
    %swap3A_43 = arith.constant 0 : index
    %swap3A_44 = vector.load %arg9[%swap3A, %swap3A_43] : memref<16x128xf32, #tpu.memory_space<vmem>>, vector<1x128xf32>
    %swap3A_45 = vector.shape_cast %swap3A_44 : vector<1x128xf32> to vector<128xf32>
    %swap3A_46 = vector.shape_cast %squeeze3A : vector<128xf32> to vector<1x128xf32>
    tpu.vector_store %arg9[%swap3A, %swap3A_43], %swap3A_46 {strides = array<i32>} : memref<16x128xf32, #tpu.memory_space<vmem>>, vector<1x128xf32>,
    %slice3A_47 = vector.extract_strided_slice %add3A_42 {offsets = [0, 128], sizes = [1, 128], strides = [1, 1]} : vector<1x2048xf32> to vector<1x128xf32>
    %squeeze3A_48 = vector.shape_cast %slice3A_47 : vector<1x128xf32> to vector<128xf32>
    %swap3A_49 = arith.constant 1 : index
    %swap3A_50 = arith.constant 0 : index
    %swap3A_51 = vector.load %arg9[%swap3A_49, %swap3A_50] : memref<16x128xf32, #tpu.memory_space<vmem>>, vector<1x128xf32>
    %swap3A_52 = vector.shape_cast %swap3A_51 : vector<1x128xf32> to vector<128xf32>
    %swap3A_53 = vector.shape_cast %squeeze3A_48 : vector<128xf32> to vector<1x128xf32>
    tpu.vector_store %arg9[%swap3A_49, %swap3A_50], %swap3A_53 {strides = array<i32>} : memref<16x128xf32, #tpu.memory_space<vmem>>, vector<1x128xf32>,
    %slice3A_54 = vector.extract_strided_slice %add3A_42 {offsets = [0, 256], sizes = [1, 128], strides = [1, 1]} : vector<1x2048xf32> to vector<1x128xf32>
    %squeeze3A_55 = vector.shape_cast %slice3A_54 : vector<1x128xf32> to vector<128xf32>
    %swap3A_56 = arith.constant 2 : index
    %swap3A_57 = arith.constant 0 : index
    %swap3A_58 = vector.load %arg9[%swap3A_56, %swap3A_57] : memref<16x128xf32, #tpu.memory_space<vmem>>, vector<1x128xf32>
    %swap3A_59 = vector.shape_cast %swap3A_58 : vector<1x128xf32> to vector<128xf32>
    %swap3A_60 = vector.shape_cast %squeeze3A_55 : vector<128xf32> to vector<1x128xf32>
    tpu.vector_store %arg9[%swap3A_56, %swap3A_57], %swap3A_60 {strides = array<i32>} : memref<16x128xf32, #tpu.memory_space<vmem>>, vector<1x128xf32>,
    %slice3A_61 = vector.extract_strided_slice %add3A_42 {offsets = [0, 384], sizes = [1, 128], strides = [1, 1]} : vector<1x2048xf32> to vector<1x128xf32>
    %squeeze3A_62 = vector.shape_cast %slice3A_61 : vector<1x128xf32> to vector<128xf32>
    %swap3A_63 = arith.constant 3 : index
    %swap3A_64 = arith.constant 0 : index
    %swap3A_65 = vector.load %arg9[%swap3A_63, %swap3A_64] : memref<16x128xf32, #tpu.memory_space<vmem>>, vector<1x128xf32>
    %swap3A_66 = vector.shape_cast %swap3A_65 : vector<1x128xf32> to vector<128xf32>
    %swap3A_67 = vector.shape_cast %squeeze3A_62 : vector<128xf32> to vector<1x128xf32>
    tpu.vector_store %arg9[%swap3A_63, %swap3A_64], %swap3A_67 {strides = array<i32>} : memref<16x128xf32, #tpu.memory_space<vmem>>, vector<1x128xf32>,
    %slice3A_68 = vector.extract_strided_slice %add3A_42 {offsets = [0, 512], sizes = [1, 128], strides = [1, 1]} : vector<1x2048xf32> to vector<1x128xf32>
    %squeeze3A_69 = vector.shape_cast %slice3A_68 : vector<1x128xf32> to vector<128xf32>
    %swap3A_70 = arith.constant 4 : index
    %swap3A_71 = arith.constant 0 : index
    %swap3A_72 = vector.load %arg9[%swap3A_70, %swap3A_71] : memref<16x128xf32, #tpu.memory_space<vmem>>, vector<1x128xf32>
    %swap3A_73 = vector.shape_cast %swap3A_72 : vector<1x128xf32> to vector<128xf32>
    %swap3A_74 = vector.shape_cast %squeeze3A_69 : vector<128xf32> to vector<1x128xf32>
    tpu.vector_store %arg9[%swap3A_70, %swap3A_71], %swap3A_74 {strides = array<i32>} : memref<16x128xf32, #tpu.memory_space<vmem>>, vector<1x128xf32>,
    %slice3A_75 = vector.extract_strided_slice %add3A_42 {offsets = [0, 640], sizes = [1, 128], strides = [1, 1]} : vector<1x2048xf32> to vector<1x128xf32>
    %squeeze3A_76 = vector.shape_cast %slice3A_75 : vector<1x128xf32> to vector<128xf32>
    %swap3A_77 = arith.constant 5 : index
    %swap3A_78 = arith.constant 0 : index
    %swap3A_79 = vector.load %arg9[%swap3A_77, %swap3A_78] : memref<16x128xf32, #tpu.memory_space<vmem>>, vector<1x128xf32>
    %swap3A_80 = vector.shape_cast %swap3A_79 : vector<1x128xf32> to vector<128xf32>
    %swap3A_81 = vector.shape_cast %squeeze3A_76 : vector<128xf32> to vector<1x128xf32>
    tpu.vector_store %arg9[%swap3A_77, %swap3A_78], %swap3A_81 {strides = array<i32>} : memref<16x128xf32, #tpu.memory_space<vmem>>, vector<1x128xf32>,
    %slice3A_82 = vector.extract_strided_slice %add3A_42 {offsets = [0, 768], sizes = [1, 128], strides = [1, 1]} : vector<1x2048xf32> to vector<1x128xf32>
    %squeeze3A_83 = vector.shape_cast %slice3A_82 : vector<1x128xf32> to vector<128xf32>
    %swap3A_84 = arith.constant 6 : index
    %swap3A_85 = arith.constant 0 : index
    %swap3A_86 = vector.load %arg9[%swap3A_84, %swap3A_85] : memref<16x128xf32, #tpu.memory_space<vmem>>, vector<1x128xf32>
    %swap3A_87 = vector.shape_cast %swap3A_86 : vector<1x128xf32> to vector<128xf32>
    %swap3A_88 = vector.shape_cast %squeeze3A_83 : vector<128xf32> to vector<1x128xf32>
    tpu.vector_store %arg9[%swap3A_84, %swap3A_85], %swap3A_88 {strides = array<i32>} : memref<16x128xf32, #tpu.memory_space<vmem>>, vector<1x128xf32>,
    %slice3A_89 = vector.extract_strided_slice %add3A_42 {offsets = [0, 896], sizes = [1, 128], strides = [1, 1]} : vector<1x2048xf32> to vector<1x128xf32>
    %squeeze3A_90 = vector.shape_cast %slice3A_89 : vector<1x128xf32> to vector<128xf32>
    %swap3A_91 = arith.constant 7 : index
    %swap3A_92 = arith.constant 0 : index
    %swap3A_93 = vector.load %arg9[%swap3A_91, %swap3A_92] : memref<16x128xf32, #tpu.memory_space<vmem>>, vector<1x128xf32>
    %swap3A_94 = vector.shape_cast %swap3A_93 : vector<1x128xf32> to vector<128xf32>
    %swap3A_95 = vector.shape_cast %squeeze3A_90 : vector<128xf32> to vector<1x128xf32>
    tpu.vector_store %arg9[%swap3A_91, %swap3A_92], %swap3A_95 {strides = array<i32>} : memref<16x128xf32, #tpu.memory_space<vmem>>, vector<1x128xf32>,
    %slice3A_96 = vector.extract_strided_slice %add3A_42 {offsets = [0, 1024], sizes = [1, 128], strides = [1, 1]} : vector<1x2048xf32> to vector<1x128xf32>
    %squeeze3A_97 = vector.shape_cast %slice3A_96 : vector<1x128xf32> to vector<128xf32>
    %swap3A_98 = arith.constant 8 : index
    %swap3A_99 = arith.constant 0 : index
    %swap3A_100 = vector.load %arg9[%swap3A_98, %swap3A_99] : memref<16x128xf32, #tpu.memory_space<vmem>>, vector<1x128xf32>
    %swap3A_101 = vector.shape_cast %swap3A_100 : vector<1x128xf32> to vector<128xf32>
    %swap3A_102 = vector.shape_cast %squeeze3A_97 : vector<128xf32> to vector<1x128xf32>
    tpu.vector_store %arg9[%swap3A_98, %swap3A_99], %swap3A_102 {strides = array<i32>} : memref<16x128xf32, #tpu.memory_space<vmem>>, vector<1x128xf32>,
    %slice3A_103 = vector.extract_strided_slice %add3A_42 {offsets = [0, 1152], sizes = [1, 128], strides = [1, 1]} : vector<1x2048xf32> to vector<1x128xf32>
    %squeeze3A_104 = vector.shape_cast %slice3A_103 : vector<1x128xf32> to vector<128xf32>
    %swap3A_105 = arith.constant 9 : index
    %swap3A_106 = arith.constant 0 : index
    %swap3A_107 = vector.load %arg9[%swap3A_105, %swap3A_106] : memref<16x128xf32, #tpu.memory_space<vmem>>, vector<1x128xf32>
    %swap3A_108 = vector.shape_cast %swap3A_107 : vector<1x128xf32> to vector<128xf32>
    %swap3A_109 = vector.shape_cast %squeeze3A_104 : vector<128xf32> to vector<1x128xf32>
    tpu.vector_store %arg9[%swap3A_105, %swap3A_106], %swap3A_109 {strides = array<i32>} : memref<16x128xf32, #tpu.memory_space<vmem>>, vector<1x128xf32>,
    %slice3A_110 = vector.extract_strided_slice %add3A_42 {offsets = [0, 1280], sizes = [1, 128], strides = [1, 1]} : vector<1x2048xf32> to vector<1x128xf32>
    %squeeze3A_111 = vector.shape_cast %slice3A_110 : vector<1x128xf32> to vector<128xf32>
    %swap3A_112 = arith.constant 10 : index
    %swap3A_113 = arith.constant 0 : index
    %swap3A_114 = vector.load %arg9[%swap3A_112, %swap3A_113] : memref<16x128xf32, #tpu.memory_space<vmem>>, vector<1x128xf32>
    %swap3A_115 = vector.shape_cast %swap3A_114 : vector<1x128xf32> to vector<128xf32>
    %swap3A_116 = vector.shape_cast %squeeze3A_111 : vector<128xf32> to vector<1x128xf32>
    tpu.vector_store %arg9[%swap3A_112, %swap3A_113], %swap3A_116 {strides = array<i32>} : memref<16x128xf32, #tpu.memory_space<vmem>>, vector<1x128xf32>,
    %slice3A_117 = vector.extract_strided_slice %add3A_42 {offsets = [0, 1408], sizes = [1, 128], strides = [1, 1]} : vector<1x2048xf32> to vector<1x128xf32>
    %squeeze3A_118 = vector.shape_cast %slice3A_117 : vector<1x128xf32> to vector<128xf32>
    %swap3A_119 = arith.constant 11 : index
    %swap3A_120 = arith.constant 0 : index
    %swap3A_121 = vector.load %arg9[%swap3A_119, %swap3A_120] : memref<16x128xf32, #tpu.memory_space<vmem>>, vector<1x128xf32>
    %swap3A_122 = vector.shape_cast %swap3A_121 : vector<1x128xf32> to vector<128xf32>
    %swap3A_123 = vector.shape_cast %squeeze3A_118 : vector<128xf32> to vector<1x128xf32>
    tpu.vector_store %arg9[%swap3A_119, %swap3A_120], %swap3A_123 {strides = array<i32>} : memref<16x128xf32, #tpu.memory_space<vmem>>, vector<1x128xf32>,
    %slice3A_124 = vector.extract_strided_slice %add3A_42 {offsets = [0, 1536], sizes = [1, 128], strides = [1, 1]} : vector<1x2048xf32> to vector<1x128xf32>
    %squeeze3A_125 = vector.shape_cast %slice3A_124 : vector<1x128xf32> to vector<128xf32>
    %swap3A_126 = arith.constant 12 : index
    %swap3A_127 = arith.constant 0 : index
    %swap3A_128 = vector.load %arg9[%swap3A_126, %swap3A_127] : memref<16x128xf32, #tpu.memory_space<vmem>>, vector<1x128xf32>
    %swap3A_129 = vector.shape_cast %swap3A_128 : vector<1x128xf32> to vector<128xf32>
    %swap3A_130 = vector.shape_cast %squeeze3A_125 : vector<128xf32> to vector<1x128xf32>
    tpu.vector_store %arg9[%swap3A_126, %swap3A_127], %swap3A_130 {strides = array<i32>} : memref<16x128xf32, #tpu.memory_space<vmem>>, vector<1x128xf32>,
    %slice3A_131 = vector.extract_strided_slice %add3A_42 {offsets = [0, 1664], sizes = [1, 128], strides = [1, 1]} : vector<1x2048xf32> to vector<1x128xf32>
    %squeeze3A_132 = vector.shape_cast %slice3A_131 : vector<1x128xf32> to vector<128xf32>
    %swap3A_133 = arith.constant 13 : index
    %swap3A_134 = arith.constant 0 : index
    %swap3A_135 = vector.load %arg9[%swap3A_133, %swap3A_134] : memref<16x128xf32, #tpu.memory_space<vmem>>, vector<1x128xf32>
    %swap3A_136 = vector.shape_cast %swap3A_135 : vector<1x128xf32> to vector<128xf32>
    %swap3A_137 = vector.shape_cast %squeeze3A_132 : vector<128xf32> to vector<1x128xf32>
    tpu.vector_store %arg9[%swap3A_133, %swap3A_134], %swap3A_137 {strides = array<i32>} : memref<16x128xf32, #tpu.memory_space<vmem>>, vector<1x128xf32>,
    %slice3A_138 = vector.extract_strided_slice %add3A_42 {offsets = [0, 1792], sizes = [1, 128], strides = [1, 1]} : vector<1x2048xf32> to vector<1x128xf32>
    %squeeze3A_139 = vector.shape_cast %slice3A_138 : vector<1x128xf32> to vector<128xf32>
    %swap3A_140 = arith.constant 14 : index
    %swap3A_141 = arith.constant 0 : index
    %swap3A_142 = vector.load %arg9[%swap3A_140, %swap3A_141] : memref<16x128xf32, #tpu.memory_space<vmem>>, vector<1x128xf32>
    %swap3A_143 = vector.shape_cast %swap3A_142 : vector<1x128xf32> to vector<128xf32>
    %swap3A_144 = vector.shape_cast %squeeze3A_139 : vector<128xf32> to vector<1x128xf32>
    tpu.vector_store %arg9[%swap3A_140, %swap3A_141], %swap3A_144 {strides = array<i32>} : memref<16x128xf32, #tpu.memory_space<vmem>>, vector<1x128xf32>,
    %slice3A_145 = vector.extract_strided_slice %add3A_42 {offsets = [0, 1920], sizes = [1, 128], strides = [1, 1]} : vector<1x2048xf32> to vector<1x128xf32>
    %squeeze3A_146 = vector.shape_cast %slice3A_145 : vector<1x128xf32> to vector<128xf32>
    %swap3A_147 = arith.constant 15 : index
    %swap3A_148 = arith.constant 0 : index
    %swap3A_149 = vector.load %arg9[%swap3A_147, %swap3A_148] : memref<16x128xf32, #tpu.memory_space<vmem>>, vector<1x128xf32>
    %swap3A_150 = vector.shape_cast %swap3A_149 : vector<1x128xf32> to vector<128xf32>
    %swap3A_151 = vector.shape_cast %squeeze3A_146 : vector<128xf32> to vector<1x128xf32>
    tpu.vector_store %arg9[%swap3A_147, %swap3A_148], %swap3A_151 {strides = array<i32>} : memref<16x128xf32, #tpu.memory_space<vmem>>, vector<1x128xf32>,
    return
  }
  func.func @transform_0(%arg0: i32) -> (i32, i32, i32) {
    %c0_i32 = arith.constant 0 : i32
    %c0_i32_0 = arith.constant 0 : i32
    %c0_i32_1 = arith.constant 0 : i32
    return %arg0, %c0_i32, %c0_i32_0 : i32, i32, i32
  }
  func.func @transform_1(%arg0: i32) -> (i32, i32) {
    %c0_i32 = arith.constant 0 : i32
    %c0_i32_0 = arith.constant 0 : i32
    return %arg0, %c0_i32 : i32, i32
  }
  func.func @transform_2(%arg0: i32) -> (i32, i32) {
    %c0_i32 = arith.constant 0 : i32
    %c0_i32_0 = arith.constant 0 : i32
    %c0_i32_1 = arith.constant 0 : i32
    return %c0_i32, %c0_i32_0 : i32, i32
  }
  func.func @transform_3(%arg0: i32) -> (i32, i32) {
    %c0_i32 = arith.constant 0 : i32
    %c0_i32_0 = arith.constant 0 : i32
    %c0_i32_1 = arith.constant 0 : i32
    return %c0_i32, %c0_i32_0 : i32, i32
  }
  func.func @transform_4(%arg0: i32) -> (i32, i32) {
    %c0_i32 = arith.constant 0 : i32
    %c0_i32_0 = arith.constant 0 : i32
    %c0_i32_1 = arith.constant 0 : i32
    return %c0_i32, %c0_i32_0 : i32, i32
  }
  func.func @transform_5(%arg0: i32) -> (i32, i32) {
    %c0_i32 = arith.constant 0 : i32
    %c0_i32_0 = arith.constant 0 : i32
    %c0_i32_1 = arith.constant 0 : i32
    return %c0_i32, %c0_i32_0 : i32, i32
  }
  func.func @transform_6(%arg0: i32) -> (i32, i32) {
    %c0_i32 = arith.constant 0 : i32
    %c0_i32_0 = arith.constant 0 : i32
    %c0_i32_1 = arith.constant 0 : i32
    return %c0_i32, %c0_i32_0 : i32, i32
  }
  func.func @transform_7(%arg0: i32) -> (i32, i32) {
    %c0_i32 = arith.constant 0 : i32
    %c0_i32_0 = arith.constant 0 : i32
    %c0_i32_1 = arith.constant 0 : i32
    return %c0_i32, %c0_i32_0 : i32, i32
  }
  func.func @transform_8(%arg0: i32) -> (i32, i32) {
    %c0_i32 = arith.constant 0 : i32
    %c0_i32_0 = arith.constant 0 : i32
    return %arg0, %c0_i32 : i32, i32
  }
}

</mosaic_0001>

<sc_bundles>
// kernel: kernel.4.cloned.1.call-start
scs
__scs_entry_jumppad:
0x0: {  	(pc) =	sbr.rel $0x88, $3  }
0x1: {  	(tag) =	ssettag $0x0;
	lr =	simm.s32 $0x1  }
0x2: {  	[smem:$0x3F98] =	sst lr;
	_ =	strace $0xD0000000  }
0x3: {  	_ = 	snop  }
0x4: {  	_ = 	snop  }
0x5: {  	_ = 	snop  }
0x6: {  	_ = 	snop  }
0x7: {  	_ = 	snop  }
__scs_overlays_trampoline_lowered:
0x8: {  	[smem:$0x3FA7] =	sst s0  }
0x9: {  	[smem:$0x3FA8] =	sst s1  }
0xa: {  	[smem:$0x3FA9] =	sst s2  }
0xb: {  	[smem:$0x3FAA] =	sst s3  }
0xc: {  	[smem:$0x3FAB] =	sst s4  }
0xd: {  	[smem:$0x3FAC] =	sst s5  }
0xe: {  	[smem:$0x3FAD] =	sst s6  }
0xf: {  	[smem:$0x3FAE] =	sst s7  }
0x10: {  	[smem:$0x3FAF] =	sst s8  }
0x11: {  	[smem:$0x3FB0] =	sst s9;
	s0 =	simm.s32 @!p0 $0x0  }
0x12: {  	s1 =	sld [smem:$0x3F96];
	s0 =	simm.s32 @p0 $0x1  }
0x13: {  	[smem:$0x3FB1] =	sst s0;
	s0 =	simm.s32 @!p1 $0x0  }
0x14: {  	s2 =	sld [smem:$0x3F95];
	s0 =	simm.s32 @p1 $0x1  }
0x15: {  	[smem:$0x3FB2] =	sst s0;
	s0 =	simm.s32 @!p2 $0x0  }
0x16: {  	s3 =	sld [smem:$0x3FDB];
	s0 =	simm.s32 @p2 $0x1  }
0x17: {  	s4 =	simm.s32 $0x1BF5;
	[smem:$0x3FB4] =	sst s0  }
0x18: {  	s0 =	sld [smem:$0x3F97];
	_ =	swait.ge [sflag:s4], $0x0  }
0x19: {  	s7 =	sld [smem:$0x3F98]  }
0x1a: {  	s8 =	sadd.s32 $0xFFFFE003, lr  }
0x1b: {  	s9 =	sadd.s32 $0xFFFFFEF7, lr;
	s5 =	simm.s32 $0xFFFFFFFF;
	p2 =	slt.u32 s8, $0xFFFFF086  }
0x1c: {  	p1 =	slt.u32 s9, $0xF7A;
	s5 =	simm.s32 @!p2 $0x0  }
0x1d: {  	s5 =	simm.s32 @p1 $0x1;
	p0 =	seq.s32 s7, s2  }
0x1e: {  	s7 =	smul.u32 @!p0 $0xF7A, s2;
	p2 =	seq.s32 @!p0 s5, $0x0  }
0x1f: {  	s9 =	smul.u32 $0xF7A, s1;
	s8 =	simm.s32 @!p0 $0x1BF5;
	p2 =	por !p2, p0  }
0x20: {  	[sflag:s8] =	ssyncset.s32 @!p0 $0xFFFFF086;
	s6 =	sadd.s32 @!p0 s3, s7;
	s7 =	simm.s32 @!p0 $0x108  }
0x21: {  	s3 =	sadd.s32 s3, s9;
	s6 =	sadd.s32 @!p0 $0x88, s6;
	s7 =	simm.s32 @p2 $0x1082  }
0x22: {  	[simem:s7], [sflag:s8] =	dma.local @!p0 [hbm:s6], $0xF7A  }
0x23: {  	s9 =	sor.u32 $0xD0000000, s2;
	s6 =	simm.s32 $0x108;
	_ =	swait.ge @!p0 [sflag:s8], $0x0  }
0x24: {  	s3 =	sadd.s32 $0x88, s3;
	s6 =	simm.s32 @!p1 $0x1082;
	[sflag:s4] =	ssyncset.s32 $0xFFFFF086  }
0x25: {  	[simem:s6], [sflag:s4] =	dma.local [hbm:s3], $0xF7A  }
0x26: {  	[smem:$0x3F98] =	sst s1;
	(tag) =	ssettag s2;
	_ =	strace s9  }
0x27: {  	s1 =	sld [smem:$0x3FA8]  }
0x28: {  	s2 =	sld [smem:$0x3FA9]  }
0x29: {  	s4 =	sld [smem:$0x3FAB]  }
0x2a: {  	p0 =	seq.s32 s5, $0x0;
	s5 =	sld [smem:$0x3FAC]  }
0x2b: {  	s6 =	sld [smem:$0x3FAD]  }
0x2c: {  	s7 =	sld [smem:$0x3FAE]  }
0x2d: {  	s3 =	simm.s32 $0x108;
	s8 =	sld [smem:$0x3FAF]  }
0x2e: {  	s3 =	simm.s32 @!p0 $0x1082;
	s9 =	sld [smem:$0x3FB0]  }
0x2f: {  	lr =	sadd.s32 s0, s3;
	s0 =	sld [smem:$0x3FA7]  }
0x30: {  	s3 =	sld [smem:$0x3FAA]  }
0x31: {  	[smem:$0x3FB3] =	sst s10  }
0x32: {  	s10 =	sld [smem:$0x3FB1];
	_ =	sdelay $0x3  }
0x33: {  	p0 =	seq.s32 s10, $0x1;
	s10 =	sld [smem:$0x3FB3];
	_ =	sdelay $0x3  }
0x34: {  	[smem:$0x3FB3] =	sst s10  }
0x35: {  	s10 =	sld [smem:$0x3FB2];
	_ =	sdelay $0x3  }
0x36: {  	p1 =	seq.s32 s10, $0x1;
	s10 =	sld [smem:$0x3FB3];
	_ =	sdelay $0x3  }
0x37: {  	[smem:$0x3FB3] =	sst s10  }
0x38: {  	s10 =	sld [smem:$0x3FB4]  }
0x39: {  	_ = 	snop;
	(pc) =	sbr.ind lr, $3  }
0x3a: {  	_ = 	snop  }
0x3b: {  	_ = 	snop  }
0x3c: {  	p2 =	seq.s32 s10, $0x1;
	s10 =	sld [smem:$0x3FB3]  }
0x3d: {  	_ =	shalt  }
0x3e: {  	_ =	shalt  }
0x3f: {  	_ =	shalt  }
0x40: {  	_ =	shalt  }
0x41: {  	_ =	shalt  }
0x42: {  	_ =	shalt  }
0x43: {  	_ =	shalt  }
0x44: {  	_ =	shalt  }
0x45: {  	_ =	shalt  }
0x46: {  	_ =	shalt  }
0x47: {  	_ =	shalt  }
0x48: {  	_ =	shalt  }
0x49: {  	_ =	shalt  }
0x4a: {  	_ =	shalt  }
0x4b: {  	_ =	shalt  }
0x4c: {  	_ =	shalt  }
0x4d: {  	_ =	shalt  }
0x4e: {  	_ =	shalt  }
0x4f: {  	_ =	shalt  }
0x50: {  	_ =	shalt  }
0x51: {  	_ =	shalt  }
0x52: {  	_ =	shalt  }
0x53: {  	_ =	shalt  }
0x54: {  	_ =	shalt  }
0x55: {  	_ =	shalt  }
0x56: {  	_ =	shalt  }
0x57: {  	_ =	shalt  }
0x58: {  	_ =	shalt  }
0x59: {  	_ =	shalt  }
0x5a: {  	_ =	shalt  }
0x5b: {  	_ =	shalt  }
0x5c: {  	_ =	shalt  }
0x5d: {  	_ =	shalt  }
0x5e: {  	_ =	shalt  }
0x5f: {  	_ =	shalt  }
0x60: {  	_ =	shalt  }
0x61: {  	_ =	shalt  }
0x62: {  	_ =	shalt  }
0x63: {  	_ =	shalt  }
0x64: {  	_ =	shalt  }
0x65: {  	_ =	shalt  }
0x66: {  	_ =	shalt  }
0x67: {  	_ =	shalt  }
0x68: {  	_ =	shalt  }
0x69: {  	_ =	shalt  }
0x6a: {  	_ =	shalt  }
0x6b: {  	_ =	shalt  }
0x6c: {  	_ =	shalt  }
0x6d: {  	_ =	shalt  }
0x6e: {  	_ =	shalt  }
0x6f: {  	_ =	shalt  }
0x70: {  	_ =	shalt  }
0x71: {  	_ =	shalt  }
0x72: {  	_ =	shalt  }
0x73: {  	_ =	shalt  }
0x74: {  	_ =	shalt  }
0x75: {  	_ =	shalt  }
0x76: {  	_ =	shalt  }
0x77: {  	_ =	shalt  }
0x78: {  	_ =	shalt  }
0x79: {  	_ =	shalt  }
0x7a: {  	_ =	shalt  }
0x7b: {  	_ =	shalt  }
0x7c: {  	_ =	shalt  }
0x7d: {  	_ =	shalt  }
0x7e: {  	_ =	shalt  }
0x7f: {  	_ =	shalt  }
0x80: {  	_ =	shalt  }
0x81: {  	_ =	shalt  }
0x82: {  	_ =	shalt  }
0x83: {  	_ =	shalt  }
0x84: {  	_ =	shalt  }
0x85: {  	_ =	shalt  }
0x86: {  	_ =	shalt  }
0x87: {  	_ =	shalt  }
.Lfunc_end0:
.L_simem_size_0:
called_computation_lowered:
.L_overlay_start_0:
0x88: {  	s0 =	sld [smem:$0x3FD9]  }
0x89: {  	s1 =	sld [smem:$0x3FFE];
	_ =	sdelay $0x3  }
0x8a: {  	s0 =	sadd.s32 s1, s0  }
0x8b: {  	[smem:$0x3FBF] =	sst s0  }
0x8c: {  	_ = 	snop  }
0x8d: {  	s0 =	sld [smem:$0x3FC7]  }
0x8e: {  	s16 =	sld [smem:$0x3FD0];
	(tm) =	ssettm $0x1  }
0x8f: {  	s2 =	sld [smem:$0x3FFB];
	_ =	sdelay $0x3  }
0x90: {  	_ =	strace s2  }
0x91: {  	s2 =	sld [smem:$0x3FFC];
	_ =	sdelay $0x3  }
0x92: {  	_ =	strace s2  }
0x93: {  	s2 =	sld [smem:$0x3FFD];
	_ =	sdelay $0x3  }
0x94: {  	_ =	strace s2  }
0x95: {  	_ =	strace $0x8FFFFFFF  }
0x96: {  	s17 =	sld [smem:$0x3FDB];
	_ =	sdelay $0x1  }
0x97: {  	s3 =	simm.s32 $_scs_section_size  }
0x98: {  	s4 =	simm.s32 $_size__tile_overlayer_lowered;
	s5 =	simm.s32 $_tile_overlayer_lowered  }
0x99: {  	s20 =	simm.s32 $0x1BFF;
	s19 =	sshll.u32 s5, $0x1;
	s2 =	sadd.s32 s3, s17  }
0x9a: {  	s6 =	simm.s32 $0x0;
	s18 =	sshll.u32 s4, $0x1;
	s4 =	sadd.s32 s19, s2  }
0x9b: {  	[timem:s6], [sflag:s20] =	dma.local [hbm:s4], s18  }
0x9c: {  	_ =	swait.ge [sflag:s20], s18  }
0x9d: {  	s3 =	ssub.s32 $0x0, s18;
	[sflag:s20] =	ssyncset.done $0x0  }
0x9e: {  	[sflag:s20] =	ssyncadd.s32 s3;
	_ =	sdelay $0x1  }
0x9f: {  	s21 =	simm.s32 $0x1B8B  }
0xa0: {  	_ =	swait.ge [sflag:s21], $0x1  }
0xa1: {  	[sflag:s21] =	ssyncset.done $0x0  }
0xa2: {  	s23 =	simm.s32 $0x1B8E;
	s22 =	sld [smem:$0x3FFE];
	[sflag:s21] =	ssyncadd.s32 $0xFFFFFFFF  }
0xa3: {  	s24 =	simm.s32 $execute0_lowered;
	[smem:$0x3FD2] =	sst s23  }
0xa4: {  	s4 =	sshll.u32 s24, $0x1;
	_ =	strace $0x80000046;
	[dreg:$0x1] =	wrdreg $0xFFFFFFFF  }
0xa5: {  	s25 =	simm.s32 $_size_execute0_lowered;
	s2 =	sadd.s32 s2, s4;
	[dreg:$0x0] =	wrdreg $0x0  }
0xa6: {  	s4 =	sshll.u32 s25, $0x1;
	[dreg:$0x2] =	wrdreg s2  }
0xa7: {  	[dreg:$0x3] =	wrdreg s4  }
0xa8: {  	[dreg:$0x4] =	wrdreg $0xC0  }
0xa9: {  	_ =	task [dreg:s6], $0x5FFFF  }
0xaa: {  	[dreg:$0x1] =	wrdreg $0xFFFFFFFF  }
0xab: {  	[dreg:$0x0] =	wrdreg $0x60  }
0xac: {  	[dreg:$0x2] =	wrdreg s22  }
0xad: {  	[dreg:$0x3] =	wrdreg s0  }
0xae: {  	[dreg:$0x4] =	wrdreg s16  }
0xaf: {  	[dreg:$0x5] =	wrdreg $0x90800  }
0xb0: {  	[dreg:$0x6] =	wrdreg $0x9  }
0xb1: {  	_ =	task.clear_ibuf [dreg:s6], $0x7FFFF;
	_ =	strace $0x90000046  }
0xb2: {  	s26 =	simm.s32 $0x9;
	_ =	strace $0x80000048  }
0xb3: {  	_ =	swait.ge [sflag:s26], $0x1  }
0xb4: {  	[sflag:s26] =	ssyncadd.s32 $0xFFFFFFFF  }
0xb5: {  	_ =	strace $0x90000048  }
0xb6: {  	_ =	sfence  }
0xb7: {  	s28 =	sld [smem:$0x0];
	_ =	sdelay $0x1  }
0xb8: {  	s29 =	srdreg.scid  }
0xb9: {  	s30 =	sshll.u32 s29, $0xD;
	s31 =	sshrl.u32 s29, $0x2  }
0xba: {  	s1 =	sand.u32 $0x1, s29;
	s2 =	sand.u32 $0x4000, s30;
	s0 =	sadd.s32 s31, s28  }
0xbb: {  	s1 =	sor.u32 s2, s1;
	s0 =	sshll.u32 s0, $0x11  }
0xbc: {  	s0 =	sor.u32 s0, s1  }
0xbd: {  	s0 =	sadd.s32 $0x8F2B, s0  }
0xbe: {  	[sflag:s0] =	ssyncadd.remote.s32 $0x1  }
0xbf: {  	_ =	sfence.sel $0xFFFF  }
0xc0: {  	[dreg:$0x0] =	wrdreg $0xFFFFFFFF;
	(pc) =	sbr.abs _section_cstart, $3  }
0xc1: {  	[dreg:$0x1] =	wrdreg $0xFFFFFFFF  }
0xc2: {  	_ =	task.clear_ibuf [dreg:s6], $0x2FFFF;
	_ =	strace $0x9FFFFFFF  }
0xc3: {  	(tm) =	ssettm $0x7FFFFFFF  }
tec
execute0_lowered:
.L_overlay_start_1:
0x0: {  	(tag) =	ssettag $0x1  }
0x1: {  	s2 =	rddreg [dreg:$0x0]  }
0x2: {  	s3 =	rddreg [dreg:$0x1]  }
0x3: {  	s1 =	rddreg [dreg:$0x2]  }
0x4: {  	s4 =	rddreg [dreg:$0x3];
	s5 =	stileid.u32  }
0x5: {  	s0 =	rddreg [dreg:$0x4];
	s6 =	simm.s32 $0x0;
	s7 =	sshll.u32 s5, $0x7  }
0x6: {  	[smem:$0x7FF] =	sst s6;
	s2 =	sadd.s32 s7, s2  }
0x7: {  	s29 =	simm.s32 $0x1;
	_ =	strace $0x80000047;
	s2 =	sadd.s32 $0x1200, s2  }
0x8: {  	[tilespmem:s6], [sflag:$0x1] =	stream.linear.gather [hbm4b:s2+s6], $0x400, $0x38;
	[tilespmem:$0x9180] =	vst v63  }
0x9: {  	_ =	swait.ge [sflag:s29], $0x400  }
0xa: {  	[sflag:s29] =	ssyncset.done $0x0  }
0xb: {  	s30 =	simm.s32 $0x400;
	s3 =	sadd.s32 s3, s7;
	[sflag:s29] =	ssyncadd.s32 $0xFFFFFC00  }
0xc: {  	[tilespmem:s30], [sflag:$0x1] =	stream.linear.gather [hbm4b:s3+s6], $0x400, $0x38;
	[tilespmem:$0x9180] =	vst v63  }
0xd: {  	_ =	swait.ge [sflag:s29], $0x400  }
0xe: {  	[sflag:s29] =	ssyncset.done $0x0  }
0xf: {  	s31 =	simm.s32 $0x0;
	[sflag:s29] =	ssyncadd.s32 $0xFFFFFC00  }
0x10: {  	v2 =	vld [tilespmem:s31+$0x400]  }
0x11: {  	v1 =	vimm.f32 $0.0e+00  }
0x12: {  	v6 =	vimm.f32 $0.0e+00;
	v15 =	vimm.f32 $0.0e+00;
	v16 =	vimm.f32 $0.0e+00  }
0x13: {  	v11 =	vimm.f32 $0.0e+00;
	v10 =	vimm.f32 $0.0e+00;
	v8 =	vimm.f32 $0.0e+00  }
0x14: {  	v14 =	vimm.f32 $0.0e+00;
	v12 =	vimm.f32 $0.0e+00;
	v18 =	vimm.f32 $0.0e+00;
	v0 =	vld [tilespmem:s31+$0x0]  }
0x15: {  	v9 =	vimm.f32 $0.0e+00;
	vm4 =	veq.s32 v2, $0x0;
	vm7 =	veq.s32 v2, $0x1  }
0x16: {  	vm0 =	veq.s32 v2, $0x3;
	vm1 =	veq.s32 v2, $0x4;
	vm3 =	veq.s32 v2, $0x6  }
0x17: {  	vm2 =	veq.s32 v2, $0x7;
	vm5 =	veq.s32 v2, $0x9;
	vm8 =	veq.s32 v2, $0xF  }
0x18: {  	vm9 =	veq.s32 v2, $0xA;
	vm10 =	veq.s32 v2, $0xB;
	vm6 =	veq.s32 v2, $0x2  }
0x19: {  	vm15 =	veq.s32 v2, $0xC;
	v3 =	vnsel vm0, $0x0, v0;
	v4 =	vnsel vm3, $0x0, v0  }
0x1a: {  	vm0 =	veq.s32 v2, $0x8;
	vm3 =	veq.s32 v2, $0xE;
	v17 =	vnsel vm9, $0x0, v0  }
0x1b: {  	v19 =	vnsel vm7, $0x0, v0;
	vm7 =	veq.s32 v2, $0x5;
	v13 =	vnsel vm8, $0x0, v0  }
0x1c: {  	v5 =	vnsel vm15, $0x0, v0;
	v20 =	vnsel vm10, $0x0, v0;
	v3 =	vadd.f32 v3, v1  }
0x1d: {  	v21 =	vnsel vm7, $0x0, v0;
	vm7 =	veq.s32 v2, $0xD;
	v7 =	vadd.f32 v4, v1  }
0x1e: {  	s2 =	simm.s32 $0x40;
	v2 =	vadd.f32 v5, v1;
	v4 =	vimm.f32 $0.0e+00;
	v5 =	vimm.f32 $0.0e+00  }
.LBB2_1:
0x1f: {  	s3 =	sshra.s32 s2, $0x2;
	p0 =	sne.s32 s2, $0xFC0;
	s2 =	sadd.s32 $0x40, s2;
	v22 =	vnsel vm4, $0x0, v0;
	v1 =	vadd.f32 v21, v1;
	v6 =	vadd.f32 v20, v6  }
0x20: {  	v21 =	vnsel vm2, $0x0, v0;
	v20 =	vld [tilespmem:s3+$0x400];
	v15 =	vadd.f32 v22, v15;
	v22 =	vnsel vm5, $0x0, v0  }
0x21: {  	v16 =	vadd.f32 v19, v16;
	v19 =	vnsel vm7, $0x0, v0;
	v23 =	vnsel vm3, $0x0, v0  }
0x22: {  	v24 =	vnsel vm1, $0x0, v0;
	v11 =	vadd.f32 v21, v11;
	v10 =	vadd.f32 v22, v10  }
0x23: {  	v8 =	vadd.f32 v17, v8;
	v4 =	vadd.f32 v23, v4;
	v22 =	vnsel vm6, $0x0, v0;
	v21 =	vld [tilespmem:s3+$0x0]  }
0x24: {  	v5 =	vadd.f32 v13, v5;
	v14 =	vadd.f32 v24, v14;
	v0 =	vnsel vm0, $0x0, v0  }
0x25: {  	v12 =	vadd.f32 v0, v12;
	vm4 =	veq.s32 v20, $0x0;
	vm7 =	veq.s32 v20, $0x1  }
0x26: {  	v18 =	vadd.f32 v22, v18;
	vm0 =	veq.s32 v20, $0x3;
	vm1 =	veq.s32 v20, $0x4  }
0x27: {  	v9 =	vadd.f32 v19, v9;
	vm3 =	veq.s32 v20, $0x6;
	vm2 =	veq.s32 v20, $0x7  }
0x28: {  	v13 =	vnsel vm0, $0x0, v21;
	v22 =	vnsel vm3, $0x0, v21;
	vm0 =	veq.s32 v20, $0x8;
	v0 =	vmovc v21  }
0x29: {  	vm5 =	veq.s32 v20, $0x9;
	vm8 =	veq.s32 v20, $0xF;
	v3 =	vadd.f32 v13, v3  }
.Ltmp0:
0x2a: {  	vm9 =	veq.s32 v20, $0xA;
	vm10 =	veq.s32 v20, $0xB;
	vm3 =	veq.s32 v20, $0xE;
	(pc) =	sbr.rel @p0 .LBB2_1-.Ltmp0, $4  }
0x2b: {  	vm6 =	veq.s32 v20, $0x2;
	v17 =	vnsel vm9, $0x0, v0;
	vm9 =	veq.s32 v20, $0xC  }
0x2c: {  	v19 =	vnsel vm7, $0x0, v0;
	vm7 =	veq.s32 v20, $0x5;
	v13 =	vnsel vm8, $0x0, v0  }
0x2d: {  	v21 =	vnsel vm7, $0x0, v0;
	v23 =	vnsel vm9, $0x0, v0;
	vm7 =	veq.s32 v20, $0xD  }
0x2e: {  	v7 =	vadd.f32 v22, v7;
	v20 =	vnsel vm10, $0x0, v0;
	v2 =	vadd.f32 v23, v2  }
0x2f: {  	[tilespmem:$0x980] =	vst v3  }
0x30: {  	v16 =	vadd.f32 v19, v16;
	[tilespmem:$0xB00] =	vst v7  }
0x31: {  	v1 =	vadd.f32 v21, v1;
	[tilespmem:$0xE00] =	vst v2  }
0x32: {  	v60 =	vadd.f32 v17, v8;
	[tilespmem:$0x880] =	vst v16  }
0x33: {  	v6 =	vadd.f32 v20, v6;
	[tilespmem:$0xA80] =	vst v1  }
0x34: {  	v22 =	vnsel vm4, $0x0, v0;
	v63 =	vadd.f32 v13, v5;
	[tilespmem:$0xD00] =	vst v60  }
0x35: {  	v55 =	vnsel vm6, $0x0, v0;
	v15 =	vadd.f32 v22, v15;
	[tilespmem:$0xD80] =	vst v6  }
0x36: {  	v56 =	vnsel vm1, $0x0, v0;
	v18 =	vadd.f32 v55, v18;
	[tilespmem:$0xF80] =	vst v63  }
0x37: {  	v57 =	vnsel vm2, $0x0, v0;
	v14 =	vadd.f32 v56, v14;
	[tilespmem:$0x800] =	vst v15  }
0x38: {  	v58 =	vnsel vm0, $0x0, v0;
	v3 =	vadd.f32 v57, v11;
	[tilespmem:$0x900] =	vst v18  }
0x39: {  	v59 =	vnsel vm5, $0x0, v0;
	v11 =	vadd.f32 v58, v12;
	[tilespmem:$0xA00] =	vst v14  }
0x3a: {  	v62 =	vnsel vm3, $0x0, v0;
	v1 =	vadd.f32 v59, v10;
	[tilespmem:$0xB80] =	vst v3  }
0x3b: {  	v61 =	vnsel vm7, $0x0, v0;
	v0 =	vadd.f32 v62, v4;
	[tilespmem:$0xC00] =	vst v11  }
0x3c: {  	[tilespmem:$0xC80] =	vst v1;
	v1 =	vadd.f32 v61, v9  }
0x3d: {  	s2 =	sshll.u32 s5, $0xB;
	[tilespmem:$0xF00] =	vst v0  }
0x3e: {  	s3 =	simm.s32 $0x800;
	s2 =	sadd.s32 s2, s4;
	[tilespmem:$0xE80] =	vst v1  }
0x3f: {  	[spmem:s2] =	stream.linear.scatter [tilespmem:s3], [sflag:$0x1], $0x800, $0x38;
	[tilespmem:$0x9180] =	vst v63  }
0x40: {  	s2 =	simm.s32 $0x1  }
0x41: {  	_ =	swait.ge [sflag:s2], $0x800  }
0x42: {  	[sflag:s2] =	ssyncset.done $0x0  }
0x43: {  	[sflag:s2] =	ssyncadd.s32 $0xFFFFF800  }
0x44: {  	p0 =	sne.s32 s5, $0x0;
	[bflag:$0x0] =	sbarrier.arrive $0xFFFF  }
0x45: {  	_ =	sfence.sel @p0 $0x180000  }
0x46: {  	[bflag:$0x0] =	sbarrier.arrive @p0 $0xFFFF  }
0x47: {  	_ =	strace @p0 $0x90000047  }
0x48: {  	[bflag:$0x2] =	sbarrier.arrive @p0 $0xFFFF  }
0x49: {  	_ =	shalt @p0  }
.LBB2_3:
0x4a: {  	s5 =	simm.s32 $0x1000  }
0x4b: {  	[tilespmem:s5], [sflag:$0x1] =	stream.linear.gather [spmem:s4], $0x8000, $0x38;
	[tilespmem:$0x9180] =	vst v63  }
0x4c: {  	_ =	swait.ge [sflag:s2], $0x8000  }
0x4d: {  	[sflag:s2] =	ssyncset.done $0x0  }
0x4e: {  	[sflag:s2] =	ssyncadd.s32 $0xFFFF8000  }
0x4f: {  	v30 =	vld [tilespmem:$0x1000]  }
0x50: {  	v28 =	vld [tilespmem:$0x1800]  }
0x51: {  	v33 =	vld [tilespmem:$0x2000]  }
0x52: {  	v38 =	vld [tilespmem:$0x2800]  }
0x53: {  	v46 =	vld [tilespmem:$0x3000]  }
0x54: {  	v52 =	vld [tilespmem:$0x3800]  }
0x55: {  	v59 =	vld [tilespmem:$0x4000]  }
0x56: {  	v0 =	vld [tilespmem:$0x4800]  }
0x57: {  	v60 =	vld [tilespmem:$0x5000]  }
0x58: {  	v61 =	vld [tilespmem:$0x5800]  }
0x59: {  	v62 =	vld [tilespmem:$0x6000]  }
0x5a: {  	v63 =	vld [tilespmem:$0x6800]  }
0x5b: {  	v4 =	vld [tilespmem:$0x7000]  }
0x5c: {  	v5 =	vld [tilespmem:$0x7800]  }
0x5d: {  	v6 =	vld [tilespmem:$0x8000]  }
0x5e: {  	v7 =	vld [tilespmem:$0x8800]  }
0x5f: {  	v14 =	vld [tilespmem:$0x1080]  }
0x60: {  	v11 =	vld [tilespmem:$0x1880]  }
0x61: {  	v16 =	vld [tilespmem:$0x2080]  }
0x62: {  	v20 =	vld [tilespmem:$0x2880]  }
0x63: {  	v24 =	vld [tilespmem:$0x3080]  }
0x64: {  	v37 =	vld [tilespmem:$0x3880]  }
0x65: {  	v44 =	vld [tilespmem:$0x4080]  }
0x66: {  	v55 =	vld [tilespmem:$0x4880]  }
0x67: {  	v56 =	vld [tilespmem:$0x5080]  }
0x68: {  	v8 =	vld [tilespmem:$0x6080]  }
0x69: {  	v9 =	vld [tilespmem:$0x6880]  }
0x6a: {  	v10 =	vld [tilespmem:$0x7080]  }
0x6b: {  	v12 =	vld [tilespmem:$0x7880]  }
0x6c: {  	v13 =	vld [tilespmem:$0x8080]  }
0x6d: {  	v15 =	vld [tilespmem:$0x8880]  }
0x6e: {  	v19 =	vld [tilespmem:$0x3900]  }
0x6f: {  	v23 =	vld [tilespmem:$0x4100]  }
0x70: {  	v31 =	vld [tilespmem:$0x4900]  }
0x71: {  	v36 =	vld [tilespmem:$0x5100]  }
0x72: {  	v43 =	vld [tilespmem:$0x5900]  }
0x73: {  	v51 =	vld [tilespmem:$0x6100]  }
0x74: {  	v17 =	vld [tilespmem:$0x7100]  }
0x75: {  	v18 =	vld [tilespmem:$0x7900]  }
0x76: {  	v21 =	vld [tilespmem:$0x8100]  }
0x77: {  	v22 =	vld [tilespmem:$0x8900]  }
0x78: {  	v1 =	vld [tilespmem:$0x1180]  }
0x79: {  	v2 =	vld [tilespmem:$0x2180]  }
0x7a: {  	v3 =	vld [tilespmem:$0x2980]  }
0x7b: {  	v26 =	vld [tilespmem:$0x5980]  }
0x7c: {  	v34 =	vld [tilespmem:$0x6180]  }
0x7d: {  	v40 =	vld [tilespmem:$0x6980]  }
0x7e: {  	v48 =	vld [tilespmem:$0x7180]  }
0x7f: {  	v54 =	vld [tilespmem:$0x7980]  }
0x80: {  	v25 =	vld [tilespmem:$0x8980]  }
0x81: {  	v27 =	vld [tilespmem:$0x1200]  }
0x82: {  	v29 =	vld [tilespmem:$0x1A00]  }
0x83: {  	v32 =	vld [tilespmem:$0x2200]  }
0x84: {  	v35 =	vld [tilespmem:$0x2A00]  }
0x85: {  	v39 =	vld [tilespmem:$0x3200]  }
0x86: {  	v41 =	vld [tilespmem:$0x3A00]  }
0x87: {  	v42 =	vld [tilespmem:$0x4200]  }
0x88: {  	v45 =	vld [tilespmem:$0x4A00]  }
0x89: {  	v47 =	vld [tilespmem:$0x5200]  }
0x8a: {  	v49 =	vld [tilespmem:$0x5A00]  }
0x8b: {  	v50 =	vld [tilespmem:$0x6200]  }
0x8c: {  	v53 =	vld [tilespmem:$0x6A00]  }
0x8d: {  	v57 =	vld [tilespmem:$0x7200]  }
0x8e: {  	v58 =	vld [tilespmem:$0x7A00]  }
0x8f: {  	[tilespmem:$0x1FB00] =	vst v63;
	v63 =	vld [tilespmem:$0x5880]  }
0x90: {  	[tilespmem:$0x1FB40] =	vst v5;
	v5 =	vld [tilespmem:$0x1100]  }
0x91: {  	[tilespmem:$0x1FB20] =	vst v4;
	v4 =	vld [tilespmem:$0x1900]  }
0x92: {  	[tilespmem:$0x1FBA0] =	vst v7;
	v7 =	vld [tilespmem:$0x2100]  }
0x93: {  	[tilespmem:$0x1FB10] =	vst v9;
	v9 =	vld [tilespmem:$0x2900]  }
0x94: {  	[tilespmem:$0x1FBC0] =	vst v15;
	v15 =	vld [tilespmem:$0x3100]  }
0x95: {  	[tilespmem:$0x1FAC0] =	vst v60;
	v60 =	vld [tilespmem:$0x6900]  }
0x96: {  	[tilespmem:$0x1FAB0] =	vst v0;
	v0 =	vld [tilespmem:$0x1980]  }
0x97: {  	[tilespmem:$0x1FB70] =	vst v6;
	v6 =	vld [tilespmem:$0x3180]  }
0x98: {  	[tilespmem:$0x1FAF0] =	vst v8;
	v8 =	vld [tilespmem:$0x3980]  }
0x99: {  	[tilespmem:$0x1FAE0] =	vst v62;
	v62 =	vld [tilespmem:$0x8A00]  }
0x9a: {  	[tilespmem:$0x1FB30] =	vst v10;
	v10 =	vld [tilespmem:$0x4180]  }
0x9b: {  	[tilespmem:$0x1FB50] =	vst v17;
	v17 =	vld [tilespmem:$0x4980]  }
0x9c: {  	[tilespmem:$0x1FBB0] =	vst v21;
	v21 =	vld [tilespmem:$0x5180]  }
0x9d: {  	[tilespmem:$0x1FB60] =	vst v12;
	v12 =	vld [tilespmem:$0x8180]  }
0x9e: {  	[tilespmem:$0x1FE60] =	vst v62;
	v62 =	vld [tilespmem:$0x5300]  }
0x9f: {  	[tilespmem:$0x1FAD0] =	vst v61;
	v61 =	vld [tilespmem:$0x8200]  }
0xa0: {  	[tilespmem:$0x1FCA0] =	vst v45;
	v45 =	vld [tilespmem:$0x1280]  }
0xa1: {  	[tilespmem:$0x1FC80] =	vst v42;
	v42 =	vld [tilespmem:$0x1A80]  }
0xa2: {  	[tilespmem:$0x1FCF0] =	vst v49;
	v49 =	vld [tilespmem:$0x2280]  }
0xa3: {  	[tilespmem:$0x1FD00] =	vst v62;
	v62 =	vld [tilespmem:$0x5B80]  }
0xa4: {  	[tilespmem:$0x1FDE0] =	vst v58;
	v58 =	vld [tilespmem:$0x2A80]  }
0xa5: {  	[tilespmem:$0x1FB80] =	vst v18;
	v18 =	vld [tilespmem:$0x3280]  }
0xa6: {  	[tilespmem:$0x1FBE0] =	vst v22;
	v22 =	vld [tilespmem:$0x3A80]  }
0xa7: {  	[tilespmem:$0x1FC10] =	vst v25;
	v25 =	vld [tilespmem:$0x4280]  }
0xa8: {  	[tilespmem:$0x1FD50] =	vst v62;
	v62 =	vld [tilespmem:$0x6380]  }
0xa9: {  	[tilespmem:$0x1FBF0] =	vst v27;
	v27 =	vld [tilespmem:$0x4A80]  }
0xaa: {  	[tilespmem:$0x1FC00] =	vst v29;
	v29 =	vld [tilespmem:$0x5280]  }
0xab: {  	[tilespmem:$0x1FC20] =	vst v32;
	v32 =	vld [tilespmem:$0x5A80]  }
0xac: {  	[tilespmem:$0x1FC30] =	vst v35;
	v35 =	vld [tilespmem:$0x6280]  }
0xad: {  	[tilespmem:$0x1FD90] =	vst v62;
	v62 =	vld [tilespmem:$0x6B80]  }
0xae: {  	[tilespmem:$0x1FC40] =	vst v39;
	v39 =	vld [tilespmem:$0x6A80]  }
0xaf: {  	[tilespmem:$0x1FC60] =	vst v41;
	v41 =	vld [tilespmem:$0x7280]  }
0xb0: {  	[tilespmem:$0x1FCC0] =	vst v47;
	v47 =	vld [tilespmem:$0x7A80]  }
0xb1: {  	[tilespmem:$0x1FD20] =	vst v50;
	v50 =	vld [tilespmem:$0x8280]  }
0xb2: {  	[tilespmem:$0x1FDD0] =	vst v62;
	v62 =	vld [tilespmem:$0x7380]  }
0xb3: {  	[tilespmem:$0x1FD60] =	vst v53;
	v53 =	vld [tilespmem:$0x8A80]  }
0xb4: {  	[tilespmem:$0x1FDA0] =	vst v57;
	v57 =	vld [tilespmem:$0x4B00]  }
0xb5: {  	[tilespmem:$0x1FB90] =	vst v13;
	v13 =	vld [tilespmem:$0x1380]  }
0xb6: {  	v28 =	vadd.f32 v28, v30;
	v30 =	vld [tilespmem:$0x7400]  }
0xb7: {  	[tilespmem:$0x1FE10] =	vst v62;
	v62 =	vld [tilespmem:$0x7B80]  }
0xb8: {  	[tilespmem:$0x1FCB0] =	vst v27;
	v27 =	vld [tilespmem:$0x1300]  }
0xb9: {  	[tilespmem:$0x1FC90] =	vst v25;
	v25 =	vld [tilespmem:$0x1B00]  }
0xba: {  	[tilespmem:$0x1FD10] =	vst v32;
	v32 =	vld [tilespmem:$0x2300]  }
0xbb: {  	[tilespmem:$0x1FD80] =	vst v39;
	v39 =	vld [tilespmem:$0x2B00]  }
0xbc: {  	[tilespmem:$0x1FE50] =	vst v62;
	v62 =	vld [tilespmem:$0x8380]  }
0xbd: {  	[tilespmem:$0x1FE00] =	vst v47;
	v47 =	vld [tilespmem:$0x3300]  }
0xbe: {  	[tilespmem:$0x1FE80] =	vst v53;
	v53 =	vld [tilespmem:$0x3B00]  }
0xbf: {  	[tilespmem:$0x1FE20] =	vst v61;
	v61 =	vld [tilespmem:$0x4300]  }
0xc0: {  	[tilespmem:$0x1FC50] =	vst v18;
	v18 =	vld [tilespmem:$0x5B00]  }
0xc1: {  	[tilespmem:$0x1FE90] =	vst v62;
	v62 =	vld [tilespmem:$0x8B80]  }
0xc2: {  	[tilespmem:$0x1FC70] =	vst v22;
	v22 =	vld [tilespmem:$0x6300]  }
0xc3: {  	[tilespmem:$0x1FCE0] =	vst v29;
	v29 =	vld [tilespmem:$0x6B00]  }
0xc4: {  	[tilespmem:$0x1FD40] =	vst v35;
	v35 =	vld [tilespmem:$0x7300]  }
0xc5: {  	[tilespmem:$0x1FDC0] =	vst v41;
	v41 =	vld [tilespmem:$0x7B00]  }
0xc6: {  	[tilespmem:$0x1FED0] =	vst v62;
	v62 =	vld [tilespmem:$0x1400]  }
0xc7: {  	[tilespmem:$0x1FE40] =	vst v50;
	v50 =	vld [tilespmem:$0x8300]  }
0xc8: {  	[tilespmem:$0x1FCD0] =	vst v57;
	v57 =	vld [tilespmem:$0x8B00]  }
0xc9: {  	v11 =	vadd.f32 v11, v14;
	[tilespmem:$0x1FBD0] =	vst v12;
	v12 =	vld [tilespmem:$0x1B80]  }
0xca: {  	[tilespmem:$0x1FFA0] =	vst v30;
	v4 =	vadd.f32 v4, v5;
	v5 =	vld [tilespmem:$0x1C80]  }
0xcb: {  	v30 =	vadd.f32 v16, v11;
	[tilespmem:$0x1FEB0] =	vst v62;
	v62 =	vld [tilespmem:$0x1C00]  }
0xcc: {  	v0 =	vadd.f32 v0, v1;
	v16 =	vld [tilespmem:$0x1FAB0]  }
0xcd: {  	v4 =	vadd.f32 v7, v4;
	v11 =	vadd.f32 v20, v30;
	v20 =	vld [tilespmem:$0x5C80]  }
0xce: {  	v30 =	vld [tilespmem:$0x7480]  }
0xcf: {  	v0 =	vadd.f32 v2, v0;
	v14 =	vadd.f32 v9, v4;
	v4 =	vld [tilespmem:$0x2480]  }
0xd0: {  	[tilespmem:$0x1FEC0] =	vst v62;
	v62 =	vld [tilespmem:$0x2400]  }
0xd1: {  	v0 =	vadd.f32 v3, v0;
	v3 =	vld [tilespmem:$0x2C80]  }
0xd2: {  	v7 =	vadd.f32 v24, v11;
	v24 =	vld [tilespmem:$0x6C80]  }
0xd3: {  	v9 =	vld [tilespmem:$0x2500]  }
0xd4: {  	[tilespmem:$0x1FD30] =	vst v18;
	v18 =	vld [tilespmem:$0x2380]  }
0xd5: {  	[tilespmem:$0x1FEE0] =	vst v62;
	v62 =	vld [tilespmem:$0x2C00]  }
0xd6: {  	[tilespmem:$0x1FD70] =	vst v22;
	v22 =	vld [tilespmem:$0x2B80]  }
0xd7: {  	[tilespmem:$0x1FDB0] =	vst v29;
	v29 =	vld [tilespmem:$0x3380]  }
0xd8: {  	[tilespmem:$0x1FDF0] =	vst v35;
	v35 =	vld [tilespmem:$0x3B80]  }
0xd9: {  	[tilespmem:$0x1FE30] =	vst v41;
	v41 =	vld [tilespmem:$0x4380]  }
0xda: {  	[tilespmem:$0x1FEF0] =	vst v62;
	v62 =	vld [tilespmem:$0x3400]  }
0xdb: {  	[tilespmem:$0x1FE70] =	vst v50;
	v50 =	vld [tilespmem:$0x4B80]  }
0xdc: {  	[tilespmem:$0x1FEA0] =	vst v57;
	v57 =	vld [tilespmem:$0x5380]  }
0xdd: {  	v7 =	vadd.f32 v37, v7;
	v37 =	vld [tilespmem:$0x3480]  }
0xde: {  	v2 =	vadd.f32 v15, v14;
	v14 =	vld [tilespmem:$0x1FB30]  }
0xdf: {  	[tilespmem:$0x1FF00] =	vst v62;
	v62 =	vld [tilespmem:$0x3C00]  }
0xe0: {  	[tilespmem:$0x1FF60] =	vst v20;
	v20 =	vld [tilespmem:$0x1FB80]  }
0xe1: {  	[tilespmem:$0x1FFB0] =	vst v30;
	v30 =	vld [tilespmem:$0x1FBB0]  }
0xe2: {  	v15 =	vadd.f32 v44, v7;
	v44 =	vld [tilespmem:$0x4480]  }
0xe3: {  	v2 =	vadd.f32 v19, v2;
	v19 =	vld [tilespmem:$0x1FAC0]  }
0xe4: {  	v0 =	vadd.f32 v6, v0;
	[tilespmem:$0x1FF10] =	vst v62;
	v62 =	vld [tilespmem:$0x4400]  }
0xe5: {  	v7 =	vld [tilespmem:$0x1500]  }
0xe6: {  	v0 =	vadd.f32 v8, v0;
	v8 =	vld [tilespmem:$0x1D00]  }
0xe7: {  	[tilespmem:$0x1FF90] =	vst v24;
	v24 =	vld [tilespmem:$0x1FBA0]  }
0xe8: {  	v6 =	vadd.f32 v55, v15;
	v55 =	vld [tilespmem:$0x5480]  }
0xe9: {  	[tilespmem:$0x1FF20] =	vst v62;
	v62 =	vld [tilespmem:$0x4C00]  }
0xea: {  	v2 =	vadd.f32 v23, v2;
	v23 =	vld [tilespmem:$0x1FAD0]  }
0xeb: {  	v15 =	vld [tilespmem:$0x1FB40]  }
0xec: {  	v0 =	vadd.f32 v10, v0;
	v10 =	vld [tilespmem:$0x8D00]  }
0xed: {  	v2 =	vadd.f32 v31, v2;
	v31 =	vld [tilespmem:$0x1FAE0]  }
0xee: {  	[tilespmem:$0x1FF30] =	vst v62;
	v62 =	vld [tilespmem:$0x5400]  }
0xef: {  	v6 =	vadd.f32 v56, v6;
	v56 =	vld [tilespmem:$0x1FB20]  }
0xf0: {  	v0 =	vadd.f32 v17, v0;
	v17 =	vld [tilespmem:$0x1FB60]  }
0xf1: {  	v8 =	vadd.f32 v8, v7;
	v7 =	vld [tilespmem:$0x6600]  }
0xf2: {  	v2 =	vadd.f32 v36, v2;
	v36 =	vld [tilespmem:$0x7C80]  }
0xf3: {  	[tilespmem:$0x1FF40] =	vst v62;
	v62 =	vld [tilespmem:$0x5C00]  }
0xf4: {  	v6 =	vadd.f32 v63, v6;
	v63 =	vld [tilespmem:$0x8480]  }
0xf5: {  	v0 =	vadd.f32 v21, v0;
	v21 =	vld [tilespmem:$0x1FB90]  }
0xf6: {  	v2 =	vadd.f32 v43, v2;
	v43 =	vld [tilespmem:$0x1FB00]  }
0xf7: {  	v0 =	vadd.f32 v26, v0;
	v26 =	vld [tilespmem:$0x2D00]  }
0xf8: {  	[tilespmem:$0x1FF50] =	vst v62;
	v62 =	vld [tilespmem:$0x6400]  }
0xf9: {  	v0 =	vadd.f32 v34, v0;
	v34 =	vld [tilespmem:$0x1FBC0]  }
0xfa: {  	v2 =	vadd.f32 v51, v2;
	v51 =	vld [tilespmem:$0x1FC10]  }
0xfb: {  	[tilespmem:$0x1FFD0] =	vst v36;
	v36 =	vld [tilespmem:$0x1FBD0]  }
0xfc: {  	v0 =	vadd.f32 v40, v0;
	v40 =	vld [tilespmem:$0x4500]  }
0xfd: {  	v2 =	vadd.f32 v60, v2;
	[tilespmem:$0x1FF70] =	vst v62;
	v62 =	vld [tilespmem:$0x6C00]  }
0xfe: {  	v60 =	vadd.f32 v12, v13;
	v13 =	vld [tilespmem:$0x7500];
	v0 =	vadd.f32 v48, v0  }
0xff: {  	v12 =	vld [tilespmem:$0x8500]  }
0x100: {  	v48 =	vld [tilespmem:$0x1FC00];
	v0 =	vadd.f32 v54, v0  }
0x101: {  	v54 =	vld [tilespmem:$0x1FC20]  }
0x102: {  	v0 =	vadd.f32 v36, v0;
	v36 =	vld [tilespmem:$0x1FC90];
	[tilespmem:$0x1FF80] =	vst v62;
	v62 =	vadd.f32 v33, v28  }
0x103: {  	v33 =	vld [tilespmem:$0x8400]  }
0x104: {  	v28 =	vld [tilespmem:$0x7C00];
	v38 =	vadd.f32 v38, v62  }
0x105: {  	v62 =	vld [tilespmem:$0x8C00]  }
0x106: {  	v1 =	vadd.f32 v46, v38;
	v46 =	vld [tilespmem:$0x4C80]  }
0x107: {  	v38 =	vld [tilespmem:$0x1FAF0]  }
0x108: {  	[tilespmem:$0x1FFE0] =	vst v33;
	v33 =	vld [tilespmem:$0x1480]  }
0x109: {  	[tilespmem:$0x1FFC0] =	vst v28;
	v28 =	vld [tilespmem:$0x6480]  }
0x10a: {  	v1 =	vadd.f32 v52, v1;
	v52 =	vld [tilespmem:$0x1FB10]  }
0x10b: {  	[tilespmem:$0x1FFF0] =	vst v62;
	v62 =	vld [tilespmem:$0x8C80]  }
0x10c: {  	v1 =	vadd.f32 v59, v1;
	v59 =	vld [tilespmem:$0x3C80]  }
0x10d: {  	v6 =	vadd.f32 v38, v6;
	v38 =	vld [tilespmem:$0x1FBE0]  }
0x10e: {  	v1 =	vadd.f32 v16, v1;
	v16 =	vld [tilespmem:$0x1FB50]  }
0x10f: {  	v5 =	vadd.f32 v5, v33;
	v33 =	vld [tilespmem:$0x5600]  }
0x110: {  	v6 =	vadd.f32 v52, v6;
	v52 =	vadd.f32 v42, v45;
	v42 =	vld [tilespmem:$0x1FCB0]  }
0x111: {  	v45 =	vld [tilespmem:$0x1FCD0]  }
0x112: {  	v1 =	vadd.f32 v19, v1;
	v19 =	vld [tilespmem:$0x1FB70]  }
0x113: {  	v4 =	vadd.f32 v4, v5;
	v6 =	vadd.f32 v14, v6;
	v14 =	vld [tilespmem:$0x6D00]  }
0x114: {  	v1 =	vadd.f32 v23, v1;
	v23 =	vld [tilespmem:$0x3D00]  }
0x115: {  	v3 =	vadd.f32 v3, v4;
	v4 =	vld [tilespmem:$0x8E00];
	v6 =	vadd.f32 v17, v6  }
0x116: {  	v17 =	vadd.f32 v51, v0;
	v0 =	vadd.f32 v49, v52;
	v49 =	vld [tilespmem:$0x1FD00]  }
0x117: {  	v51 =	vld [tilespmem:$0x1FD20]  }
0x118: {  	v52 =	vld [tilespmem:$0x1FD30]  }
0x119: {  	v1 =	vadd.f32 v31, v1;
	v31 =	vld [tilespmem:$0x3500]  }
0x11a: {  	v6 =	vadd.f32 v21, v6;
	v0 =	vadd.f32 v58, v0;
	v58 =	vld [tilespmem:$0x1FD80]  }
0x11b: {  	v1 =	vadd.f32 v43, v1;
	v43 =	vld [tilespmem:$0x1FBF0]  }
0x11c: {  	v21 =	vadd.f32 v34, v6;
	v6 =	vadd.f32 v18, v60;
	v18 =	vld [tilespmem:$0x1FC40]  }
0x11d: {  	v34 =	vld [tilespmem:$0x1FC80]  }
0x11e: {  	v60 =	vld [tilespmem:$0x1FD90]  }
0x11f: {  	v1 =	vadd.f32 v56, v1;
	v56 =	vadd.f32 v25, v27;
	v25 =	vld [tilespmem:$0x1FC50]  }
0x120: {  	v27 =	vld [tilespmem:$0x1FC60]  }
0x121: {  	v6 =	vadd.f32 v22, v6;
	v22 =	vld [tilespmem:$0x1D80]  }
0x122: {  	v1 =	vadd.f32 v15, v1;
	v15 =	vld [tilespmem:$0x1FC30]  }
0x123: {  	v6 =	vadd.f32 v29, v6;
	v29 =	vld [tilespmem:$0x3580]  }
0x124: {  	v2 =	vadd.f32 v16, v2;
	v1 =	vadd.f32 v19, v1;
	v19 =	vld [tilespmem:$0x6500]  }
0x125: {  	v0 =	vadd.f32 v25, v0;
	v25 =	vld [tilespmem:$0x2580]  }
0x126: {  	v2 =	vadd.f32 v20, v2;
	v6 =	vadd.f32 v35, v6;
	v35 =	vld [tilespmem:$0x4D80]  }
0x127: {  	v16 =	vadd.f32 v24, v1;
	v24 =	vld [tilespmem:$0x4D00]  }
0x128: {  	v1 =	vadd.f32 v30, v2;
	v30 =	vld [tilespmem:$0x5500]  }
0x129: {  	v2 =	vadd.f32 v32, v56;
	v32 =	vld [tilespmem:$0x1FC70]  }
0x12a: {  	v56 =	vld [tilespmem:$0x1FD60]  }
0x12b: {  	v6 =	vadd.f32 v41, v6;
	v41 =	vld [tilespmem:$0x6580]  }
0x12c: {  	v20 =	vadd.f32 v38, v1;
	v38 =	vld [tilespmem:$0x5D00]  }
0x12d: {  	v2 =	vadd.f32 v39, v2;
	v39 =	vld [tilespmem:$0x1FCA0]  }
0x12e: {  	v1 =	vadd.f32 v48, v43;
	v43 =	vld [tilespmem:$0x1FCC0]  }
0x12f: {  	v48 =	vld [tilespmem:$0x1FCF0]  }
0x130: {  	v6 =	vadd.f32 v50, v6;
	v50 =	vld [tilespmem:$0x1FD10]  }
0x131: {  	v2 =	vadd.f32 v47, v2;
	v47 =	vld [tilespmem:$0x1FCE0]  }
0x132: {  	v1 =	vadd.f32 v54, v1;
	v54 =	vld [tilespmem:$0x1FD50]  }
0x133: {  	v0 =	vadd.f32 v32, v0;
	v32 =	vld [tilespmem:$0x3D80]  }
0x134: {  	v6 =	vadd.f32 v57, v6;
	v57 =	vld [tilespmem:$0x1FD70]  }
0x135: {  	v1 =	vadd.f32 v15, v1;
	v15 =	vld [tilespmem:$0x7D00]  }
0x136: {  	v2 =	vadd.f32 v53, v2;
	v53 =	vld [tilespmem:$0x1FD40]  }
0x137: {  	v0 =	vadd.f32 v36, v0;
	v36 =	vld [tilespmem:$0x5580]  }
0x138: {  	v1 =	vadd.f32 v18, v1;
	v18 =	vld [tilespmem:$0x1580]  }
0x139: {  	v2 =	vadd.f32 v61, v2;
	v61 =	vld [tilespmem:$0x1FDA0]  }
0x13a: {  	v0 =	vadd.f32 v42, v0;
	v42 =	vld [tilespmem:$0x6D80]  }
0x13b: {  	v6 =	vadd.f32 v54, v6;
	v54 =	vld [tilespmem:$0x1FE10]  }
0x13c: {  	v1 =	vadd.f32 v27, v1;
	v27 =	vld [tilespmem:$0x2D80]  }
0x13d: {  	v2 =	vadd.f32 v45, v2;
	v45 =	vld [tilespmem:$0x7D80]  }
0x13e: {  	v0 =	vadd.f32 v47, v0;
	v47 =	vld [tilespmem:$0x8580]  }
0x13f: {  	v6 =	vadd.f32 v60, v6;
	v60 =	vld [tilespmem:$0x1FE50]  }
0x140: {  	v1 =	vadd.f32 v34, v1;
	v34 =	vld [tilespmem:$0x4580]  }
0x141: {  	v2 =	vadd.f32 v49, v2;
	v49 =	vld [tilespmem:$0x1FDC0]  }
0x142: {  	v0 =	vadd.f32 v50, v0;
	v50 =	vld [tilespmem:$0x1FDD0]  }
0x143: {  	v1 =	vadd.f32 v39, v1;
	v39 =	vld [tilespmem:$0x5D80]  }
0x144: {  	v2 =	vadd.f32 v52, v2;
	v52 =	vld [tilespmem:$0x1FDF0]  }
0x145: {  	v0 =	vadd.f32 v53, v0;
	v53 =	vld [tilespmem:$0x1FE00]  }
0x146: {  	v1 =	vadd.f32 v43, v1;
	v43 =	vld [tilespmem:$0x7580]  }
0x147: {  	v2 =	vadd.f32 v57, v2;
	v57 =	vld [tilespmem:$0x1FE30]  }
0x148: {  	v0 =	vadd.f32 v58, v0;
	v58 =	vld [tilespmem:$0x1FE40];
	v1 =	vadd.f32 v48, v1  }
0x149: {  	v48 =	vld [tilespmem:$0x1FDB0]  }
0x14a: {  	v6 =	vadd.f32 v50, v6;
	v50 =	vld [tilespmem:$0x1E00];
	v1 =	vadd.f32 v51, v1  }
0x14b: {  	v51 =	vld [tilespmem:$0x1FDE0]  }
0x14c: {  	v0 =	vadd.f32 v49, v0;
	v49 =	vld [tilespmem:$0x1600];
	v1 =	vadd.f32 v56, v1  }
0x14d: {  	v6 =	vadd.f32 v54, v6;
	v56 =	vld [tilespmem:$0x1FE20]  }
0x14e: {  	v54 =	vld [tilespmem:$0x1FE70];
	v2 =	vadd.f32 v48, v2;
	v1 =	vadd.f32 v61, v1  }
0x14f: {  	v0 =	vadd.f32 v53, v0;
	v6 =	vadd.f32 v60, v6;
	v61 =	vld [tilespmem:$0x1FE60]  }
0x150: {  	v60 =	vld [tilespmem:$0x1FEB0];
	v2 =	vadd.f32 v52, v2;
	v1 =	vadd.f32 v51, v1  }
0x151: {  	v0 =	vadd.f32 v58, v0;
	v58 =	vld [tilespmem:$0x1FEA0]  }
0x152: {  	v11 =	vadd.f32 v57, v2;
	v57 =	vld [tilespmem:$0x1FE90];
	v1 =	vadd.f32 v56, v1  }
0x153: {  	v56 =	vld [tilespmem:$0x1FE80]  }
0x154: {  	v2 =	vadd.f32 v61, v1;
	v61 =	vld [tilespmem:$0x1FEC0]  }
0x155: {  	v53 =	vld [tilespmem:$0x3600]  }
0x156: {  	v48 =	vld [tilespmem:$0x8D80]  }
0x157: {  	v52 =	vld [tilespmem:$0x2E00];
	v11 =	vadd.f32 v54, v11  }
0x158: {  	v51 =	vld [tilespmem:$0x2600];
	v1 =	vadd.f32 v56, v0;
	v0 =	vadd.f32 v57, v6  }
0x159: {  	v6 =	vadd.f32 v58, v11;
	v11 =	vadd.f32 v61, v60;
	v61 =	vld [tilespmem:$0x1FEE0]  }
0x15a: {  	v60 =	vld [tilespmem:$0x1FED0]  }
0x15b: {  	v54 =	vld [tilespmem:$0x3E00]  }
0x15c: {  	v56 =	vld [tilespmem:$0x4600]  }
0x15d: {  	v57 =	vld [tilespmem:$0x4E00]  }
0x15e: {  	v58 =	vadd.f32 v61, v11;
	v11 =	vld [tilespmem:$0x5E00]  }
0x15f: {  	v0 =	vadd.f32 v60, v0;
	v60 =	vld [tilespmem:$0x1FEF0];
	v61 =	vadd.f32 v9, v8  }
0x160: {  	v9 =	vld [tilespmem:$0x6E00]  }
0x161: {  	v5 =	vadd.f32 v22, v18;
	v8 =	vld [tilespmem:$0x7600];
	v22 =	vadd.f32 v26, v61  }
0x162: {  	v61 =	vadd.f32 v37, v3;
	v3 =	vld [tilespmem:$0x8600]  }
0x163: {  	v22 =	vadd.f32 v31, v22;
	v31 =	vld [tilespmem:$0x2E80]  }
0x164: {  	v18 =	vadd.f32 v60, v58;
	v60 =	vld [tilespmem:$0x1FF00]  }
0x165: {  	v58 =	vadd.f32 v25, v5;
	v5 =	vld [tilespmem:$0x7E00]  }
0x166: {  	v25 =	vadd.f32 v59, v61;
	v61 =	vld [tilespmem:$0x1FF30]  }
0x167: {  	v59 =	vld [tilespmem:$0x1FFA0]  }
0x168: {  	v22 =	vadd.f32 v23, v22;
	v23 =	vld [tilespmem:$0x1E80]  }
0x169: {  	v37 =	vadd.f32 v27, v58;
	v58 =	vld [tilespmem:$0x1FF10]  }
0x16a: {  	v27 =	vld [tilespmem:$0x1680]  }
0x16b: {  	v25 =	vadd.f32 v44, v25;
	v44 =	vld [tilespmem:$0x1FF60]  }
0x16c: {  	v22 =	vadd.f32 v40, v22;
	v40 =	vld [tilespmem:$0x1FF50]  }
0x16d: {  	v26 =	vadd.f32 v29, v37;
	v29 =	vld [tilespmem:$0x2680]  }
0x16e: {  	v37 =	vld [tilespmem:$0x1FF40]  }
0x16f: {  	v25 =	vadd.f32 v46, v25;
	v46 =	vld [tilespmem:$0x1FF70]  }
0x170: {  	v18 =	vadd.f32 v60, v18;
	v60 =	vld [tilespmem:$0x1FF20]  }
0x171: {  	v22 =	vadd.f32 v24, v22;
	v24 =	vld [tilespmem:$0x3E80]  }
0x172: {  	v26 =	vadd.f32 v32, v26;
	v32 =	vld [tilespmem:$0x3680]  }
0x173: {  	v25 =	vadd.f32 v55, v25;
	v55 =	vld [tilespmem:$0x1FF80]  }
0x174: {  	v22 =	vadd.f32 v30, v22;
	v30 =	vld [tilespmem:$0x4E80]  }
0x175: {  	v18 =	vadd.f32 v58, v18;
	v58 =	vld [tilespmem:$0x1FF90]  }
0x176: {  	v26 =	vadd.f32 v34, v26;
	v34 =	vld [tilespmem:$0x4680]  }
0x177: {  	v23 =	vadd.f32 v23, v27;
	v25 =	vadd.f32 v44, v25;
	v44 =	vld [tilespmem:$0x1FFE0]  }
0x178: {  	v22 =	vadd.f32 v38, v22;
	v38 =	vld [tilespmem:$0x8680]  }
0x179: {  	v23 =	vadd.f32 v29, v23;
	v29 =	vld [tilespmem:$0x7F00]  }
0x17a: {  	v18 =	vadd.f32 v60, v18;
	v26 =	vadd.f32 v35, v26;
	v35 =	vld [tilespmem:$0x5680]  }
0x17b: {  	v25 =	vadd.f32 v28, v25;
	v28 =	vld [tilespmem:$0x6680]  }
0x17c: {  	v60 =	vld [tilespmem:$0x1FFB0];
	v18 =	vadd.f32 v61, v18;
	v26 =	vadd.f32 v36, v26  }
0x17d: {  	v19 =	vadd.f32 v19, v22;
	v22 =	vld [tilespmem:$0x6E80]  }
0x17e: {  	v36 =	vld [tilespmem:$0x5E80];
	v18 =	vadd.f32 v37, v18;
	v26 =	vadd.f32 v39, v26  }
0x17f: {  	v25 =	vadd.f32 v58, v25;
	v61 =	vld [tilespmem:$0x1FFC0]  }
0x180: {  	v58 =	vld [tilespmem:$0x1F80];
	v18 =	vadd.f32 v40, v18;
	v26 =	vadd.f32 v41, v26  }
0x181: {  	v23 =	vadd.f32 v31, v23;
	v14 =	vadd.f32 v14, v19;
	v19 =	vld [tilespmem:$0x7E80]  }
0x182: {  	v18 =	vadd.f32 v46, v18;
	v26 =	vadd.f32 v42, v26;
	v42 =	vld [tilespmem:$0x1FFD0]  }
0x183: {  	v23 =	vadd.f32 v32, v23;
	v37 =	vld [tilespmem:$0x7680];
	v13 =	vadd.f32 v13, v14  }
0x184: {  	v39 =	vld [tilespmem:$0x1700];
	v25 =	vadd.f32 v60, v25;
	v18 =	vadd.f32 v55, v18  }
0x185: {  	v60 =	vadd.f32 v50, v49;
	v49 =	vld [tilespmem:$0x4780];
	v13 =	vadd.f32 v15, v13  }
0x186: {  	v23 =	vadd.f32 v24, v23;
	v46 =	vld [tilespmem:$0x1780];
	v18 =	vadd.f32 v59, v18  }
0x187: {  	v15 =	vld [tilespmem:$0x1F00];
	v12 =	vadd.f32 v12, v13;
	v25 =	vadd.f32 v42, v25  }
0x188: {  	v26 =	vadd.f32 v43, v26;
	v18 =	vadd.f32 v61, v18;
	v61 =	vld [tilespmem:$0x2780]  }
0x189: {  	v10 =	vadd.f32 v10, v12;
	v59 =	vld [tilespmem:$0x2700];
	v25 =	vadd.f32 v63, v25  }
0x18a: {  	v12 =	vadd.f32 v51, v60;
	v26 =	vadd.f32 v45, v26;
	v63 =	vld [tilespmem:$0x2F80]  }
0x18b: {  	v13 =	vadd.f32 v58, v46;
	v25 =	vadd.f32 v62, v25;
	v62 =	vld [tilespmem:$0x2F00]  }
0x18c: {  	v15 =	vadd.f32 v15, v39;
	v45 =	vld [tilespmem:$0x3780];
	v12 =	vadd.f32 v52, v12  }
0x18d: {  	v18 =	vadd.f32 v44, v18;
	v44 =	vld [tilespmem:$0x3700];
	v13 =	vadd.f32 v61, v13  }
0x18e: {  	v26 =	vadd.f32 v47, v26;
	v47 =	vld [tilespmem:$0x3F80];
	v15 =	vadd.f32 v59, v15  }
0x18f: {  	v23 =	vadd.f32 v34, v23;
	v46 =	vld [tilespmem:$0x3F00];
	v13 =	vadd.f32 v63, v13  }
0x190: {  	v55 =	vld [tilespmem:$0x1FFF0];
	v12 =	vadd.f32 v53, v12;
	v15 =	vadd.f32 v62, v15  }
0x191: {  	v26 =	vadd.f32 v48, v26;
	v48 =	vld [tilespmem:$0x4700];
	v13 =	vadd.f32 v45, v13  }
0x192: {  	v51 =	vld [tilespmem:$0x4F80];
	v12 =	vadd.f32 v54, v12;
	v15 =	vadd.f32 v44, v15  }
0x193: {  	v50 =	vld [tilespmem:$0x4F00];
	v23 =	vadd.f32 v30, v23;
	v13 =	vadd.f32 v47, v13  }
0x194: {  	v53 =	vld [tilespmem:$0x5780];
	v12 =	vadd.f32 v56, v12;
	v15 =	vadd.f32 v46, v15  }
0x195: {  	v52 =	vld [tilespmem:$0x5700];
	v18 =	vadd.f32 v55, v18;
	v13 =	vadd.f32 v49, v13  }
0x196: {  	v55 =	vld [tilespmem:$0x5F80];
	v12 =	vadd.f32 v57, v12;
	v15 =	vadd.f32 v48, v15  }
0x197: {  	v23 =	vadd.f32 v35, v23;
	v54 =	vld [tilespmem:$0x5F00];
	v13 =	vadd.f32 v51, v13  }
0x198: {  	v58 =	vld [tilespmem:$0x6780];
	v12 =	vadd.f32 v33, v12;
	v15 =	vadd.f32 v50, v15  }
0x199: {  	v23 =	vadd.f32 v36, v23;
	v56 =	vld [tilespmem:$0x6700];
	v13 =	vadd.f32 v53, v13  }
0x19a: {  	v61 =	vld [tilespmem:$0x6F80];
	v11 =	vadd.f32 v11, v12;
	v57 =	vadd.f32 v52, v15  }
0x19b: {  	[tilespmem:$0x980] =	vst v17;
	v59 =	vld [tilespmem:$0x6F00];
	v62 =	vadd.f32 v28, v23;
	v13 =	vadd.f32 v55, v13  }
0x19c: {  	[tilespmem:$0x880] =	vst v21;
	v28 =	vld [tilespmem:$0x7780];
	v7 =	vadd.f32 v7, v11;
	v60 =	vadd.f32 v54, v57  }
0x19d: {  	[tilespmem:$0x800] =	vst v16;
	v63 =	vld [tilespmem:$0x7700];
	v16 =	vadd.f32 v22, v62;
	v13 =	vadd.f32 v58, v13  }
0x19e: {  	[tilespmem:$0x900] =	vst v20;
	v32 =	vld [tilespmem:$0x7F80];
	v7 =	vadd.f32 v9, v7;
	v24 =	vadd.f32 v56, v60  }
0x19f: {  	[tilespmem:$0xA00] =	vst v2;
	v14 =	vld [tilespmem:$0x8E80];
	v33 =	vadd.f32 v37, v16;
	v34 =	vadd.f32 v61, v13  }
0x1a0: {  	[tilespmem:$0xA80] =	vst v1;
	v37 =	vld [tilespmem:$0x8780];
	v30 =	vadd.f32 v8, v7;
	v31 =	vadd.f32 v59, v24  }
0x1a1: {  	[tilespmem:$0xB00] =	vst v6;
	v35 =	vld [tilespmem:$0x8700];
	v39 =	vadd.f32 v19, v33;
	v40 =	vadd.f32 v28, v34  }
0x1a2: {  	[tilespmem:$0xB80] =	vst v0;
	v43 =	vld [tilespmem:$0x8F80];
	v2 =	vadd.f32 v5, v30;
	v36 =	vadd.f32 v63, v31  }
0x1a3: {  	v41 =	vld [tilespmem:$0x8F00];
	[tilespmem:$0xD00] =	vst v10;
	v0 =	vadd.f32 v38, v39;
	v1 =	vadd.f32 v32, v40  }
0x1a4: {  	[tilespmem:$0xD80] =	vst v26;
	v44 =	vlaneseq.u32;
	v2 =	vadd.f32 v3, v2;
	v42 =	vadd.f32 v29, v36  }
0x1a5: {  	[tilespmem:$0xC80] =	vst v25;
	v45 =	vmul.u32 $0x80, v44;
	v0 =	vadd.f32 v14, v0;
	v1 =	vadd.f32 v37, v1  }
0x1a6: {  	[tilespmem:$0xC00] =	vst v18;
	v2 =	vadd.f32 v4, v2;
	v3 =	vadd.f32 v35, v42  }
0x1a7: {  	[tilespmem:$0xE80] =	vst v0;
	v47 =	vadd.f32 v43, v1  }
0x1a8: {  	v48 =	vor.u32 $0x1, v45;
	[tilespmem:$0xE00] =	vst v2;
	v46 =	vadd.f32 v41, v3  }
0x1a9: {  	[tilespmem:$0xF80] =	vst v47  }
0x1aa: {  	v49 =	vor.u32 $0x2, v45;
	[tilespmem:$0xF00] =	vst v46  }
0x1ab: {  	v2 =	vld.idx.msk [tilespmem:v45+s3+$0x0], $0xffff  }
0x1ac: {  	v50 =	vor.u32 $0x3, v45  }
0x1ad: {  	v1 =	vld.idx.msk [tilespmem:v48+s3+$0x0], $0xffff  }
0x1ae: {  	v51 =	vor.u32 $0x4, v45  }
0x1af: {  	v0 =	vld.idx.msk [tilespmem:v49+s3+$0x0], $0xffff  }
0x1b0: {  	v52 =	vor.u32 $0x5, v45;
	v2 =	vadd.f32 $0.0e+00, v2  }
0x1b1: {  	v3 =	vld.idx.msk [tilespmem:v50+s3+$0x0], $0xffff  }
0x1b2: {  	v53 =	vor.u32 $0x6, v45;
	v1 =	vadd.f32 v1, v2  }
0x1b3: {  	v5 =	vld.idx.msk [tilespmem:v51+s3+$0x0], $0xffff  }
0x1b4: {  	v54 =	vor.u32 $0x7, v45;
	v0 =	vadd.f32 v0, v1  }
0x1b5: {  	v6 =	vld.idx.msk [tilespmem:v52+s3+$0x0], $0xffff  }
0x1b6: {  	v55 =	vor.u32 $0x8, v45;
	v0 =	vadd.f32 v3, v0  }
0x1b7: {  	v2 =	vld.idx.msk [tilespmem:v53+s3+$0x0], $0xffff  }
0x1b8: {  	v56 =	vor.u32 $0x9, v45;
	v0 =	vadd.f32 v5, v0  }
0x1b9: {  	v1 =	vld.idx.msk [tilespmem:v54+s3+$0x0], $0xffff  }
0x1ba: {  	v57 =	vor.u32 $0xA, v45;
	v0 =	vadd.f32 v6, v0  }
0x1bb: {  	v3 =	vld.idx.msk [tilespmem:v55+s3+$0x0], $0xffff  }
0x1bc: {  	v58 =	vor.u32 $0xB, v45;
	v0 =	vadd.f32 v2, v0  }
0x1bd: {  	v5 =	vld.idx.msk [tilespmem:v56+s3+$0x0], $0xffff  }
0x1be: {  	v59 =	vor.u32 $0xC, v45;
	v0 =	vadd.f32 v1, v0  }
0x1bf: {  	v6 =	vld.idx.msk [tilespmem:v57+s3+$0x0], $0xffff  }
0x1c0: {  	v60 =	vor.u32 $0xD, v45;
	v0 =	vadd.f32 v3, v0  }
0x1c1: {  	v2 =	vld.idx.msk [tilespmem:v58+s3+$0x0], $0xffff  }
0x1c2: {  	v61 =	vor.u32 $0xE, v45;
	v0 =	vadd.f32 v5, v0  }
0x1c3: {  	v1 =	vld.idx.msk [tilespmem:v59+s3+$0x0], $0xffff  }
0x1c4: {  	v4 =	vor.u32 $0xF, v45;
	v0 =	vadd.f32 v6, v0  }
0x1c5: {  	v3 =	vld.idx.msk [tilespmem:v60+s3+$0x0], $0xffff  }
0x1c6: {  	v0 =	vadd.f32 v2, v0  }
0x1c7: {  	v62 =	vld.idx.msk [tilespmem:v61+s3+$0x0], $0xffff  }
0x1c8: {  	v0 =	vadd.f32 v1, v0  }
0x1c9: {  	v63 =	vld.idx.msk [tilespmem:v4+s3+$0x0], $0xffff  }
0x1ca: {  	v0 =	vadd.f32 v3, v0;
	_ =	sdelay $0x1  }
0x1cb: {  	v0 =	vadd.f32 v62, v0;
	_ =	sdelay $0x1  }
0x1cc: {  	v0 =	vadd.f32 v63, v0;
	_ =	sdelay $0x1  }
0x1cd: {  	s30 =	simm.s32 $0x0;
	s31 =	simm.s32 $0x9000;
	[tilespmem:$0x9000] =	vst v0  }
0x1ce: {  	[hbm4b:s1+s30] =	stream.linear.scatter [tilespmem:s31], [sflag:$0x1], $0x80, $0x38;
	[tilespmem:$0x9180] =	vst v63  }
0x1cf: {  	_ =	swait.ge [sflag:s2], $0x80  }
0x1d0: {  	[sflag:s2] =	ssyncset.done $0x0  }
0x1d1: {  	[sflag:s2] =	ssyncadd.s32 $0xFFFFFF80  }
0x1d2: {  	_ =	sfence.sel $0x180000  }
0x1d3: {  	[bflag:$0x0] =	sbarrier.arrive $0xFFFF  }
0x1d4: {  	_ =	strace $0x90000047  }
0x1d5: {  	s0 =	sadd.s32 $0x100000, s0;
	[bflag:$0x2] =	sbarrier.arrive $0xFFFF  }
0x1d6: {  	[sflag:s0] =	ssyncadd.tile.s32 $0x1;
	_ =	shalt  }
.Lfunc_end2:
_tile_overlayer_lowered:
.L_overlay_start_2:
0x1d7: {  	(tag) =	ssettag $0x2  }
0x1d8: {  	s0 =	rddreg [dreg:$0x0];
	s2 =	stileid.u32  }
0x1d9: {  	s1 =	rddreg [dreg:$0x1];
	p0 =	sne.s32 s2, $0x0  }
0x1da: {  	s3 =	rddreg [dreg:$0x2];
	[bflag:$0x3] =	sbarrier.arrive $0xFFFF;
	s2 =	simm.s32 @!p0 $0x1C01  }
0x1db: {  	[timem:s3], [sflag:s2] =	dma.local @!p0 [hbm:s0], s1  }
0x1dc: {  	s0 =	simm.s32 @!p0 $0x1  }
0x1dd: {  	_ =	swait.ge @!p0 [sflag:s0], s1  }
0x1de: {  	s1 =	ssub.s32 @!p0 $0x0, s1;
	[sflag:s0] =	ssyncset.done @!p0 $0x0  }
0x1df: {  	[sflag:s0] =	ssyncadd.s32 @!p0 s1  }
0x1e0: {  	[bflag:$0x3] =	sbarrier.arrive $0xFFFF  }
0x1e1: {  	_ =	shalt  }

</sc_bundles>
